<compile_context>
chip_gen: v7x
topology: tpu7x:2x2x1
jax: 0.10.2.dev20260603
libtpu: 0.0.44.dev20260713+nightly
codegen_flags: <defaults>
</compile_context>

<pallas_src>
import functools

import jax
import jax.numpy as jnp
from jax import lax
from jax.experimental import pallas as pl
from jax.experimental.pallas import tpu as pltpu
from jax.experimental.pallas import tpu_sc as plsc

B, N, DIM, DEPTH, K, HID, NC = 4, 2048, 64, 2, 16, 128, 13
EPS = 1e-5
RB = 256
NB = 256
NBLK = N // NB
NBK = NB * K



def _knn_body(p_ref, pt_ref, o_ref):
    p = p_ref[0]
    pt = pt_ref[0]
    sqr = jnp.sum(p * p, axis=1, keepdims=True)
    sqa = jnp.sum(pt * pt, axis=0, keepdims=True)
    dot = lax.dot_general(p.astype(jnp.bfloat16), pt.astype(jnp.bfloat16),
                          (((1,), (0,)), ((), ())),
                          preferred_element_type=jnp.float32)
    d = (sqr + sqa) - 2.0 * dot
    H = N // 2
    left, right = d[:, :H], d[:, H:]
    lt = left <= right
    dlo = jnp.minimum(left, right)
    dhi = jnp.maximum(left, right)
    colsh = lax.broadcasted_iota(jnp.int32, (RB, H), 1)
    ilo = jnp.where(lt, colsh, colsh + H)
    ihi = jnp.where(lt, colsh + H, colsh)
    kcols = lax.broadcasted_iota(jnp.int32, (RB, K), 1)
    kidx = jnp.zeros((RB, K), jnp.int32)
    for j in range(K):
        m = jnp.min(dlo, axis=1, keepdims=True)
        am = jnp.min(jnp.where(dlo == m, ilo, N), axis=1, keepdims=True)
        kidx = jnp.where(kcols == j, am, kidx)
        pm = ilo == am
        dlo = jnp.where(pm, dhi, dlo)
        ilo = jnp.where(pm, ihi, ilo)
        dhi = jnp.where(pm, jnp.float32(jnp.inf), dhi)
    o_ref[0] = kidx + pl.program_id(0) * N


def _knn(points, pT):
    return pl.pallas_call(
        _knn_body,
        grid=(B, N // RB),
        in_specs=[
            pl.BlockSpec((1, RB, 3), lambda b, r: (b, r, 0)),
            pl.BlockSpec((1, 3, N), lambda b, r: (b, 0, 0)),
        ],
        out_specs=pl.BlockSpec((1, RB, K), lambda b, r: (b, r, 0)),
        out_shape=jax.ShapeDtypeStruct((B, N, K), jnp.int32),
    )(points, pT)



def _make_sc_gather(R, D, M):
    NW = 32
    Mw = M // NW
    CH = min(Mw, 65536 // D)
    NCH = Mw // CH
    mesh = plsc.VectorSubcoreMesh(core_axis_name="c", subcore_axis_name="s")

    @functools.partial(
        pl.kernel,
        mesh=mesh,
        compiler_params=pltpu.CompilerParams(use_tc_tiling_on_sc=False),
        out_type=jax.ShapeDtypeStruct((M, D), jnp.float32),
        scratch_types=[
            pltpu.VMEM((CH,), jnp.int32),
            pltpu.VMEM((CH, D), jnp.float32),
            pltpu.SemaphoreType.DMA,
        ],
    )
    def g(tab_hbm, idx_hbm, out_hbm, idx_v, rows_v, sem):
        wid = lax.axis_index("s") * 2 + lax.axis_index("c")
        base = wid * Mw
        for c in range(NCH):
            off = base + c * CH
            pltpu.sync_copy(idx_hbm.at[pl.ds(off, CH)], idx_v)
            pltpu.async_copy(tab_hbm.at[idx_v], rows_v, sem).wait()
            pltpu.sync_copy(rows_v, out_hbm.at[pl.ds(off, CH)])

    return g



def _acc_stats(acc_ref, st_ref, s, sq, nblk_last):
    first = (pl.program_id(0) == 0) & (pl.program_id(1) == 0)
    last = (pl.program_id(0) == B - 1) & (pl.program_id(1) == nblk_last)

    @pl.when(first)
    def _():
        acc_ref[...] = jnp.zeros_like(acc_ref)

    c = s.shape[-1]
    acc_ref[0:1] = acc_ref[0:1] + s.reshape(1, c)
    acc_ref[1:2] = acc_ref[1:2] + sq.reshape(1, c)

    @pl.when(last)
    def _():
        st_ref[...] = acc_ref[...]


def _embed_body(p_ref, w_ref, e_ref, st_ref, acc_ref):
    p = p_ref[0]
    w = w_ref[...]
    e = lax.dot_general(p.astype(jnp.bfloat16), w.astype(jnp.bfloat16),
                        (((1,), (0,)), ((), ())),
                        preferred_element_type=jnp.float32)
    e_ref[0] = e
    first = pl.program_id(0) == 0
    last = pl.program_id(0) == B - 1

    @pl.when(first)
    def _():
        acc_ref[...] = jnp.zeros_like(acc_ref)

    acc_ref[0:1] = acc_ref[0:1] + jnp.sum(e, axis=0).reshape(1, DIM)
    acc_ref[1:2] = acc_ref[1:2] + jnp.sum(e * e, axis=0).reshape(1, DIM)

    @pl.when(last)
    def _():
        st_ref[...] = acc_ref[...]


def _embed(points, WeT):
    return pl.pallas_call(
        _embed_body,
        grid=(B,),
        in_specs=[
            pl.BlockSpec((1, N, 3), lambda b: (b, 0, 0)),
            pl.BlockSpec((3, DIM), lambda b: (0, 0)),
        ],
        out_specs=[
            pl.BlockSpec((1, N, DIM), lambda b: (b, 0, 0)),
            pl.BlockSpec((8, DIM), lambda b: (0, 0)),
        ],
        out_shape=[
            jax.ShapeDtypeStruct((B, N, DIM), jnp.float32),
            jax.ShapeDtypeStruct((8, DIM), jnp.float32),
        ],
        scratch_shapes=[pltpu.VMEM((8, DIM), jnp.float32)],
    )(points, WeT)


def _bf(x):
    return x.astype(jnp.bfloat16)


def _mm(a, b):
    return lax.dot_general(_bf(a), _bf(b), (((a.ndim - 1,), (0,)), ((), ())),
                           preferred_element_type=jnp.float32)


def _qkv_body(act, xp_ref, sc_ref, sh_ref, wq_ref, wk_ref, wv_ref,
              x_ref, q_ref, kv_ref):
    x = xp_ref[0] * sc_ref[...] + sh_ref[...]
    if act:
        x = jnp.maximum(x, 0.0)
    x_ref[0] = x
    q_ref[0] = _mm(x, wq_ref[...])
    kv_ref[0, :, :DIM] = _mm(x, wk_ref[...])
    kv_ref[0, :, DIM:] = _mm(x, wv_ref[...])


def _qkv(x_pre, sc, sh, act, WqT, WkT, WvT):
    return pl.pallas_call(
        functools.partial(_qkv_body, act),
        grid=(B,),
        in_specs=[
            pl.BlockSpec((1, N, DIM), lambda b: (b, 0, 0)),
            pl.BlockSpec((1, DIM), lambda b: (0, 0)),
            pl.BlockSpec((1, DIM), lambda b: (0, 0)),
            pl.BlockSpec((DIM, DIM), lambda b: (0, 0)),
            pl.BlockSpec((DIM, DIM), lambda b: (0, 0)),
            pl.BlockSpec((DIM, DIM), lambda b: (0, 0)),
        ],
        out_specs=[
            pl.BlockSpec((1, N, DIM), lambda b: (b, 0, 0)),
            pl.BlockSpec((1, N, DIM), lambda b: (b, 0, 0)),
            pl.BlockSpec((1, N, 2 * DIM), lambda b: (b, 0, 0)),
        ],
        out_shape=[
            jax.ShapeDtypeStruct((B, N, DIM), jnp.float32),
            jax.ShapeDtypeStruct((B, N, DIM), jnp.float32),
            jax.ShapeDtypeStruct((B, N, 2 * DIM), jnp.float32),
        ],
    )(x_pre, sc, sh, WqT, WkT, WvT)


def _dot3(a, w):
    return lax.dot_general(_bf(a), _bf(w), (((2,), (0,)), ((), ())),
                           preferred_element_type=jnp.float32)


def _pd_body(p_ref, xn_ref, pd_ref, st_ref, acc_ref):
    p16 = p_ref[0]
    xn = xn_ref[0]
    pd = (p16[:, None, :] - xn.reshape(NB, K, 16)).reshape(NBK, 16)
    pd_ref[0] = pd
    s1 = jnp.sum(pd, axis=0)
    s2 = jnp.sum(pd * pd, axis=0)
    r1 = jnp.sum(pd * jnp.roll(pd, -1, axis=1), axis=0)
    r2 = jnp.sum(pd * jnp.roll(pd, -2, axis=1), axis=0)
    first = (pl.program_id(0) == 0) & (pl.program_id(1) == 0)
    last = (pl.program_id(0) == B - 1) & (pl.program_id(1) == NBLK - 1)

    @pl.when(first)
    def _():
        acc_ref[...] = jnp.zeros_like(acc_ref)

    acc_ref[0:1] = acc_ref[0:1] + s1.reshape(1, 16)
    acc_ref[1:2] = acc_ref[1:2] + s2.reshape(1, 16)
    acc_ref[2:3] = acc_ref[2:3] + r1.reshape(1, 16)
    acc_ref[3:4] = acc_ref[3:4] + r2.reshape(1, 16)

    @pl.when(last)
    def _():
        st_ref[...] = acc_ref[...]


def _pos_diff(points16, xyznn):
    return pl.pallas_call(
        _pd_body,
        grid=(B, NBLK),
        in_specs=[
            pl.BlockSpec((1, NB, 16), lambda b, r: (b, r, 0)),
            pl.BlockSpec((1, NBK, 16), lambda b, r: (b, r, 0)),
        ],
        out_specs=[
            pl.BlockSpec((1, NBK, 16), lambda b, r: (b, r, 0)),
            pl.BlockSpec((8, 16), lambda b, r: (0, 0)),
        ],
        out_shape=[
            jax.ShapeDtypeStruct((B, N * K, 16), jnp.float32),
            jax.ShapeDtypeStruct((8, 16), jnp.float32),
        ],
        scratch_shapes=[pltpu.VMEM((8, 16), jnp.float32)],
    )(points16, xyznn)


def _attn_pre_body(pd_ref, q_ref, kv_ref, w1_ref, sc1_ref, sh1_ref,
                   w2_ref, wa1_ref, pe_ref, t2_ref, st_ref, acc_ref):
    t1 = _mm(pd_ref[0], w1_ref[...])
    pe_in = jnp.maximum(t1 * sc1_ref[...] + sh1_ref[...], 0.0)
    pe = _mm(pe_in, w2_ref[...])
    pe_ref[0] = pe
    q3 = q_ref[0][:, None, :]
    k3 = kv_ref[0][:, :DIM].reshape(NB, K, DIM)
    a1 = (q3 - k3) + pe.reshape(NB, K, DIM)
    t2 = _dot3(a1, wa1_ref[...])
    t2_ref[0] = t2.reshape(NBK, DIM)
    s = jnp.sum(t2, axis=(0, 1))
    sq = jnp.sum(t2 * t2, axis=(0, 1))
    _acc_stats(acc_ref, st_ref, s, sq, NBLK - 1)


def _attn_pre(pd, q, kvnn, Wpe1T16, sc1, sh1, Wpe2T, Wam1T):
    return pl.pallas_call(
        _attn_pre_body,
        grid=(B, NBLK),
        in_specs=[
            pl.BlockSpec((1, NBK, 16), lambda b, r: (b, r, 0)),
            pl.BlockSpec((1, NB, DIM), lambda b, r: (b, r, 0)),
            pl.BlockSpec((1, NBK, 2 * DIM), lambda b, r: (b, r, 0)),
            pl.BlockSpec((16, DIM), lambda b, r: (0, 0)),
            pl.BlockSpec((1, DIM), lambda b, r: (0, 0)),
            pl.BlockSpec((1, DIM), lambda b, r: (0, 0)),
            pl.BlockSpec((DIM, DIM), lambda b, r: (0, 0)),
            pl.BlockSpec((DIM, DIM), lambda b, r: (0, 0)),
        ],
        out_specs=[
            pl.BlockSpec((1, NBK, DIM), lambda b, r: (b, r, 0)),
            pl.BlockSpec((1, NBK, DIM), lambda b, r: (b, r, 0)),
            pl.BlockSpec((8, DIM), lambda b, r: (0, 0)),
        ],
        out_shape=[
            jax.ShapeDtypeStruct((B, N * K, DIM), jnp.float32),
            jax.ShapeDtypeStruct((B, N * K, DIM), jnp.float32),
            jax.ShapeDtypeStruct((8, DIM), jnp.float32),
        ],
        scratch_shapes=[pltpu.VMEM((8, DIM), jnp.float32)],
    )(pd, q, kvnn, Wpe1T16, sc1, sh1, Wpe2T, Wam1T)


def _attn_out_body(pe_ref, t2_ref, kv_ref, x_ref, sc2_ref, sh2_ref,
                   wa2_ref, r_ref, st_ref, acc_ref):
    t2 = t2_ref[0].reshape(NB, K, DIM)
    am_in = jnp.maximum(t2 * sc2_ref[...][None] + sh2_ref[...][None], 0.0)
    al = _dot3(am_in, wa2_ref[...])
    m = jnp.max(al, axis=1, keepdims=True)
    e = jnp.exp(al - m)
    attn = e / jnp.sum(e, axis=1, keepdims=True)
    v3 = kv_ref[0][:, DIM:].reshape(NB, K, DIM)
    pe3 = pe_ref[0].reshape(NB, K, DIM)
    out = jnp.sum(attn * (v3 + pe3), axis=1)
    r = x_ref[0] + out
    r_ref[0] = r
    s = jnp.sum(r, axis=0)
    sq = jnp.sum(r * r, axis=0)
    _acc_stats(acc_ref, st_ref, s, sq, NBLK - 1)


def _attn_out(pe, t2, kvnn, x, sc2, sh2, Wam2T):
    return pl.pallas_call(
        _attn_out_body,
        grid=(B, NBLK),
        in_specs=[
            pl.BlockSpec((1, NBK, DIM), lambda b, r: (b, r, 0)),
            pl.BlockSpec((1, NBK, DIM), lambda b, r: (b, r, 0)),
            pl.BlockSpec((1, NBK, 2 * DIM), lambda b, r: (b, r, 0)),
            pl.BlockSpec((1, NB, DIM), lambda b, r: (b, r, 0)),
            pl.BlockSpec((1, DIM), lambda b, r: (0, 0)),
            pl.BlockSpec((1, DIM), lambda b, r: (0, 0)),
            pl.BlockSpec((DIM, DIM), lambda b, r: (0, 0)),
        ],
        out_specs=[
            pl.BlockSpec((1, NB, DIM), lambda b, r: (b, r, 0)),
            pl.BlockSpec((8, DIM), lambda b, r: (0, 0)),
        ],
        out_shape=[
            jax.ShapeDtypeStruct((B, N, DIM), jnp.float32),
            jax.ShapeDtypeStruct((8, DIM), jnp.float32),
        ],
        scratch_shapes=[pltpu.VMEM((8, DIM), jnp.float32)],
    )(pe, t2, kvnn, x, sc2, sh2, Wam2T)


def _ffn1_body(r_ref, sc_ref, sh_ref, wf1_ref, st_ref, acc_ref):
    x1 = r_ref[0] * sc_ref[...] + sh_ref[...]
    t3 = _mm(x1, wf1_ref[...])
    first = pl.program_id(0) == 0
    last = pl.program_id(0) == B - 1

    @pl.when(first)
    def _():
        acc_ref[...] = jnp.zeros_like(acc_ref)

    acc_ref[0:1] = acc_ref[0:1] + jnp.sum(t3, axis=0).reshape(1, HID)
    acc_ref[1:2] = acc_ref[1:2] + jnp.sum(t3 * t3, axis=0).reshape(1, HID)

    @pl.when(last)
    def _():
        st_ref[...] = acc_ref[...]


def _ffn1(r, sc3, sh3, Wf1T):
    return pl.pallas_call(
        _ffn1_body,
        grid=(B,),
        in_specs=[
            pl.BlockSpec((1, N, DIM), lambda b: (b, 0, 0)),
            pl.BlockSpec((1, DIM), lambda b: (0, 0)),
            pl.BlockSpec((1, DIM), lambda b: (0, 0)),
            pl.BlockSpec((DIM, HID), lambda b: (0, 0)),
        ],
        out_specs=pl.BlockSpec((8, HID), lambda b: (0, 0)),
        out_shape=jax.ShapeDtypeStruct((8, HID), jnp.float32),
        scratch_shapes=[pltpu.VMEM((8, HID), jnp.float32)],
    )(r, sc3, sh3, Wf1T)


def _ffn2_body(r_ref, sc3_ref, sh3_ref, wf1_ref, sc4_ref, sh4_ref, wf2_ref,
               r2_ref, st_ref, acc_ref):
    x1 = r_ref[0] * sc3_ref[...] + sh3_ref[...]
    t3 = _mm(x1, wf1_ref[...])
    h = jnp.maximum(t3 * sc4_ref[...] + sh4_ref[...], 0.0)
    t4 = _mm(h, wf2_ref[...])
    r2 = x1 + t4
    r2_ref[0] = r2
    first = pl.program_id(0) == 0
    last = pl.program_id(0) == B - 1

    @pl.when(first)
    def _():
        acc_ref[...] = jnp.zeros_like(acc_ref)

    acc_ref[0:1] = acc_ref[0:1] + jnp.sum(r2, axis=0).reshape(1, DIM)
    acc_ref[1:2] = acc_ref[1:2] + jnp.sum(r2 * r2, axis=0).reshape(1, DIM)

    @pl.when(last)
    def _():
        st_ref[...] = acc_ref[...]


def _ffn2(r, sc3, sh3, Wf1T, sc4, sh4, Wf2T):
    return pl.pallas_call(
        _ffn2_body,
        grid=(B,),
        in_specs=[
            pl.BlockSpec((1, N, DIM), lambda b: (b, 0, 0)),
            pl.BlockSpec((1, DIM), lambda b: (0, 0)),
            pl.BlockSpec((1, DIM), lambda b: (0, 0)),
            pl.BlockSpec((DIM, HID), lambda b: (0, 0)),
            pl.BlockSpec((1, HID), lambda b: (0, 0)),
            pl.BlockSpec((1, HID), lambda b: (0, 0)),
            pl.BlockSpec((HID, DIM), lambda b: (0, 0)),
        ],
        out_specs=[
            pl.BlockSpec((1, N, DIM), lambda b: (b, 0, 0)),
            pl.BlockSpec((8, DIM), lambda b: (0, 0)),
        ],
        out_shape=[
            jax.ShapeDtypeStruct((B, N, DIM), jnp.float32),
            jax.ShapeDtypeStruct((8, DIM), jnp.float32),
        ],
        scratch_shapes=[pltpu.VMEM((8, DIM), jnp.float32)],
    )(r, sc3, sh3, Wf1T, sc4, sh4, Wf2T)


def _head_body(r2_ref, sc_ref, sh_ref, ws1_ref, gs_ref, bs_ref, ws2_ref,
               bs2_ref, o_ref):
    ws1 = ws1_ref[...]
    hs = []
    s = jnp.zeros((1, HID), jnp.float32)
    sq = jnp.zeros((1, HID), jnp.float32)
    for b in range(B):
        x = r2_ref[b] * sc_ref[...] + sh_ref[...]
        h = _mm(x, ws1)
        hs.append(h)
        s = s + jnp.sum(h, axis=0).reshape(1, HID)
        sq = sq + jnp.sum(h * h, axis=0).reshape(1, HID)
    cnt = float(B * N)
    m = s / cnt
    v = sq / cnt - m * m
    scale = gs_ref[...] / jnp.sqrt(v + EPS)
    shift = bs_ref[...] - m * scale
    ws2 = ws2_ref[...]
    for b in range(B):
        h = jnp.maximum(hs[b] * scale + shift, 0.0)
        o = lax.dot_general(_bf(ws2), _bf(h), (((1,), (1,)), ((), ())),
                            preferred_element_type=jnp.float32)
        o_ref[b] = o + bs2_ref[...]


def _head(r2, sc5, sh5, Ws1T, g_s, b_s, Ws2, bs2c):
    return pl.pallas_call(
        _head_body,
        out_shape=jax.ShapeDtypeStruct((B, NC, N), jnp.float32),
    )(r2, sc5, sh5, Ws1T, g_s, b_s, Ws2, bs2c)



def _aff(st, cnt, g, b):
    s, sq = st[0, :g.shape[0]], st[1, :g.shape[0]]
    m = s / cnt
    v = sq / cnt - m * m
    sc = g / jnp.sqrt(v + EPS)
    sh = b - m * sc
    return sc.reshape(1, -1), sh.reshape(1, -1)


def kernel(points, We, g_e, b_e, Wq, Wk, Wv, Wpe1, g_pe, b_pe, Wpe2, Wam1,
           g_am, b_am, Wam2, g1, b1, Wf1, g_f, b_f, Wf2, g2, b2, Ws1, g_s,
           b_s, Ws2, bs2):
    pT = jnp.transpose(points, (0, 2, 1))
    idx = _knn(points, pT)
    idxf = idx.reshape(B * N * K)

    xyztab = jnp.pad(points.reshape(B * N, 3), ((0, 0), (0, 13)))
    xyznn = _make_sc_gather(B * N, 16, B * N * K)(xyztab, idxf)
    xyznn = xyznn.reshape(B, N * K, 16)

    pd, st_pd = _pos_diff(xyztab.reshape(B, N, 16), xyznn)
    cnt_pd = float(B * N * K)
    mu3 = st_pd[0, :3] / cnt_pd
    d0, d1, d2_ = st_pd[1, 0], st_pd[1, 1], st_pd[1, 2]
    xy, yz, xz = st_pd[2, 0], st_pd[2, 1], st_pd[3, 0]
    Smat = jnp.stack([
        jnp.stack([d0, xy, xz]),
        jnp.stack([xy, d1, yz]),
        jnp.stack([xz, yz, d2_]),
    ])

    e_pre, st_e = _embed(points, We.T)
    sc, sh = _aff(st_e, B * N, g_e, b_e)
    x_pre, act = e_pre, True

    kv_gather = _make_sc_gather(B * N, 2 * DIM, B * N * K)
    for i in range(DEPTH):
        x, q, kv = _qkv(x_pre, sc, sh, act, Wq[i].T, Wk[i].T, Wv[i].T)
        kvnn = kv_gather(kv.reshape(B * N, 2 * DIM), idxf)
        kvnn = kvnn.reshape(B, N * K, 2 * DIM)
        w1T, w2T, wa1T, wa2T = Wpe1[i].T, Wpe2[i].T, Wam1[i].T, Wam2[i].T
        w1T16 = jnp.pad(w1T, ((0, 13), (0, 0)))
        m1 = mu3 @ w1T
        e2 = jnp.sum(w1T * (Smat @ w1T), axis=0) / cnt_pd
        v1 = e2 - m1 * m1
        sc1 = (g_pe[i] / jnp.sqrt(v1 + EPS)).reshape(1, DIM)
        sh1 = (b_pe[i] - m1 * sc1[0]).reshape(1, DIM)
        pe, t2, st2 = _attn_pre(pd, q, kvnn, w1T16, sc1, sh1, w2T, wa1T)
        sc2, sh2 = _aff(st2, B * N * K, g_am[i], b_am[i])
        r, st3 = _attn_out(pe, t2, kvnn, x, sc2, sh2, wa2T)
        sc3, sh3 = _aff(st3, B * N, g1[i], b1[i])
        st4 = _ffn1(r, sc3, sh3, Wf1[i].T)
        sc4, sh4 = _aff(st4, B * N, g_f[i], b_f[i])
        r2, st5 = _ffn2(r, sc3, sh3, Wf1[i].T, sc4, sh4, Wf2[i].T)
        sc, sh = _aff(st5, B * N, g2[i], b2[i])
        x_pre, act = r2, False

    return _head(x_pre, sc, sh, Ws1.T, g_s.reshape(1, HID),
                 b_s.reshape(1, HID), Ws2, bs2.reshape(NC, 1))

# --- scband reference (transcript-rebuilt; emitter-appended) ---
"""Pipeline reference for scband-point-transformer-seg-57664230916167 (READ-ONLY COPY).

The authoritative reference and input builder live on the scoring server;
editing this copy changes nothing except your own understanding.
"""

import jax, jax.numpy as jnp
import numpy as np

B, N, DIM, DEPTH, K, HID, NC = 4, 2048, 64, 2, 16, 128, 13
EPS = 1e-5


def _bn1d(x, g, b):
    m = x.mean(axis=(0, 2), keepdims=True)
    v = x.var(axis=(0, 2), keepdims=True)
    return (x - m) / jnp.sqrt(v + EPS) * g[None, :, None] + b[None, :, None]


def _bn2d(x, g, b):
    m = x.mean(axis=(0, 2, 3), keepdims=True)
    v = x.var(axis=(0, 2, 3), keepdims=True)
    return (x - m) / jnp.sqrt(v + EPS) * g[None, :, None, None] + b[None, :, None, None]


def _c1(W, x):
    return jnp.einsum('oi,bin->bon', W, x)


def _c2(W, x):
    return jnp.einsum('oi,bink->bonk', W, x)


def _forward(points, We, g_e, b_e, Wq, Wk, Wv, Wpe1, g_pe, b_pe, Wpe2, Wam1, g_am, b_am, Wam2, g1, b1, Wf1, g_f, b_f, Wf2, g2, b2, Ws1, g_s, b_s, Ws2, bs2):
    Bb, Nn, _ = points.shape
    xyz = jnp.transpose(points, (0, 2, 1))  # [B,3,N]
    x = jax.nn.relu(_bn1d(_c1(We, xyz), g_e, b_e))  # embed
    # kNN indices (torch.no_grad equivalent)
    sq = jnp.sum(points * points, axis=-1)
    d2 = sq[:, :, None] + sq[:, None, :] - 2.0 * jnp.einsum('bnd,bmd->bnm', points, points)
    d2 = jax.lax.stop_gradient(d2)
    _, idx = jax.lax.top_k(-d2, K)  # smallest distances -> [B,N,K]
    idx_flat = idx.reshape(Bb, Nn * K)
    for i in range(DEPTH):
        D = x.shape[1]
        q = _c1(Wq[i], x)
        k_ = _c1(Wk[i], x)
        v_ = _c1(Wv[i], x)
        k_nn = jnp.take_along_axis(k_, idx_flat[:, None, :], axis=2).reshape(Bb, D, Nn, K)
        v_nn = jnp.take_along_axis(v_, idx_flat[:, None, :], axis=2).reshape(Bb, D, Nn, K)
        xyz_nn = jnp.take_along_axis(xyz, idx_flat[:, None, :], axis=2).reshape(Bb, 3, Nn, K)
        pos_diff = xyz[:, :, :, None] - xyz_nn
        pe = _c2(Wpe2[i], jax.nn.relu(_bn2d(_c2(Wpe1[i], pos_diff), g_pe[i], b_pe[i])))
        attn = _c2(Wam2[i], jax.nn.relu(_bn2d(_c2(Wam1[i], q[:, :, :, None] - k_nn + pe), g_am[i], b_am[i])))
        attn = jax.nn.softmax(attn, axis=-1)
        out = jnp.sum(attn * (v_nn + pe), axis=-1)
        x = _bn1d(x + out, g1[i], b1[i])
        ffn = _c1(Wf2[i], jax.nn.relu(_bn1d(_c1(Wf1[i], x), g_f[i], b_f[i])))
        x = _bn1d(x + ffn, g2[i], b2[i])
    h = jax.nn.relu(_bn1d(_c1(Ws1, x), g_s, b_s))  # dropout is identity at eval
    return _c1(Ws2, h) + bs2[None, :, None]


def setup_inputs(seed: int = 0) -> dict:
    key = jax.random.key(seed)
    ks = jax.random.split(key, 16)

    def rn(k, shape, fan):
        return jax.random.normal(k, shape, dtype=jnp.float32) / np.sqrt(fan)

    inp = {}
    inp['points'] = jax.random.normal(ks[0], (B, N, 3), dtype=jnp.float32)
    inp['We'] = rn(ks[1], (DIM, 3), 3)
    inp['g_e'] = jnp.ones((DIM,), jnp.float32)
    inp['b_e'] = jnp.zeros((DIM,), jnp.float32)
    inp['Wq'] = rn(ks[2], (DEPTH, DIM, DIM), DIM)
    inp['Wk'] = rn(ks[3], (DEPTH, DIM, DIM), DIM)
    inp['Wv'] = rn(ks[4], (DEPTH, DIM, DIM), DIM)
    inp['Wpe1'] = rn(ks[5], (DEPTH, DIM, 3), 3)
    inp['g_pe'] = jnp.ones((DEPTH, DIM), jnp.float32)
    inp['b_pe'] = jnp.zeros((DEPTH, DIM), jnp.float32)
    inp['Wpe2'] = rn(ks[6], (DEPTH, DIM, DIM), DIM)
    inp['Wam1'] = rn(ks[7], (DEPTH, DIM, DIM), DIM)
    inp['g_am'] = jnp.ones((DEPTH, DIM), jnp.float32)
    inp['b_am'] = jnp.zeros((DEPTH, DIM), jnp.float32)
    inp['Wam2'] = rn(ks[8], (DEPTH, DIM, DIM), DIM)
    inp['g1'] = jnp.ones((DEPTH, DIM), jnp.float32)
    inp['b1'] = jnp.zeros((DEPTH, DIM), jnp.float32)
    inp['Wf1'] = rn(ks[9], (DEPTH, HID, DIM), DIM)
    inp['g_f'] = jnp.ones((DEPTH, HID), jnp.float32)
    inp['b_f'] = jnp.zeros((DEPTH, HID), jnp.float32)
    inp['Wf2'] = rn(ks[10], (DEPTH, DIM, HID), HID)
    inp['g2'] = jnp.ones((DEPTH, DIM), jnp.float32)
    inp['b2'] = jnp.zeros((DEPTH, DIM), jnp.float32)
    inp['Ws1'] = rn(ks[11], (128, DIM), DIM)
    inp['g_s'] = jnp.ones((128,), jnp.float32)
    inp['b_s'] = jnp.zeros((128,), jnp.float32)
    inp['Ws2'] = rn(ks[12], (NC, 128), 128)
    inp['bs2'] = jnp.zeros((NC,), jnp.float32)
    return inp


def reference(points, We, g_e, b_e, Wq, Wk, Wv, Wpe1, g_pe, b_pe, Wpe2, Wam1, g_am, b_am, Wam2, g1, b1, Wf1, g_f, b_f, Wf2, g2, b2, Ws1, g_s, b_s, Ws2, bs2):
    return _forward(points, We, g_e, b_e, Wq, Wk, Wv, Wpe1, g_pe, b_pe, Wpe2, Wam1, g_am, b_am, Wam2, g1, b1, Wf1, g_f, b_f, Wf2, g2, b2, Ws1, g_s, b_s, Ws2, bs2)

if __name__ == "__main__":
    import jax
    _d = setup_inputs()
    print(jax.jit(kernel)(*tuple(_d.values())))

</pallas_src>

<mosaic_0001>
#map = affine_map<(d0, d1) -> (0, 0)>
#map1 = affine_map<(d0, d1) -> (0)>
module attributes {stable_mosaic.version = 14 : i64} {
  func.func @g(%arg0: i32, %arg1: i32, %arg2: memref<8192x16xf32, #tpu.memory_space<hbm>>, %arg3: memref<131072xi32, #tpu.memory_space<hbm>>, %arg4: memref<131072x16xf32, #tpu.memory_space<hbm>>, %arg5: memref<4096xi32, #tpu.memory_space<vmem>>, %arg6: memref<4096x16xf32, #tpu.memory_space<vmem>>, %arg7: memref<!tpu.dma_semaphore, #tpu.memory_space<semaphore_mem>>) attributes {dimension_semantics = [#tpu.dimension_semantics<core_parallel>, #tpu.dimension_semantics<subcore_parallel>], iteration_bounds = array<i64: 2, 16>, scalar_prefetch = 0 : i64, scratch_operands = 3 : i64, tpu.core_type = #tpu.core_type<sc_vector_subcore>, window_params = [{transform_indices = #map}, {transform_indices = #map1}, {transform_indices = #map}]} {
    %mul3A = arith.constant 2 : i32
    %mul3A_0 = arith.muli %arg1, %mul3A : i32
    %add3A = arith.addi %mul3A_0, %arg0 : i32
    %mul3A_1 = arith.constant 4096 : i32
    %mul3A_2 = arith.muli %add3A, %mul3A_1 : i32
    %add3A_3 = arith.constant 0 : i32
    %add3A_4 = arith.addi %mul3A_2, %add3A_3 : i32
    "tpu.region"() ({
      %run_scoped3A = tpu.sem_alloc : memref<!tpu.dma_semaphore, #tpu.memory_space<semaphore_mem>>
      %dma_start3A_9 = tpu.memref_slice %arg3[%add3A_4] : memref<131072xi32, #tpu.memory_space<hbm>> -> memref<4096xi32, #tpu.memory_space<hbm>>
      %dma_start3A_10 = tpu.memref_slice %arg3[%add3A_4] : memref<131072xi32, #tpu.memory_space<hbm>> -> memref<4096xi32, #tpu.memory_space<hbm>>
      tpu.enqueue_dma source(%dma_start3A_10 : memref<4096xi32, #tpu.memory_space<hbm>>) target(%arg5 : memref<4096xi32, #tpu.memory_space<vmem>>) target_semaphore(%run_scoped3A : memref<!tpu.dma_semaphore, #tpu.memory_space<semaphore_mem>>)
      %dma_wait3A_11 = tpu.memref_slice %arg3[%add3A_4] : memref<131072xi32, #tpu.memory_space<hbm>> -> memref<4096xi32, #tpu.memory_space<hbm>>
      %dma_wait3A_12 = tpu.memref_slice %arg3[%add3A_4] : memref<131072xi32, #tpu.memory_space<hbm>> -> memref<4096xi32, #tpu.memory_space<hbm>>
      tpu.wait_dma2 semaphore(%run_scoped3A : memref<!tpu.dma_semaphore, #tpu.memory_space<semaphore_mem>>) src(%dma_wait3A_12 : memref<4096xi32, #tpu.memory_space<hbm>>) dst(%arg5 : memref<4096xi32, #tpu.memory_space<vmem>>)
      tpu.yield
    }) : () -> ()
    %dma_start3A = arith.constant 0 : i32
    %dma_start3A_5 = arith.constant 0 : i32
    %dma_start3A_6 = tpu.memref_slice %arg2[%dma_start3A, %dma_start3A_5] : memref<8192x16xf32, #tpu.memory_space<hbm>> -> memref<8192x16xf32, #tpu.memory_space<hbm>>
    tpu.enqueue_indirect_dma source(%dma_start3A_6 : memref<8192x16xf32, #tpu.memory_space<hbm>>) target(%arg6 : memref<4096x16xf32, #tpu.memory_space<vmem>>) offsets(%arg5 : memref<4096xi32, #tpu.memory_space<vmem>>) semaphore(%arg7 : memref<!tpu.dma_semaphore, #tpu.memory_space<semaphore_mem>>)
    %dma_wait3A = arith.constant 0 : i32
    %dma_wait3A_7 = arith.constant 0 : i32
    %dma_wait3A_8 = tpu.memref_slice %arg2[%dma_wait3A, %dma_wait3A_7] : memref<8192x16xf32, #tpu.memory_space<hbm>> -> memref<8192x16xf32, #tpu.memory_space<hbm>>
    tpu.wait_indirect_dma semaphore(%arg7 : memref<!tpu.dma_semaphore, #tpu.memory_space<semaphore_mem>>) src(%dma_wait3A_8 : memref<8192x16xf32, #tpu.memory_space<hbm>>) dst(%arg6 : memref<4096x16xf32, #tpu.memory_space<vmem>>)
    "tpu.region"() ({
      %run_scoped3A = tpu.sem_alloc : memref<!tpu.dma_semaphore, #tpu.memory_space<semaphore_mem>>
      %dma_start3A_9 = arith.constant 0 : i32
      %dma_start3A_10 = tpu.memref_slice %arg4[%add3A_4, %dma_start3A_9] : memref<131072x16xf32, #tpu.memory_space<hbm>> -> memref<4096x16xf32, #tpu.memory_space<hbm>>
      %dma_start3A_11 = arith.constant 0 : i32
      %dma_start3A_12 = tpu.memref_slice %arg4[%add3A_4, %dma_start3A_11] : memref<131072x16xf32, #tpu.memory_space<hbm>> -> memref<4096x16xf32, #tpu.memory_space<hbm>>
      tpu.enqueue_dma source(%arg6 : memref<4096x16xf32, #tpu.memory_space<vmem>>) target(%dma_start3A_12 : memref<4096x16xf32, #tpu.memory_space<hbm>>) target_semaphore(%run_scoped3A : memref<!tpu.dma_semaphore, #tpu.memory_space<semaphore_mem>>)
      %dma_wait3A_13 = arith.constant 0 : i32
      %dma_wait3A_14 = tpu.memref_slice %arg4[%add3A_4, %dma_wait3A_13] : memref<131072x16xf32, #tpu.memory_space<hbm>> -> memref<4096x16xf32, #tpu.memory_space<hbm>>
      %dma_wait3A_15 = arith.constant 0 : i32
      %dma_wait3A_16 = tpu.memref_slice %arg4[%add3A_4, %dma_wait3A_15] : memref<131072x16xf32, #tpu.memory_space<hbm>> -> memref<4096x16xf32, #tpu.memory_space<hbm>>
      tpu.wait_dma2 semaphore(%run_scoped3A : memref<!tpu.dma_semaphore, #tpu.memory_space<semaphore_mem>>) src(%arg6 : memref<4096x16xf32, #tpu.memory_space<vmem>>) dst(%dma_wait3A_16 : memref<4096x16xf32, #tpu.memory_space<hbm>>)
      tpu.yield
    }) : () -> ()
    return
  }
}

#map = affine_map<(d0, d1) -> (0, 0)>
#map1 = affine_map<(d0, d1) -> (0)>
module attributes {stable_mosaic.version = 14 : i64} {
  func.func @g(%arg0: i32, %arg1: i32, %arg2: memref<8192x128xf32, #tpu.memory_space<hbm>>, %arg3: memref<131072xi32, #tpu.memory_space<hbm>>, %arg4: memref<131072x128xf32, #tpu.memory_space<hbm>>, %arg5: memref<512xi32, #tpu.memory_space<vmem>>, %arg6: memref<512x128xf32, #tpu.memory_space<vmem>>, %arg7: memref<!tpu.dma_semaphore, #tpu.memory_space<semaphore_mem>>) attributes {dimension_semantics = [#tpu.dimension_semantics<core_parallel>, #tpu.dimension_semantics<subcore_parallel>], iteration_bounds = array<i64: 2, 16>, scalar_prefetch = 0 : i64, scratch_operands = 3 : i64, tpu.core_type = #tpu.core_type<sc_vector_subcore>, window_params = [{transform_indices = #map}, {transform_indices = #map1}, {transform_indices = #map}]} {
    %mul3A = arith.constant 2 : i32
    %mul3A_0 = arith.muli %arg1, %mul3A : i32
    %add3A = arith.addi %mul3A_0, %arg0 : i32
    %mul3A_1 = arith.constant 4096 : i32
    %mul3A_2 = arith.muli %add3A, %mul3A_1 : i32
    %add3A_3 = arith.constant 0 : i32
    %add3A_4 = arith.addi %mul3A_2, %add3A_3 : i32
    "tpu.region"() ({
      %run_scoped3A = tpu.sem_alloc : memref<!tpu.dma_semaphore, #tpu.memory_space<semaphore_mem>>
      %dma_start3A_65 = tpu.memref_slice %arg3[%add3A_4] : memref<131072xi32, #tpu.memory_space<hbm>> -> memref<512xi32, #tpu.memory_space<hbm>>
      %dma_start3A_66 = tpu.memref_slice %arg3[%add3A_4] : memref<131072xi32, #tpu.memory_space<hbm>> -> memref<512xi32, #tpu.memory_space<hbm>>
      tpu.enqueue_dma source(%dma_start3A_66 : memref<512xi32, #tpu.memory_space<hbm>>) target(%arg5 : memref<512xi32, #tpu.memory_space<vmem>>) target_semaphore(%run_scoped3A : memref<!tpu.dma_semaphore, #tpu.memory_space<semaphore_mem>>)
      %dma_wait3A_67 = tpu.memref_slice %arg3[%add3A_4] : memref<131072xi32, #tpu.memory_space<hbm>> -> memref<512xi32, #tpu.memory_space<hbm>>
      %dma_wait3A_68 = tpu.memref_slice %arg3[%add3A_4] : memref<131072xi32, #tpu.memory_space<hbm>> -> memref<512xi32, #tpu.memory_space<hbm>>
      tpu.wait_dma2 semaphore(%run_scoped3A : memref<!tpu.dma_semaphore, #tpu.memory_space<semaphore_mem>>) src(%dma_wait3A_68 : memref<512xi32, #tpu.memory_space<hbm>>) dst(%arg5 : memref<512xi32, #tpu.memory_space<vmem>>)
      tpu.yield
    }) : () -> ()
    %dma_start3A = arith.constant 0 : i32
    %dma_start3A_5 = arith.constant 0 : i32
    %dma_start3A_6 = tpu.memref_slice %arg2[%dma_start3A, %dma_start3A_5] : memref<8192x128xf32, #tpu.memory_space<hbm>> -> memref<8192x128xf32, #tpu.memory_space<hbm>>
    tpu.enqueue_indirect_dma source(%dma_start3A_6 : memref<8192x128xf32, #tpu.memory_space<hbm>>) target(%arg6 : memref<512x128xf32, #tpu.memory_space<vmem>>) offsets(%arg5 : memref<512xi32, #tpu.memory_space<vmem>>) semaphore(%arg7 : memref<!tpu.dma_semaphore, #tpu.memory_space<semaphore_mem>>)
    %dma_wait3A = arith.constant 0 : i32
    %dma_wait3A_7 = arith.constant 0 : i32
    %dma_wait3A_8 = tpu.memref_slice %arg2[%dma_wait3A, %dma_wait3A_7] : memref<8192x128xf32, #tpu.memory_space<hbm>> -> memref<8192x128xf32, #tpu.memory_space<hbm>>
    tpu.wait_indirect_dma semaphore(%arg7 : memref<!tpu.dma_semaphore, #tpu.memory_space<semaphore_mem>>) src(%dma_wait3A_8 : memref<8192x128xf32, #tpu.memory_space<hbm>>) dst(%arg6 : memref<512x128xf32, #tpu.memory_space<vmem>>)
    "tpu.region"() ({
      %run_scoped3A = tpu.sem_alloc : memref<!tpu.dma_semaphore, #tpu.memory_space<semaphore_mem>>
      %dma_start3A_65 = arith.constant 0 : i32
      %dma_start3A_66 = tpu.memref_slice %arg4[%add3A_4, %dma_start3A_65] : memref<131072x128xf32, #tpu.memory_space<hbm>> -> memref<512x128xf32, #tpu.memory_space<hbm>>
      %dma_start3A_67 = arith.constant 0 : i32
      %dma_start3A_68 = tpu.memref_slice %arg4[%add3A_4, %dma_start3A_67] : memref<131072x128xf32, #tpu.memory_space<hbm>> -> memref<512x128xf32, #tpu.memory_space<hbm>>
      tpu.enqueue_dma source(%arg6 : memref<512x128xf32, #tpu.memory_space<vmem>>) target(%dma_start3A_68 : memref<512x128xf32, #tpu.memory_space<hbm>>) target_semaphore(%run_scoped3A : memref<!tpu.dma_semaphore, #tpu.memory_space<semaphore_mem>>)
      %dma_wait3A_69 = arith.constant 0 : i32
      %dma_wait3A_70 = tpu.memref_slice %arg4[%add3A_4, %dma_wait3A_69] : memref<131072x128xf32, #tpu.memory_space<hbm>> -> memref<512x128xf32, #tpu.memory_space<hbm>>
      %dma_wait3A_71 = arith.constant 0 : i32
      %dma_wait3A_72 = tpu.memref_slice %arg4[%add3A_4, %dma_wait3A_71] : memref<131072x128xf32, #tpu.memory_space<hbm>> -> memref<512x128xf32, #tpu.memory_space<hbm>>
      tpu.wait_dma2 semaphore(%run_scoped3A : memref<!tpu.dma_semaphore, #tpu.memory_space<semaphore_mem>>) src(%arg6 : memref<512x128xf32, #tpu.memory_space<vmem>>) dst(%dma_wait3A_72 : memref<512x128xf32, #tpu.memory_space<hbm>>)
      tpu.yield
    }) : () -> ()
    %add3A_9 = arith.constant 512 : i32
    %add3A_10 = arith.addi %mul3A_2, %add3A_9 : i32
    "tpu.region"() ({
      %run_scoped3A = tpu.sem_alloc : memref<!tpu.dma_semaphore, #tpu.memory_space<semaphore_mem>>
      %dma_start3A_65 = tpu.memref_slice %arg3[%add3A_10] : memref<131072xi32, #tpu.memory_space<hbm>> -> memref<512xi32, #tpu.memory_space<hbm>>
      %dma_start3A_66 = tpu.memref_slice %arg3[%add3A_10] : memref<131072xi32, #tpu.memory_space<hbm>> -> memref<512xi32, #tpu.memory_space<hbm>>
      tpu.enqueue_dma source(%dma_start3A_66 : memref<512xi32, #tpu.memory_space<hbm>>) target(%arg5 : memref<512xi32, #tpu.memory_space<vmem>>) target_semaphore(%run_scoped3A : memref<!tpu.dma_semaphore, #tpu.memory_space<semaphore_mem>>)
      %dma_wait3A_67 = tpu.memref_slice %arg3[%add3A_10] : memref<131072xi32, #tpu.memory_space<hbm>> -> memref<512xi32, #tpu.memory_space<hbm>>
      %dma_wait3A_68 = tpu.memref_slice %arg3[%add3A_10] : memref<131072xi32, #tpu.memory_space<hbm>> -> memref<512xi32, #tpu.memory_space<hbm>>
      tpu.wait_dma2 semaphore(%run_scoped3A : memref<!tpu.dma_semaphore, #tpu.memory_space<semaphore_mem>>) src(%dma_wait3A_68 : memref<512xi32, #tpu.memory_space<hbm>>) dst(%arg5 : memref<512xi32, #tpu.memory_space<vmem>>)
      tpu.yield
    }) : () -> ()
    %dma_start3A_11 = arith.constant 0 : i32
    %dma_start3A_12 = arith.constant 0 : i32
    %dma_start3A_13 = tpu.memref_slice %arg2[%dma_start3A_11, %dma_start3A_12] : memref<8192x128xf32, #tpu.memory_space<hbm>> -> memref<8192x128xf32, #tpu.memory_space<hbm>>
    tpu.enqueue_indirect_dma source(%dma_start3A_13 : memref<8192x128xf32, #tpu.memory_space<hbm>>) target(%arg6 : memref<512x128xf32, #tpu.memory_space<vmem>>) offsets(%arg5 : memref<512xi32, #tpu.memory_space<vmem>>) semaphore(%arg7 : memref<!tpu.dma_semaphore, #tpu.memory_space<semaphore_mem>>)
    %dma_wait3A_14 = arith.constant 0 : i32
    %dma_wait3A_15 = arith.constant 0 : i32
    %dma_wait3A_16 = tpu.memref_slice %arg2[%dma_wait3A_14, %dma_wait3A_15] : memref<8192x128xf32, #tpu.memory_space<hbm>> -> memref<8192x128xf32, #tpu.memory_space<hbm>>
    tpu.wait_indirect_dma semaphore(%arg7 : memref<!tpu.dma_semaphore, #tpu.memory_space<semaphore_mem>>) src(%dma_wait3A_16 : memref<8192x128xf32, #tpu.memory_space<hbm>>) dst(%arg6 : memref<512x128xf32, #tpu.memory_space<vmem>>)
    "tpu.region"() ({
      %run_scoped3A = tpu.sem_alloc : memref<!tpu.dma_semaphore, #tpu.memory_space<semaphore_mem>>
      %dma_start3A_65 = arith.constant 0 : i32
      %dma_start3A_66 = tpu.memref_slice %arg4[%add3A_10, %dma_start3A_65] : memref<131072x128xf32, #tpu.memory_space<hbm>> -> memref<512x128xf32, #tpu.memory_space<hbm>>
      %dma_start3A_67 = arith.constant 0 : i32
      %dma_start3A_68 = tpu.memref_slice %arg4[%add3A_10, %dma_start3A_67] : memref<131072x128xf32, #tpu.memory_space<hbm>> -> memref<512x128xf32, #tpu.memory_space<hbm>>
      tpu.enqueue_dma source(%arg6 : memref<512x128xf32, #tpu.memory_space<vmem>>) target(%dma_start3A_68 : memref<512x128xf32, #tpu.memory_space<hbm>>) target_semaphore(%run_scoped3A : memref<!tpu.dma_semaphore, #tpu.memory_space<semaphore_mem>>)
      %dma_wait3A_69 = arith.constant 0 : i32
      %dma_wait3A_70 = tpu.memref_slice %arg4[%add3A_10, %dma_wait3A_69] : memref<131072x128xf32, #tpu.memory_space<hbm>> -> memref<512x128xf32, #tpu.memory_space<hbm>>
      %dma_wait3A_71 = arith.constant 0 : i32
      %dma_wait3A_72 = tpu.memref_slice %arg4[%add3A_10, %dma_wait3A_71] : memref<131072x128xf32, #tpu.memory_space<hbm>> -> memref<512x128xf32, #tpu.memory_space<hbm>>
      tpu.wait_dma2 semaphore(%run_scoped3A : memref<!tpu.dma_semaphore, #tpu.memory_space<semaphore_mem>>) src(%arg6 : memref<512x128xf32, #tpu.memory_space<vmem>>) dst(%dma_wait3A_72 : memref<512x128xf32, #tpu.memory_space<hbm>>)
      tpu.yield
    }) : () -> ()
    %add3A_17 = arith.constant 1024 : i32
    %add3A_18 = arith.addi %mul3A_2, %add3A_17 : i32
    "tpu.region"() ({
      %run_scoped3A = tpu.sem_alloc : memref<!tpu.dma_semaphore, #tpu.memory_space<semaphore_mem>>
      %dma_start3A_65 = tpu.memref_slice %arg3[%add3A_18] : memref<131072xi32, #tpu.memory_space<hbm>> -> memref<512xi32, #tpu.memory_space<hbm>>
      %dma_start3A_66 = tpu.memref_slice %arg3[%add3A_18] : memref<131072xi32, #tpu.memory_space<hbm>> -> memref<512xi32, #tpu.memory_space<hbm>>
      tpu.enqueue_dma source(%dma_start3A_66 : memref<512xi32, #tpu.memory_space<hbm>>) target(%arg5 : memref<512xi32, #tpu.memory_space<vmem>>) target_semaphore(%run_scoped3A : memref<!tpu.dma_semaphore, #tpu.memory_space<semaphore_mem>>)
      %dma_wait3A_67 = tpu.memref_slice %arg3[%add3A_18] : memref<131072xi32, #tpu.memory_space<hbm>> -> memref<512xi32, #tpu.memory_space<hbm>>
      %dma_wait3A_68 = tpu.memref_slice %arg3[%add3A_18] : memref<131072xi32, #tpu.memory_space<hbm>> -> memref<512xi32, #tpu.memory_space<hbm>>
      tpu.wait_dma2 semaphore(%run_scoped3A : memref<!tpu.dma_semaphore, #tpu.memory_space<semaphore_mem>>) src(%dma_wait3A_68 : memref<512xi32, #tpu.memory_space<hbm>>) dst(%arg5 : memref<512xi32, #tpu.memory_space<vmem>>)
      tpu.yield
    }) : () -> ()
    %dma_start3A_19 = arith.constant 0 : i32
    %dma_start3A_20 = arith.constant 0 : i32
    %dma_start3A_21 = tpu.memref_slice %arg2[%dma_start3A_19, %dma_start3A_20] : memref<8192x128xf32, #tpu.memory_space<hbm>> -> memref<8192x128xf32, #tpu.memory_space<hbm>>
    tpu.enqueue_indirect_dma source(%dma_start3A_21 : memref<8192x128xf32, #tpu.memory_space<hbm>>) target(%arg6 : memref<512x128xf32, #tpu.memory_space<vmem>>) offsets(%arg5 : memref<512xi32, #tpu.memory_space<vmem>>) semaphore(%arg7 : memref<!tpu.dma_semaphore, #tpu.memory_space<semaphore_mem>>)
    %dma_wait3A_22 = arith.constant 0 : i32
    %dma_wait3A_23 = arith.constant 0 : i32
    %dma_wait3A_24 = tpu.memref_slice %arg2[%dma_wait3A_22, %dma_wait3A_23] : memref<8192x128xf32, #tpu.memory_space<hbm>> -> memref<8192x128xf32, #tpu.memory_space<hbm>>
    tpu.wait_indirect_dma semaphore(%arg7 : memref<!tpu.dma_semaphore, #tpu.memory_space<semaphore_mem>>) src(%dma_wait3A_24 : memref<8192x128xf32, #tpu.memory_space<hbm>>) dst(%arg6 : memref<512x128xf32, #tpu.memory_space<vmem>>)
    "tpu.region"() ({
      %run_scoped3A = tpu.sem_alloc : memref<!tpu.dma_semaphore, #tpu.memory_space<semaphore_mem>>
      %dma_start3A_65 = arith.constant 0 : i32
      %dma_start3A_66 = tpu.memref_slice %arg4[%add3A_18, %dma_start3A_65] : memref<131072x128xf32, #tpu.memory_space<hbm>> -> memref<512x128xf32, #tpu.memory_space<hbm>>
      %dma_start3A_67 = arith.constant 0 : i32
      %dma_start3A_68 = tpu.memref_slice %arg4[%add3A_18, %dma_start3A_67] : memref<131072x128xf32, #tpu.memory_space<hbm>> -> memref<512x128xf32, #tpu.memory_space<hbm>>
      tpu.enqueue_dma source(%arg6 : memref<512x128xf32, #tpu.memory_space<vmem>>) target(%dma_start3A_68 : memref<512x128xf32, #tpu.memory_space<hbm>>) target_semaphore(%run_scoped3A : memref<!tpu.dma_semaphore, #tpu.memory_space<semaphore_mem>>)
      %dma_wait3A_69 = arith.constant 0 : i32
      %dma_wait3A_70 = tpu.memref_slice %arg4[%add3A_18, %dma_wait3A_69] : memref<131072x128xf32, #tpu.memory_space<hbm>> -> memref<512x128xf32, #tpu.memory_space<hbm>>
      %dma_wait3A_71 = arith.constant 0 : i32
      %dma_wait3A_72 = tpu.memref_slice %arg4[%add3A_18, %dma_wait3A_71] : memref<131072x128xf32, #tpu.memory_space<hbm>> -> memref<512x128xf32, #tpu.memory_space<hbm>>
      tpu.wait_dma2 semaphore(%run_scoped3A : memref<!tpu.dma_semaphore, #tpu.memory_space<semaphore_mem>>) src(%arg6 : memref<512x128xf32, #tpu.memory_space<vmem>>) dst(%dma_wait3A_72 : memref<512x128xf32, #tpu.memory_space<hbm>>)
      tpu.yield
    }) : () -> ()
    %add3A_25 = arith.constant 1536 : i32
    %add3A_26 = arith.addi %mul3A_2, %add3A_25 : i32
    "tpu.region"() ({
      %run_scoped3A = tpu.sem_alloc : memref<!tpu.dma_semaphore, #tpu.memory_space<semaphore_mem>>
      %dma_start3A_65 = tpu.memref_slice %arg3[%add3A_26] : memref<131072xi32, #tpu.memory_space<hbm>> -> memref<512xi32, #tpu.memory_space<hbm>>
      %dma_start3A_66 = tpu.memref_slice %arg3[%add3A_26] : memref<131072xi32, #tpu.memory_space<hbm>> -> memref<512xi32, #tpu.memory_space<hbm>>
      tpu.enqueue_dma source(%dma_start3A_66 : memref<512xi32, #tpu.memory_space<hbm>>) target(%arg5 : memref<512xi32, #tpu.memory_space<vmem>>) target_semaphore(%run_scoped3A : memref<!tpu.dma_semaphore, #tpu.memory_space<semaphore_mem>>)
      %dma_wait3A_67 = tpu.memref_slice %arg3[%add3A_26] : memref<131072xi32, #tpu.memory_space<hbm>> -> memref<512xi32, #tpu.memory_space<hbm>>
      %dma_wait3A_68 = tpu.memref_slice %arg3[%add3A_26] : memref<131072xi32, #tpu.memory_space<hbm>> -> memref<512xi32, #tpu.memory_space<hbm>>
      tpu.wait_dma2 semaphore(%run_scoped3A : memref<!tpu.dma_semaphore, #tpu.memory_space<semaphore_mem>>) src(%dma_wait3A_68 : memref<512xi32, #tpu.memory_space<hbm>>) dst(%arg5 : memref<512xi32, #tpu.memory_space<vmem>>)
      tpu.yield
    }) : () -> ()
    %dma_start3A_27 = arith.constant 0 : i32
    %dma_start3A_28 = arith.constant 0 : i32
    %dma_start3A_29 = tpu.memref_slice %arg2[%dma_start3A_27, %dma_start3A_28] : memref<8192x128xf32, #tpu.memory_space<hbm>> -> memref<8192x128xf32, #tpu.memory_space<hbm>>
    tpu.enqueue_indirect_dma source(%dma_start3A_29 : memref<8192x128xf32, #tpu.memory_space<hbm>>) target(%arg6 : memref<512x128xf32, #tpu.memory_space<vmem>>) offsets(%arg5 : memref<512xi32, #tpu.memory_space<vmem>>) semaphore(%arg7 : memref<!tpu.dma_semaphore, #tpu.memory_space<semaphore_mem>>)
    %dma_wait3A_30 = arith.constant 0 : i32
    %dma_wait3A_31 = arith.constant 0 : i32
    %dma_wait3A_32 = tpu.memref_slice %arg2[%dma_wait3A_30, %dma_wait3A_31] : memref<8192x128xf32, #tpu.memory_space<hbm>> -> memref<8192x128xf32, #tpu.memory_space<hbm>>
    tpu.wait_indirect_dma semaphore(%arg7 : memref<!tpu.dma_semaphore, #tpu.memory_space<semaphore_mem>>) src(%dma_wait3A_32 : memref<8192x128xf32, #tpu.memory_space<hbm>>) dst(%arg6 : memref<512x128xf32, #tpu.memory_space<vmem>>)
    "tpu.region"() ({
      %run_scoped3A = tpu.sem_alloc : memref<!tpu.dma_semaphore, #tpu.memory_space<semaphore_mem>>
      %dma_start3A_65 = arith.constant 0 : i32
      %dma_start3A_66 = tpu.memref_slice %arg4[%add3A_26, %dma_start3A_65] : memref<131072x128xf32, #tpu.memory_space<hbm>> -> memref<512x128xf32, #tpu.memory_space<hbm>>
      %dma_start3A_67 = arith.constant 0 : i32
      %dma_start3A_68 = tpu.memref_slice %arg4[%add3A_26, %dma_start3A_67] : memref<131072x128xf32, #tpu.memory_space<hbm>> -> memref<512x128xf32, #tpu.memory_space<hbm>>
      tpu.enqueue_dma source(%arg6 : memref<512x128xf32, #tpu.memory_space<vmem>>) target(%dma_start3A_68 : memref<512x128xf32, #tpu.memory_space<hbm>>) target_semaphore(%run_scoped3A : memref<!tpu.dma_semaphore, #tpu.memory_space<semaphore_mem>>)
      %dma_wait3A_69 = arith.constant 0 : i32
      %dma_wait3A_70 = tpu.memref_slice %arg4[%add3A_26, %dma_wait3A_69] : memref<131072x128xf32, #tpu.memory_space<hbm>> -> memref<512x128xf32, #tpu.memory_space<hbm>>
      %dma_wait3A_71 = arith.constant 0 : i32
      %dma_wait3A_72 = tpu.memref_slice %arg4[%add3A_26, %dma_wait3A_71] : memref<131072x128xf32, #tpu.memory_space<hbm>> -> memref<512x128xf32, #tpu.memory_space<hbm>>
      tpu.wait_dma2 semaphore(%run_scoped3A : memref<!tpu.dma_semaphore, #tpu.memory_space<semaphore_mem>>) src(%arg6 : memref<512x128xf32, #tpu.memory_space<vmem>>) dst(%dma_wait3A_72 : memref<512x128xf32, #tpu.memory_space<hbm>>)
      tpu.yield
    }) : () -> ()
    %add3A_33 = arith.constant 2048 : i32
    %add3A_34 = arith.addi %mul3A_2, %add3A_33 : i32
    "tpu.region"() ({
      %run_scoped3A = tpu.sem_alloc : memref<!tpu.dma_semaphore, #tpu.memory_space<semaphore_mem>>
      %dma_start3A_65 = tpu.memref_slice %arg3[%add3A_34] : memref<131072xi32, #tpu.memory_space<hbm>> -> memref<512xi32, #tpu.memory_space<hbm>>
      %dma_start3A_66 = tpu.memref_slice %arg3[%add3A_34] : memref<131072xi32, #tpu.memory_space<hbm>> -> memref<512xi32, #tpu.memory_space<hbm>>
      tpu.enqueue_dma source(%dma_start3A_66 : memref<512xi32, #tpu.memory_space<hbm>>) target(%arg5 : memref<512xi32, #tpu.memory_space<vmem>>) target_semaphore(%run_scoped3A : memref<!tpu.dma_semaphore, #tpu.memory_space<semaphore_mem>>)
      %dma_wait3A_67 = tpu.memref_slice %arg3[%add3A_34] : memref<131072xi32, #tpu.memory_space<hbm>> -> memref<512xi32, #tpu.memory_space<hbm>>
      %dma_wait3A_68 = tpu.memref_slice %arg3[%add3A_34] : memref<131072xi32, #tpu.memory_space<hbm>> -> memref<512xi32, #tpu.memory_space<hbm>>
      tpu.wait_dma2 semaphore(%run_scoped3A : memref<!tpu.dma_semaphore, #tpu.memory_space<semaphore_mem>>) src(%dma_wait3A_68 : memref<512xi32, #tpu.memory_space<hbm>>) dst(%arg5 : memref<512xi32, #tpu.memory_space<vmem>>)
      tpu.yield
    }) : () -> ()
    %dma_start3A_35 = arith.constant 0 : i32
    %dma_start3A_36 = arith.constant 0 : i32
    %dma_start3A_37 = tpu.memref_slice %arg2[%dma_start3A_35, %dma_start3A_36] : memref<8192x128xf32, #tpu.memory_space<hbm>> -> memref<8192x128xf32, #tpu.memory_space<hbm>>
    tpu.enqueue_indirect_dma source(%dma_start3A_37 : memref<8192x128xf32, #tpu.memory_space<hbm>>) target(%arg6 : memref<512x128xf32, #tpu.memory_space<vmem>>) offsets(%arg5 : memref<512xi32, #tpu.memory_space<vmem>>) semaphore(%arg7 : memref<!tpu.dma_semaphore, #tpu.memory_space<semaphore_mem>>)
    %dma_wait3A_38 = arith.constant 0 : i32
    %dma_wait3A_39 = arith.constant 0 : i32
    %dma_wait3A_40 = tpu.memref_slice %arg2[%dma_wait3A_38, %dma_wait3A_39] : memref<8192x128xf32, #tpu.memory_space<hbm>> -> memref<8192x128xf32, #tpu.memory_space<hbm>>
    tpu.wait_indirect_dma semaphore(%arg7 : memref<!tpu.dma_semaphore, #tpu.memory_space<semaphore_mem>>) src(%dma_wait3A_40 : memref<8192x128xf32, #tpu.memory_space<hbm>>) dst(%arg6 : memref<512x128xf32, #tpu.memory_space<vmem>>)
    "tpu.region"() ({
      %run_scoped3A = tpu.sem_alloc : memref<!tpu.dma_semaphore, #tpu.memory_space<semaphore_mem>>
      %dma_start3A_65 = arith.constant 0 : i32
      %dma_start3A_66 = tpu.memref_slice %arg4[%add3A_34, %dma_start3A_65] : memref<131072x128xf32, #tpu.memory_space<hbm>> -> memref<512x128xf32, #tpu.memory_space<hbm>>
      %dma_start3A_67 = arith.constant 0 : i32
      %dma_start3A_68 = tpu.memref_slice %arg4[%add3A_34, %dma_start3A_67] : memref<131072x128xf32, #tpu.memory_space<hbm>> -> memref<512x128xf32, #tpu.memory_space<hbm>>
      tpu.enqueue_dma source(%arg6 : memref<512x128xf32, #tpu.memory_space<vmem>>) target(%dma_start3A_68 : memref<512x128xf32, #tpu.memory_space<hbm>>) target_semaphore(%run_scoped3A : memref<!tpu.dma_semaphore, #tpu.memory_space<semaphore_mem>>)
      %dma_wait3A_69 = arith.constant 0 : i32
      %dma_wait3A_70 = tpu.memref_slice %arg4[%add3A_34, %dma_wait3A_69] : memref<131072x128xf32, #tpu.memory_space<hbm>> -> memref<512x128xf32, #tpu.memory_space<hbm>>
      %dma_wait3A_71 = arith.constant 0 : i32
      %dma_wait3A_72 = tpu.memref_slice %arg4[%add3A_34, %dma_wait3A_71] : memref<131072x128xf32, #tpu.memory_space<hbm>> -> memref<512x128xf32, #tpu.memory_space<hbm>>
      tpu.wait_dma2 semaphore(%run_scoped3A : memref<!tpu.dma_semaphore, #tpu.memory_space<semaphore_mem>>) src(%arg6 : memref<512x128xf32, #tpu.memory_space<vmem>>) dst(%dma_wait3A_72 : memref<512x128xf32, #tpu.memory_space<hbm>>)
      tpu.yield
    }) : () -> ()
    %add3A_41 = arith.constant 2560 : i32
    %add3A_42 = arith.addi %mul3A_2, %add3A_41 : i32
    "tpu.region"() ({
      %run_scoped3A = tpu.sem_alloc : memref<!tpu.dma_semaphore, #tpu.memory_space<semaphore_mem>>
      %dma_start3A_65 = tpu.memref_slice %arg3[%add3A_42] : memref<131072xi32, #tpu.memory_space<hbm>> -> memref<512xi32, #tpu.memory_space<hbm>>
      %dma_start3A_66 = tpu.memref_slice %arg3[%add3A_42] : memref<131072xi32, #tpu.memory_space<hbm>> -> memref<512xi32, #tpu.memory_space<hbm>>
      tpu.enqueue_dma source(%dma_start3A_66 : memref<512xi32, #tpu.memory_space<hbm>>) target(%arg5 : memref<512xi32, #tpu.memory_space<vmem>>) target_semaphore(%run_scoped3A : memref<!tpu.dma_semaphore, #tpu.memory_space<semaphore_mem>>)
      %dma_wait3A_67 = tpu.memref_slice %arg3[%add3A_42] : memref<131072xi32, #tpu.memory_space<hbm>> -> memref<512xi32, #tpu.memory_space<hbm>>
      %dma_wait3A_68 = tpu.memref_slice %arg3[%add3A_42] : memref<131072xi32, #tpu.memory_space<hbm>> -> memref<512xi32, #tpu.memory_space<hbm>>
      tpu.wait_dma2 semaphore(%run_scoped3A : memref<!tpu.dma_semaphore, #tpu.memory_space<semaphore_mem>>) src(%dma_wait3A_68 : memref<512xi32, #tpu.memory_space<hbm>>) dst(%arg5 : memref<512xi32, #tpu.memory_space<vmem>>)
      tpu.yield
    }) : () -> ()
    %dma_start3A_43 = arith.constant 0 : i32
    %dma_start3A_44 = arith.constant 0 : i32
    %dma_start3A_45 = tpu.memref_slice %arg2[%dma_start3A_43, %dma_start3A_44] : memref<8192x128xf32, #tpu.memory_space<hbm>> -> memref<8192x128xf32, #tpu.memory_space<hbm>>
    tpu.enqueue_indirect_dma source(%dma_start3A_45 : memref<8192x128xf32, #tpu.memory_space<hbm>>) target(%arg6 : memref<512x128xf32, #tpu.memory_space<vmem>>) offsets(%arg5 : memref<512xi32, #tpu.memory_space<vmem>>) semaphore(%arg7 : memref<!tpu.dma_semaphore, #tpu.memory_space<semaphore_mem>>)
    %dma_wait3A_46 = arith.constant 0 : i32
    %dma_wait3A_47 = arith.constant 0 : i32
    %dma_wait3A_48 = tpu.memref_slice %arg2[%dma_wait3A_46, %dma_wait3A_47] : memref<8192x128xf32, #tpu.memory_space<hbm>> -> memref<8192x128xf32, #tpu.memory_space<hbm>>
    tpu.wait_indirect_dma semaphore(%arg7 : memref<!tpu.dma_semaphore, #tpu.memory_space<semaphore_mem>>) src(%dma_wait3A_48 : memref<8192x128xf32, #tpu.memory_space<hbm>>) dst(%arg6 : memref<512x128xf32, #tpu.memory_space<vmem>>)
    "tpu.region"() ({
      %run_scoped3A = tpu.sem_alloc : memref<!tpu.dma_semaphore, #tpu.memory_space<semaphore_mem>>
      %dma_start3A_65 = arith.constant 0 : i32
      %dma_start3A_66 = tpu.memref_slice %arg4[%add3A_42, %dma_start3A_65] : memref<131072x128xf32, #tpu.memory_space<hbm>> -> memref<512x128xf32, #tpu.memory_space<hbm>>
      %dma_start3A_67 = arith.constant 0 : i32
      %dma_start3A_68 = tpu.memref_slice %arg4[%add3A_42, %dma_start3A_67] : memref<131072x128xf32, #tpu.memory_space<hbm>> -> memref<512x128xf32, #tpu.memory_space<hbm>>
      tpu.enqueue_dma source(%arg6 : memref<512x128xf32, #tpu.memory_space<vmem>>) target(%dma_start3A_68 : memref<512x128xf32, #tpu.memory_space<hbm>>) target_semaphore(%run_scoped3A : memref<!tpu.dma_semaphore, #tpu.memory_space<semaphore_mem>>)
      %dma_wait3A_69 = arith.constant 0 : i32
      %dma_wait3A_70 = tpu.memref_slice %arg4[%add3A_42, %dma_wait3A_69] : memref<131072x128xf32, #tpu.memory_space<hbm>> -> memref<512x128xf32, #tpu.memory_space<hbm>>
      %dma_wait3A_71 = arith.constant 0 : i32
      %dma_wait3A_72 = tpu.memref_slice %arg4[%add3A_42, %dma_wait3A_71] : memref<131072x128xf32, #tpu.memory_space<hbm>> -> memref<512x128xf32, #tpu.memory_space<hbm>>
      tpu.wait_dma2 semaphore(%run_scoped3A : memref<!tpu.dma_semaphore, #tpu.memory_space<semaphore_mem>>) src(%arg6 : memref<512x128xf32, #tpu.memory_space<vmem>>) dst(%dma_wait3A_72 : memref<512x128xf32, #tpu.memory_space<hbm>>)
      tpu.yield
    }) : () -> ()
    %add3A_49 = arith.constant 3072 : i32
    %add3A_50 = arith.addi %mul3A_2, %add3A_49 : i32
    "tpu.region"() ({
      %run_scoped3A = tpu.sem_alloc : memref<!tpu.dma_semaphore, #tpu.memory_space<semaphore_mem>>
      %dma_start3A_65 = tpu.memref_slice %arg3[%add3A_50] : memref<131072xi32, #tpu.memory_space<hbm>> -> memref<512xi32, #tpu.memory_space<hbm>>
      %dma_start3A_66 = tpu.memref_slice %arg3[%add3A_50] : memref<131072xi32, #tpu.memory_space<hbm>> -> memref<512xi32, #tpu.memory_space<hbm>>
      tpu.enqueue_dma source(%dma_start3A_66 : memref<512xi32, #tpu.memory_space<hbm>>) target(%arg5 : memref<512xi32, #tpu.memory_space<vmem>>) target_semaphore(%run_scoped3A : memref<!tpu.dma_semaphore, #tpu.memory_space<semaphore_mem>>)
      %dma_wait3A_67 = tpu.memref_slice %arg3[%add3A_50] : memref<131072xi32, #tpu.memory_space<hbm>> -> memref<512xi32, #tpu.memory_space<hbm>>
      %dma_wait3A_68 = tpu.memref_slice %arg3[%add3A_50] : memref<131072xi32, #tpu.memory_space<hbm>> -> memref<512xi32, #tpu.memory_space<hbm>>
      tpu.wait_dma2 semaphore(%run_scoped3A : memref<!tpu.dma_semaphore, #tpu.memory_space<semaphore_mem>>) src(%dma_wait3A_68 : memref<512xi32, #tpu.memory_space<hbm>>) dst(%arg5 : memref<512xi32, #tpu.memory_space<vmem>>)
      tpu.yield
    }) : () -> ()
    %dma_start3A_51 = arith.constant 0 : i32
    %dma_start3A_52 = arith.constant 0 : i32
    %dma_start3A_53 = tpu.memref_slice %arg2[%dma_start3A_51, %dma_start3A_52] : memref<8192x128xf32, #tpu.memory_space<hbm>> -> memref<8192x128xf32, #tpu.memory_space<hbm>>
    tpu.enqueue_indirect_dma source(%dma_start3A_53 : memref<8192x128xf32, #tpu.memory_space<hbm>>) target(%arg6 : memref<512x128xf32, #tpu.memory_space<vmem>>) offsets(%arg5 : memref<512xi32, #tpu.memory_space<vmem>>) semaphore(%arg7 : memref<!tpu.dma_semaphore, #tpu.memory_space<semaphore_mem>>)
    %dma_wait3A_54 = arith.constant 0 : i32
    %dma_wait3A_55 = arith.constant 0 : i32
    %dma_wait3A_56 = tpu.memref_slice %arg2[%dma_wait3A_54, %dma_wait3A_55] : memref<8192x128xf32, #tpu.memory_space<hbm>> -> memref<8192x128xf32, #tpu.memory_space<hbm>>
    tpu.wait_indirect_dma semaphore(%arg7 : memref<!tpu.dma_semaphore, #tpu.memory_space<semaphore_mem>>) src(%dma_wait3A_56 : memref<8192x128xf32, #tpu.memory_space<hbm>>) dst(%arg6 : memref<512x128xf32, #tpu.memory_space<vmem>>)
    "tpu.region"() ({
      %run_scoped3A = tpu.sem_alloc : memref<!tpu.dma_semaphore, #tpu.memory_space<semaphore_mem>>
      %dma_start3A_65 = arith.constant 0 : i32
      %dma_start3A_66 = tpu.memref_slice %arg4[%add3A_50, %dma_start3A_65] : memref<131072x128xf32, #tpu.memory_space<hbm>> -> memref<512x128xf32, #tpu.memory_space<hbm>>
      %dma_start3A_67 = arith.constant 0 : i32
      %dma_start3A_68 = tpu.memref_slice %arg4[%add3A_50, %dma_start3A_67] : memref<131072x128xf32, #tpu.memory_space<hbm>> -> memref<512x128xf32, #tpu.memory_space<hbm>>
      tpu.enqueue_dma source(%arg6 : memref<512x128xf32, #tpu.memory_space<vmem>>) target(%dma_start3A_68 : memref<512x128xf32, #tpu.memory_space<hbm>>) target_semaphore(%run_scoped3A : memref<!tpu.dma_semaphore, #tpu.memory_space<semaphore_mem>>)
      %dma_wait3A_69 = arith.constant 0 : i32
      %dma_wait3A_70 = tpu.memref_slice %arg4[%add3A_50, %dma_wait3A_69] : memref<131072x128xf32, #tpu.memory_space<hbm>> -> memref<512x128xf32, #tpu.memory_space<hbm>>
      %dma_wait3A_71 = arith.constant 0 : i32
      %dma_wait3A_72 = tpu.memref_slice %arg4[%add3A_50, %dma_wait3A_71] : memref<131072x128xf32, #tpu.memory_space<hbm>> -> memref<512x128xf32, #tpu.memory_space<hbm>>
      tpu.wait_dma2 semaphore(%run_scoped3A : memref<!tpu.dma_semaphore, #tpu.memory_space<semaphore_mem>>) src(%arg6 : memref<512x128xf32, #tpu.memory_space<vmem>>) dst(%dma_wait3A_72 : memref<512x128xf32, #tpu.memory_space<hbm>>)
      tpu.yield
    }) : () -> ()
    %add3A_57 = arith.constant 3584 : i32
    %add3A_58 = arith.addi %mul3A_2, %add3A_57 : i32
    "tpu.region"() ({
      %run_scoped3A = tpu.sem_alloc : memref<!tpu.dma_semaphore, #tpu.memory_space<semaphore_mem>>
      %dma_start3A_65 = tpu.memref_slice %arg3[%add3A_58] : memref<131072xi32, #tpu.memory_space<hbm>> -> memref<512xi32, #tpu.memory_space<hbm>>
      %dma_start3A_66 = tpu.memref_slice %arg3[%add3A_58] : memref<131072xi32, #tpu.memory_space<hbm>> -> memref<512xi32, #tpu.memory_space<hbm>>
      tpu.enqueue_dma source(%dma_start3A_66 : memref<512xi32, #tpu.memory_space<hbm>>) target(%arg5 : memref<512xi32, #tpu.memory_space<vmem>>) target_semaphore(%run_scoped3A : memref<!tpu.dma_semaphore, #tpu.memory_space<semaphore_mem>>)
      %dma_wait3A_67 = tpu.memref_slice %arg3[%add3A_58] : memref<131072xi32, #tpu.memory_space<hbm>> -> memref<512xi32, #tpu.memory_space<hbm>>
      %dma_wait3A_68 = tpu.memref_slice %arg3[%add3A_58] : memref<131072xi32, #tpu.memory_space<hbm>> -> memref<512xi32, #tpu.memory_space<hbm>>
      tpu.wait_dma2 semaphore(%run_scoped3A : memref<!tpu.dma_semaphore, #tpu.memory_space<semaphore_mem>>) src(%dma_wait3A_68 : memref<512xi32, #tpu.memory_space<hbm>>) dst(%arg5 : memref<512xi32, #tpu.memory_space<vmem>>)
      tpu.yield
    }) : () -> ()
    %dma_start3A_59 = arith.constant 0 : i32
    %dma_start3A_60 = arith.constant 0 : i32
    %dma_start3A_61 = tpu.memref_slice %arg2[%dma_start3A_59, %dma_start3A_60] : memref<8192x128xf32, #tpu.memory_space<hbm>> -> memref<8192x128xf32, #tpu.memory_space<hbm>>
    tpu.enqueue_indirect_dma source(%dma_start3A_61 : memref<8192x128xf32, #tpu.memory_space<hbm>>) target(%arg6 : memref<512x128xf32, #tpu.memory_space<vmem>>) offsets(%arg5 : memref<512xi32, #tpu.memory_space<vmem>>) semaphore(%arg7 : memref<!tpu.dma_semaphore, #tpu.memory_space<semaphore_mem>>)
    %dma_wait3A_62 = arith.constant 0 : i32
    %dma_wait3A_63 = arith.constant 0 : i32
    %dma_wait3A_64 = tpu.memref_slice %arg2[%dma_wait3A_62, %dma_wait3A_63] : memref<8192x128xf32, #tpu.memory_space<hbm>> -> memref<8192x128xf32, #tpu.memory_space<hbm>>
    tpu.wait_indirect_dma semaphore(%arg7 : memref<!tpu.dma_semaphore, #tpu.memory_space<semaphore_mem>>) src(%dma_wait3A_64 : memref<8192x128xf32, #tpu.memory_space<hbm>>) dst(%arg6 : memref<512x128xf32, #tpu.memory_space<vmem>>)
    "tpu.region"() ({
      %run_scoped3A = tpu.sem_alloc : memref<!tpu.dma_semaphore, #tpu.memory_space<semaphore_mem>>
      %dma_start3A_65 = arith.constant 0 : i32
      %dma_start3A_66 = tpu.memref_slice %arg4[%add3A_58, %dma_start3A_65] : memref<131072x128xf32, #tpu.memory_space<hbm>> -> memref<512x128xf32, #tpu.memory_space<hbm>>
      %dma_start3A_67 = arith.constant 0 : i32
      %dma_start3A_68 = tpu.memref_slice %arg4[%add3A_58, %dma_start3A_67] : memref<131072x128xf32, #tpu.memory_space<hbm>> -> memref<512x128xf32, #tpu.memory_space<hbm>>
      tpu.enqueue_dma source(%arg6 : memref<512x128xf32, #tpu.memory_space<vmem>>) target(%dma_start3A_68 : memref<512x128xf32, #tpu.memory_space<hbm>>) target_semaphore(%run_scoped3A : memref<!tpu.dma_semaphore, #tpu.memory_space<semaphore_mem>>)
      %dma_wait3A_69 = arith.constant 0 : i32
      %dma_wait3A_70 = tpu.memref_slice %arg4[%add3A_58, %dma_wait3A_69] : memref<131072x128xf32, #tpu.memory_space<hbm>> -> memref<512x128xf32, #tpu.memory_space<hbm>>
      %dma_wait3A_71 = arith.constant 0 : i32
      %dma_wait3A_72 = tpu.memref_slice %arg4[%add3A_58, %dma_wait3A_71] : memref<131072x128xf32, #tpu.memory_space<hbm>> -> memref<512x128xf32, #tpu.memory_space<hbm>>
      tpu.wait_dma2 semaphore(%run_scoped3A : memref<!tpu.dma_semaphore, #tpu.memory_space<semaphore_mem>>) src(%arg6 : memref<512x128xf32, #tpu.memory_space<vmem>>) dst(%dma_wait3A_72 : memref<512x128xf32, #tpu.memory_space<hbm>>)
      tpu.yield
    }) : () -> ()
    return
  }
}

#map = affine_map<(d0, d1) -> (0, 0)>
#map1 = affine_map<(d0, d1) -> (0)>
module attributes {stable_mosaic.version = 14 : i64} {
  func.func @g(%arg0: i32, %arg1: i32, %arg2: memref<8192x128xf32, #tpu.memory_space<hbm>>, %arg3: memref<131072xi32, #tpu.memory_space<hbm>>, %arg4: memref<131072x128xf32, #tpu.memory_space<hbm>>, %arg5: memref<512xi32, #tpu.memory_space<vmem>>, %arg6: memref<512x128xf32, #tpu.memory_space<vmem>>, %arg7: memref<!tpu.dma_semaphore, #tpu.memory_space<semaphore_mem>>) attributes {dimension_semantics = [#tpu.dimension_semantics<core_parallel>, #tpu.dimension_semantics<subcore_parallel>], iteration_bounds = array<i64: 2, 16>, scalar_prefetch = 0 : i64, scratch_operands = 3 : i64, tpu.core_type = #tpu.core_type<sc_vector_subcore>, window_params = [{transform_indices = #map}, {transform_indices = #map1}, {transform_indices = #map}]} {
    %mul3A = arith.constant 2 : i32
    %mul3A_0 = arith.muli %arg1, %mul3A : i32
    %add3A = arith.addi %mul3A_0, %arg0 : i32
    %mul3A_1 = arith.constant 4096 : i32
    %mul3A_2 = arith.muli %add3A, %mul3A_1 : i32
    %add3A_3 = arith.constant 0 : i32
    %add3A_4 = arith.addi %mul3A_2, %add3A_3 : i32
    "tpu.region"() ({
      %run_scoped3A = tpu.sem_alloc : memref<!tpu.dma_semaphore, #tpu.memory_space<semaphore_mem>>
      %dma_start3A_65 = tpu.memref_slice %arg3[%add3A_4] : memref<131072xi32, #tpu.memory_space<hbm>> -> memref<512xi32, #tpu.memory_space<hbm>>
      %dma_start3A_66 = tpu.memref_slice %arg3[%add3A_4] : memref<131072xi32, #tpu.memory_space<hbm>> -> memref<512xi32, #tpu.memory_space<hbm>>
      tpu.enqueue_dma source(%dma_start3A_66 : memref<512xi32, #tpu.memory_space<hbm>>) target(%arg5 : memref<512xi32, #tpu.memory_space<vmem>>) target_semaphore(%run_scoped3A : memref<!tpu.dma_semaphore, #tpu.memory_space<semaphore_mem>>)
      %dma_wait3A_67 = tpu.memref_slice %arg3[%add3A_4] : memref<131072xi32, #tpu.memory_space<hbm>> -> memref<512xi32, #tpu.memory_space<hbm>>
      %dma_wait3A_68 = tpu.memref_slice %arg3[%add3A_4] : memref<131072xi32, #tpu.memory_space<hbm>> -> memref<512xi32, #tpu.memory_space<hbm>>
      tpu.wait_dma2 semaphore(%run_scoped3A : memref<!tpu.dma_semaphore, #tpu.memory_space<semaphore_mem>>) src(%dma_wait3A_68 : memref<512xi32, #tpu.memory_space<hbm>>) dst(%arg5 : memref<512xi32, #tpu.memory_space<vmem>>)
      tpu.yield
    }) : () -> ()
    %dma_start3A = arith.constant 0 : i32
    %dma_start3A_5 = arith.constant 0 : i32
    %dma_start3A_6 = tpu.memref_slice %arg2[%dma_start3A, %dma_start3A_5] : memref<8192x128xf32, #tpu.memory_space<hbm>> -> memref<8192x128xf32, #tpu.memory_space<hbm>>
    tpu.enqueue_indirect_dma source(%dma_start3A_6 : memref<8192x128xf32, #tpu.memory_space<hbm>>) target(%arg6 : memref<512x128xf32, #tpu.memory_space<vmem>>) offsets(%arg5 : memref<512xi32, #tpu.memory_space<vmem>>) semaphore(%arg7 : memref<!tpu.dma_semaphore, #tpu.memory_space<semaphore_mem>>)
    %dma_wait3A = arith.constant 0 : i32
    %dma_wait3A_7 = arith.constant 0 : i32
    %dma_wait3A_8 = tpu.memref_slice %arg2[%dma_wait3A, %dma_wait3A_7] : memref<8192x128xf32, #tpu.memory_space<hbm>> -> memref<8192x128xf32, #tpu.memory_space<hbm>>
    tpu.wait_indirect_dma semaphore(%arg7 : memref<!tpu.dma_semaphore, #tpu.memory_space<semaphore_mem>>) src(%dma_wait3A_8 : memref<8192x128xf32, #tpu.memory_space<hbm>>) dst(%arg6 : memref<512x128xf32, #tpu.memory_space<vmem>>)
    "tpu.region"() ({
      %run_scoped3A = tpu.sem_alloc : memref<!tpu.dma_semaphore, #tpu.memory_space<semaphore_mem>>
      %dma_start3A_65 = arith.constant 0 : i32
      %dma_start3A_66 = tpu.memref_slice %arg4[%add3A_4, %dma_start3A_65] : memref<131072x128xf32, #tpu.memory_space<hbm>> -> memref<512x128xf32, #tpu.memory_space<hbm>>
      %dma_start3A_67 = arith.constant 0 : i32
      %dma_start3A_68 = tpu.memref_slice %arg4[%add3A_4, %dma_start3A_67] : memref<131072x128xf32, #tpu.memory_space<hbm>> -> memref<512x128xf32, #tpu.memory_space<hbm>>
      tpu.enqueue_dma source(%arg6 : memref<512x128xf32, #tpu.memory_space<vmem>>) target(%dma_start3A_68 : memref<512x128xf32, #tpu.memory_space<hbm>>) target_semaphore(%run_scoped3A : memref<!tpu.dma_semaphore, #tpu.memory_space<semaphore_mem>>)
      %dma_wait3A_69 = arith.constant 0 : i32
      %dma_wait3A_70 = tpu.memref_slice %arg4[%add3A_4, %dma_wait3A_69] : memref<131072x128xf32, #tpu.memory_space<hbm>> -> memref<512x128xf32, #tpu.memory_space<hbm>>
      %dma_wait3A_71 = arith.constant 0 : i32
      %dma_wait3A_72 = tpu.memref_slice %arg4[%add3A_4, %dma_wait3A_71] : memref<131072x128xf32, #tpu.memory_space<hbm>> -> memref<512x128xf32, #tpu.memory_space<hbm>>
      tpu.wait_dma2 semaphore(%run_scoped3A : memref<!tpu.dma_semaphore, #tpu.memory_space<semaphore_mem>>) src(%arg6 : memref<512x128xf32, #tpu.memory_space<vmem>>) dst(%dma_wait3A_72 : memref<512x128xf32, #tpu.memory_space<hbm>>)
      tpu.yield
    }) : () -> ()
    %add3A_9 = arith.constant 512 : i32
    %add3A_10 = arith.addi %mul3A_2, %add3A_9 : i32
    "tpu.region"() ({
      %run_scoped3A = tpu.sem_alloc : memref<!tpu.dma_semaphore, #tpu.memory_space<semaphore_mem>>
      %dma_start3A_65 = tpu.memref_slice %arg3[%add3A_10] : memref<131072xi32, #tpu.memory_space<hbm>> -> memref<512xi32, #tpu.memory_space<hbm>>
      %dma_start3A_66 = tpu.memref_slice %arg3[%add3A_10] : memref<131072xi32, #tpu.memory_space<hbm>> -> memref<512xi32, #tpu.memory_space<hbm>>
      tpu.enqueue_dma source(%dma_start3A_66 : memref<512xi32, #tpu.memory_space<hbm>>) target(%arg5 : memref<512xi32, #tpu.memory_space<vmem>>) target_semaphore(%run_scoped3A : memref<!tpu.dma_semaphore, #tpu.memory_space<semaphore_mem>>)
      %dma_wait3A_67 = tpu.memref_slice %arg3[%add3A_10] : memref<131072xi32, #tpu.memory_space<hbm>> -> memref<512xi32, #tpu.memory_space<hbm>>
      %dma_wait3A_68 = tpu.memref_slice %arg3[%add3A_10] : memref<131072xi32, #tpu.memory_space<hbm>> -> memref<512xi32, #tpu.memory_space<hbm>>
      tpu.wait_dma2 semaphore(%run_scoped3A : memref<!tpu.dma_semaphore, #tpu.memory_space<semaphore_mem>>) src(%dma_wait3A_68 : memref<512xi32, #tpu.memory_space<hbm>>) dst(%arg5 : memref<512xi32, #tpu.memory_space<vmem>>)
      tpu.yield
    }) : () -> ()
    %dma_start3A_11 = arith.constant 0 : i32
    %dma_start3A_12 = arith.constant 0 : i32
    %dma_start3A_13 = tpu.memref_slice %arg2[%dma_start3A_11, %dma_start3A_12] : memref<8192x128xf32, #tpu.memory_space<hbm>> -> memref<8192x128xf32, #tpu.memory_space<hbm>>
    tpu.enqueue_indirect_dma source(%dma_start3A_13 : memref<8192x128xf32, #tpu.memory_space<hbm>>) target(%arg6 : memref<512x128xf32, #tpu.memory_space<vmem>>) offsets(%arg5 : memref<512xi32, #tpu.memory_space<vmem>>) semaphore(%arg7 : memref<!tpu.dma_semaphore, #tpu.memory_space<semaphore_mem>>)
    %dma_wait3A_14 = arith.constant 0 : i32
    %dma_wait3A_15 = arith.constant 0 : i32
    %dma_wait3A_16 = tpu.memref_slice %arg2[%dma_wait3A_14, %dma_wait3A_15] : memref<8192x128xf32, #tpu.memory_space<hbm>> -> memref<8192x128xf32, #tpu.memory_space<hbm>>
    tpu.wait_indirect_dma semaphore(%arg7 : memref<!tpu.dma_semaphore, #tpu.memory_space<semaphore_mem>>) src(%dma_wait3A_16 : memref<8192x128xf32, #tpu.memory_space<hbm>>) dst(%arg6 : memref<512x128xf32, #tpu.memory_space<vmem>>)
    "tpu.region"() ({
      %run_scoped3A = tpu.sem_alloc : memref<!tpu.dma_semaphore, #tpu.memory_space<semaphore_mem>>
      %dma_start3A_65 = arith.constant 0 : i32
      %dma_start3A_66 = tpu.memref_slice %arg4[%add3A_10, %dma_start3A_65] : memref<131072x128xf32, #tpu.memory_space<hbm>> -> memref<512x128xf32, #tpu.memory_space<hbm>>
      %dma_start3A_67 = arith.constant 0 : i32
      %dma_start3A_68 = tpu.memref_slice %arg4[%add3A_10, %dma_start3A_67] : memref<131072x128xf32, #tpu.memory_space<hbm>> -> memref<512x128xf32, #tpu.memory_space<hbm>>
      tpu.enqueue_dma source(%arg6 : memref<512x128xf32, #tpu.memory_space<vmem>>) target(%dma_start3A_68 : memref<512x128xf32, #tpu.memory_space<hbm>>) target_semaphore(%run_scoped3A : memref<!tpu.dma_semaphore, #tpu.memory_space<semaphore_mem>>)
      %dma_wait3A_69 = arith.constant 0 : i32
      %dma_wait3A_70 = tpu.memref_slice %arg4[%add3A_10, %dma_wait3A_69] : memref<131072x128xf32, #tpu.memory_space<hbm>> -> memref<512x128xf32, #tpu.memory_space<hbm>>
      %dma_wait3A_71 = arith.constant 0 : i32
      %dma_wait3A_72 = tpu.memref_slice %arg4[%add3A_10, %dma_wait3A_71] : memref<131072x128xf32, #tpu.memory_space<hbm>> -> memref<512x128xf32, #tpu.memory_space<hbm>>
      tpu.wait_dma2 semaphore(%run_scoped3A : memref<!tpu.dma_semaphore, #tpu.memory_space<semaphore_mem>>) src(%arg6 : memref<512x128xf32, #tpu.memory_space<vmem>>) dst(%dma_wait3A_72 : memref<512x128xf32, #tpu.memory_space<hbm>>)
      tpu.yield
    }) : () -> ()
    %add3A_17 = arith.constant 1024 : i32
    %add3A_18 = arith.addi %mul3A_2, %add3A_17 : i32
    "tpu.region"() ({
      %run_scoped3A = tpu.sem_alloc : memref<!tpu.dma_semaphore, #tpu.memory_space<semaphore_mem>>
      %dma_start3A_65 = tpu.memref_slice %arg3[%add3A_18] : memref<131072xi32, #tpu.memory_space<hbm>> -> memref<512xi32, #tpu.memory_space<hbm>>
      %dma_start3A_66 = tpu.memref_slice %arg3[%add3A_18] : memref<131072xi32, #tpu.memory_space<hbm>> -> memref<512xi32, #tpu.memory_space<hbm>>
      tpu.enqueue_dma source(%dma_start3A_66 : memref<512xi32, #tpu.memory_space<hbm>>) target(%arg5 : memref<512xi32, #tpu.memory_space<vmem>>) target_semaphore(%run_scoped3A : memref<!tpu.dma_semaphore, #tpu.memory_space<semaphore_mem>>)
      %dma_wait3A_67 = tpu.memref_slice %arg3[%add3A_18] : memref<131072xi32, #tpu.memory_space<hbm>> -> memref<512xi32, #tpu.memory_space<hbm>>
      %dma_wait3A_68 = tpu.memref_slice %arg3[%add3A_18] : memref<131072xi32, #tpu.memory_space<hbm>> -> memref<512xi32, #tpu.memory_space<hbm>>
      tpu.wait_dma2 semaphore(%run_scoped3A : memref<!tpu.dma_semaphore, #tpu.memory_space<semaphore_mem>>) src(%dma_wait3A_68 : memref<512xi32, #tpu.memory_space<hbm>>) dst(%arg5 : memref<512xi32, #tpu.memory_space<vmem>>)
      tpu.yield
    }) : () -> ()
    %dma_start3A_19 = arith.constant 0 : i32
    %dma_start3A_20 = arith.constant 0 : i32
    %dma_start3A_21 = tpu.memref_slice %arg2[%dma_start3A_19, %dma_start3A_20] : memref<8192x128xf32, #tpu.memory_space<hbm>> -> memref<8192x128xf32, #tpu.memory_space<hbm>>
    tpu.enqueue_indirect_dma source(%dma_start3A_21 : memref<8192x128xf32, #tpu.memory_space<hbm>>) target(%arg6 : memref<512x128xf32, #tpu.memory_space<vmem>>) offsets(%arg5 : memref<512xi32, #tpu.memory_space<vmem>>) semaphore(%arg7 : memref<!tpu.dma_semaphore, #tpu.memory_space<semaphore_mem>>)
    %dma_wait3A_22 = arith.constant 0 : i32
    %dma_wait3A_23 = arith.constant 0 : i32
    %dma_wait3A_24 = tpu.memref_slice %arg2[%dma_wait3A_22, %dma_wait3A_23] : memref<8192x128xf32, #tpu.memory_space<hbm>> -> memref<8192x128xf32, #tpu.memory_space<hbm>>
    tpu.wait_indirect_dma semaphore(%arg7 : memref<!tpu.dma_semaphore, #tpu.memory_space<semaphore_mem>>) src(%dma_wait3A_24 : memref<8192x128xf32, #tpu.memory_space<hbm>>) dst(%arg6 : memref<512x128xf32, #tpu.memory_space<vmem>>)
    "tpu.region"() ({
      %run_scoped3A = tpu.sem_alloc : memref<!tpu.dma_semaphore, #tpu.memory_space<semaphore_mem>>
      %dma_start3A_65 = arith.constant 0 : i32
      %dma_start3A_66 = tpu.memref_slice %arg4[%add3A_18, %dma_start3A_65] : memref<131072x128xf32, #tpu.memory_space<hbm>> -> memref<512x128xf32, #tpu.memory_space<hbm>>
      %dma_start3A_67 = arith.constant 0 : i32
      %dma_start3A_68 = tpu.memref_slice %arg4[%add3A_18, %dma_start3A_67] : memref<131072x128xf32, #tpu.memory_space<hbm>> -> memref<512x128xf32, #tpu.memory_space<hbm>>
      tpu.enqueue_dma source(%arg6 : memref<512x128xf32, #tpu.memory_space<vmem>>) target(%dma_start3A_68 : memref<512x128xf32, #tpu.memory_space<hbm>>) target_semaphore(%run_scoped3A : memref<!tpu.dma_semaphore, #tpu.memory_space<semaphore_mem>>)
      %dma_wait3A_69 = arith.constant 0 : i32
      %dma_wait3A_70 = tpu.memref_slice %arg4[%add3A_18, %dma_wait3A_69] : memref<131072x128xf32, #tpu.memory_space<hbm>> -> memref<512x128xf32, #tpu.memory_space<hbm>>
      %dma_wait3A_71 = arith.constant 0 : i32
      %dma_wait3A_72 = tpu.memref_slice %arg4[%add3A_18, %dma_wait3A_71] : memref<131072x128xf32, #tpu.memory_space<hbm>> -> memref<512x128xf32, #tpu.memory_space<hbm>>
      tpu.wait_dma2 semaphore(%run_scoped3A : memref<!tpu.dma_semaphore, #tpu.memory_space<semaphore_mem>>) src(%arg6 : memref<512x128xf32, #tpu.memory_space<vmem>>) dst(%dma_wait3A_72 : memref<512x128xf32, #tpu.memory_space<hbm>>)
      tpu.yield
    }) : () -> ()
    %add3A_25 = arith.constant 1536 : i32
    %add3A_26 = arith.addi %mul3A_2, %add3A_25 : i32
    "tpu.region"() ({
      %run_scoped3A = tpu.sem_alloc : memref<!tpu.dma_semaphore, #tpu.memory_space<semaphore_mem>>
      %dma_start3A_65 = tpu.memref_slice %arg3[%add3A_26] : memref<131072xi32, #tpu.memory_space<hbm>> -> memref<512xi32, #tpu.memory_space<hbm>>
      %dma_start3A_66 = tpu.memref_slice %arg3[%add3A_26] : memref<131072xi32, #tpu.memory_space<hbm>> -> memref<512xi32, #tpu.memory_space<hbm>>
      tpu.enqueue_dma source(%dma_start3A_66 : memref<512xi32, #tpu.memory_space<hbm>>) target(%arg5 : memref<512xi32, #tpu.memory_space<vmem>>) target_semaphore(%run_scoped3A : memref<!tpu.dma_semaphore, #tpu.memory_space<semaphore_mem>>)
      %dma_wait3A_67 = tpu.memref_slice %arg3[%add3A_26] : memref<131072xi32, #tpu.memory_space<hbm>> -> memref<512xi32, #tpu.memory_space<hbm>>
      %dma_wait3A_68 = tpu.memref_slice %arg3[%add3A_26] : memref<131072xi32, #tpu.memory_space<hbm>> -> memref<512xi32, #tpu.memory_space<hbm>>
      tpu.wait_dma2 semaphore(%run_scoped3A : memref<!tpu.dma_semaphore, #tpu.memory_space<semaphore_mem>>) src(%dma_wait3A_68 : memref<512xi32, #tpu.memory_space<hbm>>) dst(%arg5 : memref<512xi32, #tpu.memory_space<vmem>>)
      tpu.yield
    }) : () -> ()
    %dma_start3A_27 = arith.constant 0 : i32
    %dma_start3A_28 = arith.constant 0 : i32
    %dma_start3A_29 = tpu.memref_slice %arg2[%dma_start3A_27, %dma_start3A_28] : memref<8192x128xf32, #tpu.memory_space<hbm>> -> memref<8192x128xf32, #tpu.memory_space<hbm>>
    tpu.enqueue_indirect_dma source(%dma_start3A_29 : memref<8192x128xf32, #tpu.memory_space<hbm>>) target(%arg6 : memref<512x128xf32, #tpu.memory_space<vmem>>) offsets(%arg5 : memref<512xi32, #tpu.memory_space<vmem>>) semaphore(%arg7 : memref<!tpu.dma_semaphore, #tpu.memory_space<semaphore_mem>>)
    %dma_wait3A_30 = arith.constant 0 : i32
    %dma_wait3A_31 = arith.constant 0 : i32
    %dma_wait3A_32 = tpu.memref_slice %arg2[%dma_wait3A_30, %dma_wait3A_31] : memref<8192x128xf32, #tpu.memory_space<hbm>> -> memref<8192x128xf32, #tpu.memory_space<hbm>>
    tpu.wait_indirect_dma semaphore(%arg7 : memref<!tpu.dma_semaphore, #tpu.memory_space<semaphore_mem>>) src(%dma_wait3A_32 : memref<8192x128xf32, #tpu.memory_space<hbm>>) dst(%arg6 : memref<512x128xf32, #tpu.memory_space<vmem>>)
    "tpu.region"() ({
      %run_scoped3A = tpu.sem_alloc : memref<!tpu.dma_semaphore, #tpu.memory_space<semaphore_mem>>
      %dma_start3A_65 = arith.constant 0 : i32
      %dma_start3A_66 = tpu.memref_slice %arg4[%add3A_26, %dma_start3A_65] : memref<131072x128xf32, #tpu.memory_space<hbm>> -> memref<512x128xf32, #tpu.memory_space<hbm>>
      %dma_start3A_67 = arith.constant 0 : i32
      %dma_start3A_68 = tpu.memref_slice %arg4[%add3A_26, %dma_start3A_67] : memref<131072x128xf32, #tpu.memory_space<hbm>> -> memref<512x128xf32, #tpu.memory_space<hbm>>
      tpu.enqueue_dma source(%arg6 : memref<512x128xf32, #tpu.memory_space<vmem>>) target(%dma_start3A_68 : memref<512x128xf32, #tpu.memory_space<hbm>>) target_semaphore(%run_scoped3A : memref<!tpu.dma_semaphore, #tpu.memory_space<semaphore_mem>>)
      %dma_wait3A_69 = arith.constant 0 : i32
      %dma_wait3A_70 = tpu.memref_slice %arg4[%add3A_26, %dma_wait3A_69] : memref<131072x128xf32, #tpu.memory_space<hbm>> -> memref<512x128xf32, #tpu.memory_space<hbm>>
      %dma_wait3A_71 = arith.constant 0 : i32
      %dma_wait3A_72 = tpu.memref_slice %arg4[%add3A_26, %dma_wait3A_71] : memref<131072x128xf32, #tpu.memory_space<hbm>> -> memref<512x128xf32, #tpu.memory_space<hbm>>
      tpu.wait_dma2 semaphore(%run_scoped3A : memref<!tpu.dma_semaphore, #tpu.memory_space<semaphore_mem>>) src(%arg6 : memref<512x128xf32, #tpu.memory_space<vmem>>) dst(%dma_wait3A_72 : memref<512x128xf32, #tpu.memory_space<hbm>>)
      tpu.yield
    }) : () -> ()
    %add3A_33 = arith.constant 2048 : i32
    %add3A_34 = arith.addi %mul3A_2, %add3A_33 : i32
    "tpu.region"() ({
      %run_scoped3A = tpu.sem_alloc : memref<!tpu.dma_semaphore, #tpu.memory_space<semaphore_mem>>
      %dma_start3A_65 = tpu.memref_slice %arg3[%add3A_34] : memref<131072xi32, #tpu.memory_space<hbm>> -> memref<512xi32, #tpu.memory_space<hbm>>
      %dma_start3A_66 = tpu.memref_slice %arg3[%add3A_34] : memref<131072xi32, #tpu.memory_space<hbm>> -> memref<512xi32, #tpu.memory_space<hbm>>
      tpu.enqueue_dma source(%dma_start3A_66 : memref<512xi32, #tpu.memory_space<hbm>>) target(%arg5 : memref<512xi32, #tpu.memory_space<vmem>>) target_semaphore(%run_scoped3A : memref<!tpu.dma_semaphore, #tpu.memory_space<semaphore_mem>>)
      %dma_wait3A_67 = tpu.memref_slice %arg3[%add3A_34] : memref<131072xi32, #tpu.memory_space<hbm>> -> memref<512xi32, #tpu.memory_space<hbm>>
      %dma_wait3A_68 = tpu.memref_slice %arg3[%add3A_34] : memref<131072xi32, #tpu.memory_space<hbm>> -> memref<512xi32, #tpu.memory_space<hbm>>
      tpu.wait_dma2 semaphore(%run_scoped3A : memref<!tpu.dma_semaphore, #tpu.memory_space<semaphore_mem>>) src(%dma_wait3A_68 : memref<512xi32, #tpu.memory_space<hbm>>) dst(%arg5 : memref<512xi32, #tpu.memory_space<vmem>>)
      tpu.yield
    }) : () -> ()
    %dma_start3A_35 = arith.constant 0 : i32
    %dma_start3A_36 = arith.constant 0 : i32
    %dma_start3A_37 = tpu.memref_slice %arg2[%dma_start3A_35, %dma_start3A_36] : memref<8192x128xf32, #tpu.memory_space<hbm>> -> memref<8192x128xf32, #tpu.memory_space<hbm>>
    tpu.enqueue_indirect_dma source(%dma_start3A_37 : memref<8192x128xf32, #tpu.memory_space<hbm>>) target(%arg6 : memref<512x128xf32, #tpu.memory_space<vmem>>) offsets(%arg5 : memref<512xi32, #tpu.memory_space<vmem>>) semaphore(%arg7 : memref<!tpu.dma_semaphore, #tpu.memory_space<semaphore_mem>>)
    %dma_wait3A_38 = arith.constant 0 : i32
    %dma_wait3A_39 = arith.constant 0 : i32
    %dma_wait3A_40 = tpu.memref_slice %arg2[%dma_wait3A_38, %dma_wait3A_39] : memref<8192x128xf32, #tpu.memory_space<hbm>> -> memref<8192x128xf32, #tpu.memory_space<hbm>>
    tpu.wait_indirect_dma semaphore(%arg7 : memref<!tpu.dma_semaphore, #tpu.memory_space<semaphore_mem>>) src(%dma_wait3A_40 : memref<8192x128xf32, #tpu.memory_space<hbm>>) dst(%arg6 : memref<512x128xf32, #tpu.memory_space<vmem>>)
    "tpu.region"() ({
      %run_scoped3A = tpu.sem_alloc : memref<!tpu.dma_semaphore, #tpu.memory_space<semaphore_mem>>
      %dma_start3A_65 = arith.constant 0 : i32
      %dma_start3A_66 = tpu.memref_slice %arg4[%add3A_34, %dma_start3A_65] : memref<131072x128xf32, #tpu.memory_space<hbm>> -> memref<512x128xf32, #tpu.memory_space<hbm>>
      %dma_start3A_67 = arith.constant 0 : i32
      %dma_start3A_68 = tpu.memref_slice %arg4[%add3A_34, %dma_start3A_67] : memref<131072x128xf32, #tpu.memory_space<hbm>> -> memref<512x128xf32, #tpu.memory_space<hbm>>
      tpu.enqueue_dma source(%arg6 : memref<512x128xf32, #tpu.memory_space<vmem>>) target(%dma_start3A_68 : memref<512x128xf32, #tpu.memory_space<hbm>>) target_semaphore(%run_scoped3A : memref<!tpu.dma_semaphore, #tpu.memory_space<semaphore_mem>>)
      %dma_wait3A_69 = arith.constant 0 : i32
      %dma_wait3A_70 = tpu.memref_slice %arg4[%add3A_34, %dma_wait3A_69] : memref<131072x128xf32, #tpu.memory_space<hbm>> -> memref<512x128xf32, #tpu.memory_space<hbm>>
      %dma_wait3A_71 = arith.constant 0 : i32
      %dma_wait3A_72 = tpu.memref_slice %arg4[%add3A_34, %dma_wait3A_71] : memref<131072x128xf32, #tpu.memory_space<hbm>> -> memref<512x128xf32, #tpu.memory_space<hbm>>
      tpu.wait_dma2 semaphore(%run_scoped3A : memref<!tpu.dma_semaphore, #tpu.memory_space<semaphore_mem>>) src(%arg6 : memref<512x128xf32, #tpu.memory_space<vmem>>) dst(%dma_wait3A_72 : memref<512x128xf32, #tpu.memory_space<hbm>>)
      tpu.yield
    }) : () -> ()
    %add3A_41 = arith.constant 2560 : i32
    %add3A_42 = arith.addi %mul3A_2, %add3A_41 : i32
    "tpu.region"() ({
      %run_scoped3A = tpu.sem_alloc : memref<!tpu.dma_semaphore, #tpu.memory_space<semaphore_mem>>
      %dma_start3A_65 = tpu.memref_slice %arg3[%add3A_42] : memref<131072xi32, #tpu.memory_space<hbm>> -> memref<512xi32, #tpu.memory_space<hbm>>
      %dma_start3A_66 = tpu.memref_slice %arg3[%add3A_42] : memref<131072xi32, #tpu.memory_space<hbm>> -> memref<512xi32, #tpu.memory_space<hbm>>
      tpu.enqueue_dma source(%dma_start3A_66 : memref<512xi32, #tpu.memory_space<hbm>>) target(%arg5 : memref<512xi32, #tpu.memory_space<vmem>>) target_semaphore(%run_scoped3A : memref<!tpu.dma_semaphore, #tpu.memory_space<semaphore_mem>>)
      %dma_wait3A_67 = tpu.memref_slice %arg3[%add3A_42] : memref<131072xi32, #tpu.memory_space<hbm>> -> memref<512xi32, #tpu.memory_space<hbm>>
      %dma_wait3A_68 = tpu.memref_slice %arg3[%add3A_42] : memref<131072xi32, #tpu.memory_space<hbm>> -> memref<512xi32, #tpu.memory_space<hbm>>
      tpu.wait_dma2 semaphore(%run_scoped3A : memref<!tpu.dma_semaphore, #tpu.memory_space<semaphore_mem>>) src(%dma_wait3A_68 : memref<512xi32, #tpu.memory_space<hbm>>) dst(%arg5 : memref<512xi32, #tpu.memory_space<vmem>>)
      tpu.yield
    }) : () -> ()
    %dma_start3A_43 = arith.constant 0 : i32
    %dma_start3A_44 = arith.constant 0 : i32
    %dma_start3A_45 = tpu.memref_slice %arg2[%dma_start3A_43, %dma_start3A_44] : memref<8192x128xf32, #tpu.memory_space<hbm>> -> memref<8192x128xf32, #tpu.memory_space<hbm>>
    tpu.enqueue_indirect_dma source(%dma_start3A_45 : memref<8192x128xf32, #tpu.memory_space<hbm>>) target(%arg6 : memref<512x128xf32, #tpu.memory_space<vmem>>) offsets(%arg5 : memref<512xi32, #tpu.memory_space<vmem>>) semaphore(%arg7 : memref<!tpu.dma_semaphore, #tpu.memory_space<semaphore_mem>>)
    %dma_wait3A_46 = arith.constant 0 : i32
    %dma_wait3A_47 = arith.constant 0 : i32
    %dma_wait3A_48 = tpu.memref_slice %arg2[%dma_wait3A_46, %dma_wait3A_47] : memref<8192x128xf32, #tpu.memory_space<hbm>> -> memref<8192x128xf32, #tpu.memory_space<hbm>>
    tpu.wait_indirect_dma semaphore(%arg7 : memref<!tpu.dma_semaphore, #tpu.memory_space<semaphore_mem>>) src(%dma_wait3A_48 : memref<8192x128xf32, #tpu.memory_space<hbm>>) dst(%arg6 : memref<512x128xf32, #tpu.memory_space<vmem>>)
    "tpu.region"() ({
      %run_scoped3A = tpu.sem_alloc : memref<!tpu.dma_semaphore, #tpu.memory_space<semaphore_mem>>
      %dma_start3A_65 = arith.constant 0 : i32
      %dma_start3A_66 = tpu.memref_slice %arg4[%add3A_42, %dma_start3A_65] : memref<131072x128xf32, #tpu.memory_space<hbm>> -> memref<512x128xf32, #tpu.memory_space<hbm>>
      %dma_start3A_67 = arith.constant 0 : i32
      %dma_start3A_68 = tpu.memref_slice %arg4[%add3A_42, %dma_start3A_67] : memref<131072x128xf32, #tpu.memory_space<hbm>> -> memref<512x128xf32, #tpu.memory_space<hbm>>
      tpu.enqueue_dma source(%arg6 : memref<512x128xf32, #tpu.memory_space<vmem>>) target(%dma_start3A_68 : memref<512x128xf32, #tpu.memory_space<hbm>>) target_semaphore(%run_scoped3A : memref<!tpu.dma_semaphore, #tpu.memory_space<semaphore_mem>>)
      %dma_wait3A_69 = arith.constant 0 : i32
      %dma_wait3A_70 = tpu.memref_slice %arg4[%add3A_42, %dma_wait3A_69] : memref<131072x128xf32, #tpu.memory_space<hbm>> -> memref<512x128xf32, #tpu.memory_space<hbm>>
      %dma_wait3A_71 = arith.constant 0 : i32
      %dma_wait3A_72 = tpu.memref_slice %arg4[%add3A_42, %dma_wait3A_71] : memref<131072x128xf32, #tpu.memory_space<hbm>> -> memref<512x128xf32, #tpu.memory_space<hbm>>
      tpu.wait_dma2 semaphore(%run_scoped3A : memref<!tpu.dma_semaphore, #tpu.memory_space<semaphore_mem>>) src(%arg6 : memref<512x128xf32, #tpu.memory_space<vmem>>) dst(%dma_wait3A_72 : memref<512x128xf32, #tpu.memory_space<hbm>>)
      tpu.yield
    }) : () -> ()
    %add3A_49 = arith.constant 3072 : i32
    %add3A_50 = arith.addi %mul3A_2, %add3A_49 : i32
    "tpu.region"() ({
      %run_scoped3A = tpu.sem_alloc : memref<!tpu.dma_semaphore, #tpu.memory_space<semaphore_mem>>
      %dma_start3A_65 = tpu.memref_slice %arg3[%add3A_50] : memref<131072xi32, #tpu.memory_space<hbm>> -> memref<512xi32, #tpu.memory_space<hbm>>
      %dma_start3A_66 = tpu.memref_slice %arg3[%add3A_50] : memref<131072xi32, #tpu.memory_space<hbm>> -> memref<512xi32, #tpu.memory_space<hbm>>
      tpu.enqueue_dma source(%dma_start3A_66 : memref<512xi32, #tpu.memory_space<hbm>>) target(%arg5 : memref<512xi32, #tpu.memory_space<vmem>>) target_semaphore(%run_scoped3A : memref<!tpu.dma_semaphore, #tpu.memory_space<semaphore_mem>>)
      %dma_wait3A_67 = tpu.memref_slice %arg3[%add3A_50] : memref<131072xi32, #tpu.memory_space<hbm>> -> memref<512xi32, #tpu.memory_space<hbm>>
      %dma_wait3A_68 = tpu.memref_slice %arg3[%add3A_50] : memref<131072xi32, #tpu.memory_space<hbm>> -> memref<512xi32, #tpu.memory_space<hbm>>
      tpu.wait_dma2 semaphore(%run_scoped3A : memref<!tpu.dma_semaphore, #tpu.memory_space<semaphore_mem>>) src(%dma_wait3A_68 : memref<512xi32, #tpu.memory_space<hbm>>) dst(%arg5 : memref<512xi32, #tpu.memory_space<vmem>>)
      tpu.yield
    }) : () -> ()
    %dma_start3A_51 = arith.constant 0 : i32
    %dma_start3A_52 = arith.constant 0 : i32
    %dma_start3A_53 = tpu.memref_slice %arg2[%dma_start3A_51, %dma_start3A_52] : memref<8192x128xf32, #tpu.memory_space<hbm>> -> memref<8192x128xf32, #tpu.memory_space<hbm>>
    tpu.enqueue_indirect_dma source(%dma_start3A_53 : memref<8192x128xf32, #tpu.memory_space<hbm>>) target(%arg6 : memref<512x128xf32, #tpu.memory_space<vmem>>) offsets(%arg5 : memref<512xi32, #tpu.memory_space<vmem>>) semaphore(%arg7 : memref<!tpu.dma_semaphore, #tpu.memory_space<semaphore_mem>>)
    %dma_wait3A_54 = arith.constant 0 : i32
    %dma_wait3A_55 = arith.constant 0 : i32
    %dma_wait3A_56 = tpu.memref_slice %arg2[%dma_wait3A_54, %dma_wait3A_55] : memref<8192x128xf32, #tpu.memory_space<hbm>> -> memref<8192x128xf32, #tpu.memory_space<hbm>>
    tpu.wait_indirect_dma semaphore(%arg7 : memref<!tpu.dma_semaphore, #tpu.memory_space<semaphore_mem>>) src(%dma_wait3A_56 : memref<8192x128xf32, #tpu.memory_space<hbm>>) dst(%arg6 : memref<512x128xf32, #tpu.memory_space<vmem>>)
    "tpu.region"() ({
      %run_scoped3A = tpu.sem_alloc : memref<!tpu.dma_semaphore, #tpu.memory_space<semaphore_mem>>
      %dma_start3A_65 = arith.constant 0 : i32
      %dma_start3A_66 = tpu.memref_slice %arg4[%add3A_50, %dma_start3A_65] : memref<131072x128xf32, #tpu.memory_space<hbm>> -> memref<512x128xf32, #tpu.memory_space<hbm>>
      %dma_start3A_67 = arith.constant 0 : i32
      %dma_start3A_68 = tpu.memref_slice %arg4[%add3A_50, %dma_start3A_67] : memref<131072x128xf32, #tpu.memory_space<hbm>> -> memref<512x128xf32, #tpu.memory_space<hbm>>
      tpu.enqueue_dma source(%arg6 : memref<512x128xf32, #tpu.memory_space<vmem>>) target(%dma_start3A_68 : memref<512x128xf32, #tpu.memory_space<hbm>>) target_semaphore(%run_scoped3A : memref<!tpu.dma_semaphore, #tpu.memory_space<semaphore_mem>>)
      %dma_wait3A_69 = arith.constant 0 : i32
      %dma_wait3A_70 = tpu.memref_slice %arg4[%add3A_50, %dma_wait3A_69] : memref<131072x128xf32, #tpu.memory_space<hbm>> -> memref<512x128xf32, #tpu.memory_space<hbm>>
      %dma_wait3A_71 = arith.constant 0 : i32
      %dma_wait3A_72 = tpu.memref_slice %arg4[%add3A_50, %dma_wait3A_71] : memref<131072x128xf32, #tpu.memory_space<hbm>> -> memref<512x128xf32, #tpu.memory_space<hbm>>
      tpu.wait_dma2 semaphore(%run_scoped3A : memref<!tpu.dma_semaphore, #tpu.memory_space<semaphore_mem>>) src(%arg6 : memref<512x128xf32, #tpu.memory_space<vmem>>) dst(%dma_wait3A_72 : memref<512x128xf32, #tpu.memory_space<hbm>>)
      tpu.yield
    }) : () -> ()
    %add3A_57 = arith.constant 3584 : i32
    %add3A_58 = arith.addi %mul3A_2, %add3A_57 : i32
    "tpu.region"() ({
      %run_scoped3A = tpu.sem_alloc : memref<!tpu.dma_semaphore, #tpu.memory_space<semaphore_mem>>
      %dma_start3A_65 = tpu.memref_slice %arg3[%add3A_58] : memref<131072xi32, #tpu.memory_space<hbm>> -> memref<512xi32, #tpu.memory_space<hbm>>
      %dma_start3A_66 = tpu.memref_slice %arg3[%add3A_58] : memref<131072xi32, #tpu.memory_space<hbm>> -> memref<512xi32, #tpu.memory_space<hbm>>
      tpu.enqueue_dma source(%dma_start3A_66 : memref<512xi32, #tpu.memory_space<hbm>>) target(%arg5 : memref<512xi32, #tpu.memory_space<vmem>>) target_semaphore(%run_scoped3A : memref<!tpu.dma_semaphore, #tpu.memory_space<semaphore_mem>>)
      %dma_wait3A_67 = tpu.memref_slice %arg3[%add3A_58] : memref<131072xi32, #tpu.memory_space<hbm>> -> memref<512xi32, #tpu.memory_space<hbm>>
      %dma_wait3A_68 = tpu.memref_slice %arg3[%add3A_58] : memref<131072xi32, #tpu.memory_space<hbm>> -> memref<512xi32, #tpu.memory_space<hbm>>
      tpu.wait_dma2 semaphore(%run_scoped3A : memref<!tpu.dma_semaphore, #tpu.memory_space<semaphore_mem>>) src(%dma_wait3A_68 : memref<512xi32, #tpu.memory_space<hbm>>) dst(%arg5 : memref<512xi32, #tpu.memory_space<vmem>>)
      tpu.yield
    }) : () -> ()
    %dma_start3A_59 = arith.constant 0 : i32
    %dma_start3A_60 = arith.constant 0 : i32
    %dma_start3A_61 = tpu.memref_slice %arg2[%dma_start3A_59, %dma_start3A_60] : memref<8192x128xf32, #tpu.memory_space<hbm>> -> memref<8192x128xf32, #tpu.memory_space<hbm>>
    tpu.enqueue_indirect_dma source(%dma_start3A_61 : memref<8192x128xf32, #tpu.memory_space<hbm>>) target(%arg6 : memref<512x128xf32, #tpu.memory_space<vmem>>) offsets(%arg5 : memref<512xi32, #tpu.memory_space<vmem>>) semaphore(%arg7 : memref<!tpu.dma_semaphore, #tpu.memory_space<semaphore_mem>>)
    %dma_wait3A_62 = arith.constant 0 : i32
    %dma_wait3A_63 = arith.constant 0 : i32
    %dma_wait3A_64 = tpu.memref_slice %arg2[%dma_wait3A_62, %dma_wait3A_63] : memref<8192x128xf32, #tpu.memory_space<hbm>> -> memref<8192x128xf32, #tpu.memory_space<hbm>>
    tpu.wait_indirect_dma semaphore(%arg7 : memref<!tpu.dma_semaphore, #tpu.memory_space<semaphore_mem>>) src(%dma_wait3A_64 : memref<8192x128xf32, #tpu.memory_space<hbm>>) dst(%arg6 : memref<512x128xf32, #tpu.memory_space<vmem>>)
    "tpu.region"() ({
      %run_scoped3A = tpu.sem_alloc : memref<!tpu.dma_semaphore, #tpu.memory_space<semaphore_mem>>
      %dma_start3A_65 = arith.constant 0 : i32
      %dma_start3A_66 = tpu.memref_slice %arg4[%add3A_58, %dma_start3A_65] : memref<131072x128xf32, #tpu.memory_space<hbm>> -> memref<512x128xf32, #tpu.memory_space<hbm>>
      %dma_start3A_67 = arith.constant 0 : i32
      %dma_start3A_68 = tpu.memref_slice %arg4[%add3A_58, %dma_start3A_67] : memref<131072x128xf32, #tpu.memory_space<hbm>> -> memref<512x128xf32, #tpu.memory_space<hbm>>
      tpu.enqueue_dma source(%arg6 : memref<512x128xf32, #tpu.memory_space<vmem>>) target(%dma_start3A_68 : memref<512x128xf32, #tpu.memory_space<hbm>>) target_semaphore(%run_scoped3A : memref<!tpu.dma_semaphore, #tpu.memory_space<semaphore_mem>>)
      %dma_wait3A_69 = arith.constant 0 : i32
      %dma_wait3A_70 = tpu.memref_slice %arg4[%add3A_58, %dma_wait3A_69] : memref<131072x128xf32, #tpu.memory_space<hbm>> -> memref<512x128xf32, #tpu.memory_space<hbm>>
      %dma_wait3A_71 = arith.constant 0 : i32
      %dma_wait3A_72 = tpu.memref_slice %arg4[%add3A_58, %dma_wait3A_71] : memref<131072x128xf32, #tpu.memory_space<hbm>> -> memref<512x128xf32, #tpu.memory_space<hbm>>
      tpu.wait_dma2 semaphore(%run_scoped3A : memref<!tpu.dma_semaphore, #tpu.memory_space<semaphore_mem>>) src(%arg6 : memref<512x128xf32, #tpu.memory_space<vmem>>) dst(%dma_wait3A_72 : memref<512x128xf32, #tpu.memory_space<hbm>>)
      tpu.yield
    }) : () -> ()
    return
  }
}

module attributes {stable_mosaic.version = 14 : i64} {
  func.func @_knn_body(%arg0: i32, %arg1: i32, %arg2: memref<1x256x3xf32, #tpu.memory_space<vmem>>, %arg3: memref<1x3x2048xf32, #tpu.memory_space<vmem>>, %arg4: memref<1x256x16xi32, #tpu.memory_space<vmem>>) attributes {dimension_semantics = [#tpu.dimension_semantics<arbitrary>, #tpu.dimension_semantics<arbitrary>], iteration_bounds = array<i64: 4, 8>, scalar_prefetch = 0 : i64, scratch_operands = 0 : i64, tpu.core_type = #tpu.core_type<tc>, window_params = [{transform_indices = @transform_0, window_bounds = array<i64: 1, 256, 3>}, {transform_indices = @transform_1, window_bounds = array<i64: 1, 3, 2048>}, {transform_indices = @transform_2, window_bounds = array<i64: 1, 256, 16>}]} {
    %get3A = arith.constant 0 : index
    %get3A_0 = arith.constant 0 : index
    %get3A_1 = arith.constant 0 : index
    %get3A_2 = vector.load %arg2[%get3A, %get3A_0, %get3A_1] : memref<1x256x3xf32, #tpu.memory_space<vmem>>, vector<1x256x3xf32>
    %get3A_3 = vector.shape_cast %get3A_2 : vector<1x256x3xf32> to vector<256x3xf32>
    %get3A_4 = arith.constant 0 : index
    %get3A_5 = arith.constant 0 : index
    %get3A_6 = arith.constant 0 : index
    %get3A_7 = vector.load %arg3[%get3A_4, %get3A_5, %get3A_6] : memref<1x3x2048xf32, #tpu.memory_space<vmem>>, vector<1x3x2048xf32>
    %get3A_8 = vector.shape_cast %get3A_7 : vector<1x3x2048xf32> to vector<3x2048xf32>
    %mul3A = arith.mulf %get3A_3, %get3A_3 : vector<256x3xf32>
    %reduce_sum3A = arith.constant dense<0.000000e+00> : vector<256xf32>
    %reduce_sum3A_9 = vector.multi_reduction <add>, %mul3A, %reduce_sum3A [1] : vector<256x3xf32> to vector<256xf32>
    %broadcast_in_dim3A = vector.shape_cast %reduce_sum3A_9 : vector<256xf32> to vector<256x1xf32>
    %mul3A_10 = arith.mulf %get3A_8, %get3A_8 : vector<3x2048xf32>
    %reduce_sum3A_11 = arith.constant dense<0.000000e+00> : vector<2048xf32>
    %reduce_sum3A_12 = vector.multi_reduction <add>, %mul3A_10, %reduce_sum3A_11 [0] : vector<3x2048xf32> to vector<2048xf32>
    %broadcast_in_dim3A_13 = vector.shape_cast %reduce_sum3A_12 : vector<2048xf32> to vector<1x2048xf32>
    %convert_element_type3A = arith.truncf %get3A_3 : vector<256x3xf32> to vector<256x3xbf16>
    %convert_element_type3A_14 = arith.truncf %get3A_8 : vector<3x2048xf32> to vector<3x2048xbf16>
    %dot_general3A = arith.constant dense<0.000000e+00> : vector<256x2048xf32>
    %dot_general3A_15 = tpu.matmul %convert_element_type3A, %convert_element_type3A_14, %dot_general3A {dimension_numbers = #tpu.dot_dimension_numbers<[1], [0], [0], [1], [0, 0, 1, 1], [], []>, transpose_lhs_hint = false} : vector<256x3xbf16>, vector<3x2048xbf16>, vector<256x2048xf32> -> vector<256x2048xf32>
    %add3A = vector.broadcast %broadcast_in_dim3A : vector<256x1xf32> to vector<256x2048xf32>
    %add3A_16 = vector.broadcast %broadcast_in_dim3A_13 : vector<1x2048xf32> to vector<256x2048xf32>
    %add3A_17 = arith.addf %add3A, %add3A_16 : vector<256x2048xf32>
    %mul3A_18 = arith.constant 2.000000e+00 : f32
    %mul3A_19 = vector.broadcast %mul3A_18 : f32 to vector<256x2048xf32>
    %mul3A_20 = arith.mulf %mul3A_19, %dot_general3A_15 : vector<256x2048xf32>
    %sub3A = arith.subf %add3A_17, %mul3A_20 : vector<256x2048xf32>
    %slice3A = vector.extract_strided_slice %sub3A {offsets = [0, 0], sizes = [256, 1024], strides = [1, 1]} : vector<256x2048xf32> to vector<256x1024xf32>
    %slice3A_21 = vector.extract_strided_slice %sub3A {offsets = [0, 1024], sizes = [256, 1024], strides = [1, 1]} : vector<256x2048xf32> to vector<256x1024xf32>
    %le3A = arith.cmpf ole, %slice3A, %slice3A_21 : vector<256x1024xf32>
    %min3A = arith.minimumf %slice3A, %slice3A_21 : vector<256x1024xf32>
    %max3A = arith.maximumf %slice3A, %slice3A_21 : vector<256x1024xf32>
    %iota3A = tpu.iota {dimensions = array<i32: 1>} : vector<256x1024xi32>
    %add3A_22 = arith.constant 1024 : i32
    %add3A_23 = vector.broadcast %add3A_22 : i32 to vector<256x1024xi32>
    %add3A_24 = arith.addi %iota3A, %add3A_23 : vector<256x1024xi32>
    %select_n3A = arith.select %le3A, %iota3A, %add3A_24 : vector<256x1024xi1>, vector<256x1024xi32>
    %add3A_25 = arith.constant 1024 : i32
    %add3A_26 = vector.broadcast %add3A_25 : i32 to vector<256x1024xi32>
    %add3A_27 = arith.addi %iota3A, %add3A_26 : vector<256x1024xi32>
    %select_n3A_28 = arith.select %le3A, %add3A_27, %iota3A : vector<256x1024xi1>, vector<256x1024xi32>
    %iota3A_29 = tpu.iota {dimensions = array<i32: 1>} : vector<256x16xi32>
    %broadcast_in_dim3A_30 = arith.constant 0 : i32
    %broadcast_in_dim3A_31 = vector.broadcast %broadcast_in_dim3A_30 : i32 to vector<256x16xi32>
    %reduce_min3A = arith.constant dense<0x7F800000> : vector<256xf32>
    %reduce_min3A_32 = vector.multi_reduction <minimumf>, %min3A, %reduce_min3A [1] : vector<256x1024xf32> to vector<256xf32>
    %broadcast_in_dim3A_33 = vector.shape_cast %reduce_min3A_32 : vector<256xf32> to vector<256x1xf32>
    %eq3A = vector.broadcast %broadcast_in_dim3A_33 : vector<256x1xf32> to vector<256x1024xf32>
    %eq3A_34 = arith.cmpf oeq, %min3A, %eq3A : vector<256x1024xf32>
    %jit3A = arith.constant 2048 : i32
    %broadcast_in_dim3A_35 = vector.broadcast %jit3A : i32 to vector<256x1024xi32>
    %select_n3A_36 = arith.select %eq3A_34, %select_n3A, %broadcast_in_dim3A_35 : vector<256x1024xi1>, vector<256x1024xi32>
    %reduce_min3A_37 = arith.constant dense<2147483647> : vector<256xi32>
    %reduce_min3A_38 = vector.multi_reduction <minsi>, %select_n3A_36, %reduce_min3A_37 [1] : vector<256x1024xi32> to vector<256xi32>
    %broadcast_in_dim3A_39 = vector.shape_cast %reduce_min3A_38 : vector<256xi32> to vector<256x1xi32>
    %eq3A_40 = arith.constant 0 : i32
    %eq3A_41 = vector.broadcast %eq3A_40 : i32 to vector<256x16xi32>
    %eq3A_42 = arith.cmpi eq, %iota3A_29, %eq3A_41 : vector<256x16xi32>
    %broadcast_in_dim3A_43 = vector.shape_cast %broadcast_in_dim3A_39 : vector<256x1xi32> to vector<256x1xi32>
    %broadcast_in_dim3A_44 = vector.broadcast %broadcast_in_dim3A_43 : vector<256x1xi32> to vector<256x16xi32>
    %select_n3A_45 = arith.select %eq3A_42, %broadcast_in_dim3A_44, %broadcast_in_dim3A_31 : vector<256x16xi1>, vector<256x16xi32>
    %eq3A_46 = vector.broadcast %broadcast_in_dim3A_39 : vector<256x1xi32> to vector<256x1024xi32>
    %eq3A_47 = arith.cmpi eq, %select_n3A, %eq3A_46 : vector<256x1024xi32>
    %select_n3A_48 = arith.select %eq3A_47, %max3A, %min3A : vector<256x1024xi1>, vector<256x1024xf32>
    %select_n3A_49 = arith.select %eq3A_47, %select_n3A_28, %select_n3A : vector<256x1024xi1>, vector<256x1024xi32>
    %jit3A_50 = arith.constant 0x7F800000 : f32
    %broadcast_in_dim3A_51 = vector.broadcast %jit3A_50 : f32 to vector<256x1024xf32>
    %select_n3A_52 = arith.select %eq3A_47, %broadcast_in_dim3A_51, %max3A : vector<256x1024xi1>, vector<256x1024xf32>
    %reduce_min3A_53 = arith.constant dense<0x7F800000> : vector<256xf32>
    %reduce_min3A_54 = vector.multi_reduction <minimumf>, %select_n3A_48, %reduce_min3A_53 [1] : vector<256x1024xf32> to vector<256xf32>
    %broadcast_in_dim3A_55 = vector.shape_cast %reduce_min3A_54 : vector<256xf32> to vector<256x1xf32>
    %eq3A_56 = vector.broadcast %broadcast_in_dim3A_55 : vector<256x1xf32> to vector<256x1024xf32>
    %eq3A_57 = arith.cmpf oeq, %select_n3A_48, %eq3A_56 : vector<256x1024xf32>
    %jit3A_58 = arith.constant 2048 : i32
    %broadcast_in_dim3A_59 = vector.broadcast %jit3A_58 : i32 to vector<256x1024xi32>
    %select_n3A_60 = arith.select %eq3A_57, %select_n3A_49, %broadcast_in_dim3A_59 : vector<256x1024xi1>, vector<256x1024xi32>
    %reduce_min3A_61 = arith.constant dense<2147483647> : vector<256xi32>
    %reduce_min3A_62 = vector.multi_reduction <minsi>, %select_n3A_60, %reduce_min3A_61 [1] : vector<256x1024xi32> to vector<256xi32>
    %broadcast_in_dim3A_63 = vector.shape_cast %reduce_min3A_62 : vector<256xi32> to vector<256x1xi32>
    %eq3A_64 = arith.constant 1 : i32
    %eq3A_65 = vector.broadcast %eq3A_64 : i32 to vector<256x16xi32>
    %eq3A_66 = arith.cmpi eq, %iota3A_29, %eq3A_65 : vector<256x16xi32>
    %broadcast_in_dim3A_67 = vector.shape_cast %broadcast_in_dim3A_63 : vector<256x1xi32> to vector<256x1xi32>
    %broadcast_in_dim3A_68 = vector.broadcast %broadcast_in_dim3A_67 : vector<256x1xi32> to vector<256x16xi32>
    %select_n3A_69 = arith.select %eq3A_66, %broadcast_in_dim3A_68, %select_n3A_45 : vector<256x16xi1>, vector<256x16xi32>
    %eq3A_70 = vector.broadcast %broadcast_in_dim3A_63 : vector<256x1xi32> to vector<256x1024xi32>
    %eq3A_71 = arith.cmpi eq, %select_n3A_49, %eq3A_70 : vector<256x1024xi32>
    %select_n3A_72 = arith.select %eq3A_71, %select_n3A_52, %select_n3A_48 : vector<256x1024xi1>, vector<256x1024xf32>
    %select_n3A_73 = arith.select %eq3A_71, %select_n3A_28, %select_n3A_49 : vector<256x1024xi1>, vector<256x1024xi32>
    %jit3A_74 = arith.constant 0x7F800000 : f32
    %broadcast_in_dim3A_75 = vector.broadcast %jit3A_74 : f32 to vector<256x1024xf32>
    %select_n3A_76 = arith.select %eq3A_71, %broadcast_in_dim3A_75, %select_n3A_52 : vector<256x1024xi1>, vector<256x1024xf32>
    %reduce_min3A_77 = arith.constant dense<0x7F800000> : vector<256xf32>
    %reduce_min3A_78 = vector.multi_reduction <minimumf>, %select_n3A_72, %reduce_min3A_77 [1] : vector<256x1024xf32> to vector<256xf32>
    %broadcast_in_dim3A_79 = vector.shape_cast %reduce_min3A_78 : vector<256xf32> to vector<256x1xf32>
    %eq3A_80 = vector.broadcast %broadcast_in_dim3A_79 : vector<256x1xf32> to vector<256x1024xf32>
    %eq3A_81 = arith.cmpf oeq, %select_n3A_72, %eq3A_80 : vector<256x1024xf32>
    %jit3A_82 = arith.constant 2048 : i32
    %broadcast_in_dim3A_83 = vector.broadcast %jit3A_82 : i32 to vector<256x1024xi32>
    %select_n3A_84 = arith.select %eq3A_81, %select_n3A_73, %broadcast_in_dim3A_83 : vector<256x1024xi1>, vector<256x1024xi32>
    %reduce_min3A_85 = arith.constant dense<2147483647> : vector<256xi32>
    %reduce_min3A_86 = vector.multi_reduction <minsi>, %select_n3A_84, %reduce_min3A_85 [1] : vector<256x1024xi32> to vector<256xi32>
    %broadcast_in_dim3A_87 = vector.shape_cast %reduce_min3A_86 : vector<256xi32> to vector<256x1xi32>
    %eq3A_88 = arith.constant 2 : i32
    %eq3A_89 = vector.broadcast %eq3A_88 : i32 to vector<256x16xi32>
    %eq3A_90 = arith.cmpi eq, %iota3A_29, %eq3A_89 : vector<256x16xi32>
    %broadcast_in_dim3A_91 = vector.shape_cast %broadcast_in_dim3A_87 : vector<256x1xi32> to vector<256x1xi32>
    %broadcast_in_dim3A_92 = vector.broadcast %broadcast_in_dim3A_91 : vector<256x1xi32> to vector<256x16xi32>
    %select_n3A_93 = arith.select %eq3A_90, %broadcast_in_dim3A_92, %select_n3A_69 : vector<256x16xi1>, vector<256x16xi32>
    %eq3A_94 = vector.broadcast %broadcast_in_dim3A_87 : vector<256x1xi32> to vector<256x1024xi32>
    %eq3A_95 = arith.cmpi eq, %select_n3A_73, %eq3A_94 : vector<256x1024xi32>
    %select_n3A_96 = arith.select %eq3A_95, %select_n3A_76, %select_n3A_72 : vector<256x1024xi1>, vector<256x1024xf32>
    %select_n3A_97 = arith.select %eq3A_95, %select_n3A_28, %select_n3A_73 : vector<256x1024xi1>, vector<256x1024xi32>
    %jit3A_98 = arith.constant 0x7F800000 : f32
    %broadcast_in_dim3A_99 = vector.broadcast %jit3A_98 : f32 to vector<256x1024xf32>
    %select_n3A_100 = arith.select %eq3A_95, %broadcast_in_dim3A_99, %select_n3A_76 : vector<256x1024xi1>, vector<256x1024xf32>
    %reduce_min3A_101 = arith.constant dense<0x7F800000> : vector<256xf32>
    %reduce_min3A_102 = vector.multi_reduction <minimumf>, %select_n3A_96, %reduce_min3A_101 [1] : vector<256x1024xf32> to vector<256xf32>
    %broadcast_in_dim3A_103 = vector.shape_cast %reduce_min3A_102 : vector<256xf32> to vector<256x1xf32>
    %eq3A_104 = vector.broadcast %broadcast_in_dim3A_103 : vector<256x1xf32> to vector<256x1024xf32>
    %eq3A_105 = arith.cmpf oeq, %select_n3A_96, %eq3A_104 : vector<256x1024xf32>
    %jit3A_106 = arith.constant 2048 : i32
    %broadcast_in_dim3A_107 = vector.broadcast %jit3A_106 : i32 to vector<256x1024xi32>
    %select_n3A_108 = arith.select %eq3A_105, %select_n3A_97, %broadcast_in_dim3A_107 : vector<256x1024xi1>, vector<256x1024xi32>
    %reduce_min3A_109 = arith.constant dense<2147483647> : vector<256xi32>
    %reduce_min3A_110 = vector.multi_reduction <minsi>, %select_n3A_108, %reduce_min3A_109 [1] : vector<256x1024xi32> to vector<256xi32>
    %broadcast_in_dim3A_111 = vector.shape_cast %reduce_min3A_110 : vector<256xi32> to vector<256x1xi32>
    %eq3A_112 = arith.constant 3 : i32
    %eq3A_113 = vector.broadcast %eq3A_112 : i32 to vector<256x16xi32>
    %eq3A_114 = arith.cmpi eq, %iota3A_29, %eq3A_113 : vector<256x16xi32>
    %broadcast_in_dim3A_115 = vector.shape_cast %broadcast_in_dim3A_111 : vector<256x1xi32> to vector<256x1xi32>
    %broadcast_in_dim3A_116 = vector.broadcast %broadcast_in_dim3A_115 : vector<256x1xi32> to vector<256x16xi32>
    %select_n3A_117 = arith.select %eq3A_114, %broadcast_in_dim3A_116, %select_n3A_93 : vector<256x16xi1>, vector<256x16xi32>
    %eq3A_118 = vector.broadcast %broadcast_in_dim3A_111 : vector<256x1xi32> to vector<256x1024xi32>
    %eq3A_119 = arith.cmpi eq, %select_n3A_97, %eq3A_118 : vector<256x1024xi32>
    %select_n3A_120 = arith.select %eq3A_119, %select_n3A_100, %select_n3A_96 : vector<256x1024xi1>, vector<256x1024xf32>
    %select_n3A_121 = arith.select %eq3A_119, %select_n3A_28, %select_n3A_97 : vector<256x1024xi1>, vector<256x1024xi32>
    %jit3A_122 = arith.constant 0x7F800000 : f32
    %broadcast_in_dim3A_123 = vector.broadcast %jit3A_122 : f32 to vector<256x1024xf32>
    %select_n3A_124 = arith.select %eq3A_119, %broadcast_in_dim3A_123, %select_n3A_100 : vector<256x1024xi1>, vector<256x1024xf32>
    %reduce_min3A_125 = arith.constant dense<0x7F800000> : vector<256xf32>
    %reduce_min3A_126 = vector.multi_reduction <minimumf>, %select_n3A_120, %reduce_min3A_125 [1] : vector<256x1024xf32> to vector<256xf32>
    %broadcast_in_dim3A_127 = vector.shape_cast %reduce_min3A_126 : vector<256xf32> to vector<256x1xf32>
    %eq3A_128 = vector.broadcast %broadcast_in_dim3A_127 : vector<256x1xf32> to vector<256x1024xf32>
    %eq3A_129 = arith.cmpf oeq, %select_n3A_120, %eq3A_128 : vector<256x1024xf32>
    %jit3A_130 = arith.constant 2048 : i32
    %broadcast_in_dim3A_131 = vector.broadcast %jit3A_130 : i32 to vector<256x1024xi32>
    %select_n3A_132 = arith.select %eq3A_129, %select_n3A_121, %broadcast_in_dim3A_131 : vector<256x1024xi1>, vector<256x1024xi32>
    %reduce_min3A_133 = arith.constant dense<2147483647> : vector<256xi32>
    %reduce_min3A_134 = vector.multi_reduction <minsi>, %select_n3A_132, %reduce_min3A_133 [1] : vector<256x1024xi32> to vector<256xi32>
    %broadcast_in_dim3A_135 = vector.shape_cast %reduce_min3A_134 : vector<256xi32> to vector<256x1xi32>
    %eq3A_136 = arith.constant 4 : i32
    %eq3A_137 = vector.broadcast %eq3A_136 : i32 to vector<256x16xi32>
    %eq3A_138 = arith.cmpi eq, %iota3A_29, %eq3A_137 : vector<256x16xi32>
    %broadcast_in_dim3A_139 = vector.shape_cast %broadcast_in_dim3A_135 : vector<256x1xi32> to vector<256x1xi32>
    %broadcast_in_dim3A_140 = vector.broadcast %broadcast_in_dim3A_139 : vector<256x1xi32> to vector<256x16xi32>
    %select_n3A_141 = arith.select %eq3A_138, %broadcast_in_dim3A_140, %select_n3A_117 : vector<256x16xi1>, vector<256x16xi32>
    %eq3A_142 = vector.broadcast %broadcast_in_dim3A_135 : vector<256x1xi32> to vector<256x1024xi32>
    %eq3A_143 = arith.cmpi eq, %select_n3A_121, %eq3A_142 : vector<256x1024xi32>
    %select_n3A_144 = arith.select %eq3A_143, %select_n3A_124, %select_n3A_120 : vector<256x1024xi1>, vector<256x1024xf32>
    %select_n3A_145 = arith.select %eq3A_143, %select_n3A_28, %select_n3A_121 : vector<256x1024xi1>, vector<256x1024xi32>
    %jit3A_146 = arith.constant 0x7F800000 : f32
    %broadcast_in_dim3A_147 = vector.broadcast %jit3A_146 : f32 to vector<256x1024xf32>
    %select_n3A_148 = arith.select %eq3A_143, %broadcast_in_dim3A_147, %select_n3A_124 : vector<256x1024xi1>, vector<256x1024xf32>
    %reduce_min3A_149 = arith.constant dense<0x7F800000> : vector<256xf32>
    %reduce_min3A_150 = vector.multi_reduction <minimumf>, %select_n3A_144, %reduce_min3A_149 [1] : vector<256x1024xf32> to vector<256xf32>
    %broadcast_in_dim3A_151 = vector.shape_cast %reduce_min3A_150 : vector<256xf32> to vector<256x1xf32>
    %eq3A_152 = vector.broadcast %broadcast_in_dim3A_151 : vector<256x1xf32> to vector<256x1024xf32>
    %eq3A_153 = arith.cmpf oeq, %select_n3A_144, %eq3A_152 : vector<256x1024xf32>
    %jit3A_154 = arith.constant 2048 : i32
    %broadcast_in_dim3A_155 = vector.broadcast %jit3A_154 : i32 to vector<256x1024xi32>
    %select_n3A_156 = arith.select %eq3A_153, %select_n3A_145, %broadcast_in_dim3A_155 : vector<256x1024xi1>, vector<256x1024xi32>
    %reduce_min3A_157 = arith.constant dense<2147483647> : vector<256xi32>
    %reduce_min3A_158 = vector.multi_reduction <minsi>, %select_n3A_156, %reduce_min3A_157 [1] : vector<256x1024xi32> to vector<256xi32>
    %broadcast_in_dim3A_159 = vector.shape_cast %reduce_min3A_158 : vector<256xi32> to vector<256x1xi32>
    %eq3A_160 = arith.constant 5 : i32
    %eq3A_161 = vector.broadcast %eq3A_160 : i32 to vector<256x16xi32>
    %eq3A_162 = arith.cmpi eq, %iota3A_29, %eq3A_161 : vector<256x16xi32>
    %broadcast_in_dim3A_163 = vector.shape_cast %broadcast_in_dim3A_159 : vector<256x1xi32> to vector<256x1xi32>
    %broadcast_in_dim3A_164 = vector.broadcast %broadcast_in_dim3A_163 : vector<256x1xi32> to vector<256x16xi32>
    %select_n3A_165 = arith.select %eq3A_162, %broadcast_in_dim3A_164, %select_n3A_141 : vector<256x16xi1>, vector<256x16xi32>
    %eq3A_166 = vector.broadcast %broadcast_in_dim3A_159 : vector<256x1xi32> to vector<256x1024xi32>
    %eq3A_167 = arith.cmpi eq, %select_n3A_145, %eq3A_166 : vector<256x1024xi32>
    %select_n3A_168 = arith.select %eq3A_167, %select_n3A_148, %select_n3A_144 : vector<256x1024xi1>, vector<256x1024xf32>
    %select_n3A_169 = arith.select %eq3A_167, %select_n3A_28, %select_n3A_145 : vector<256x1024xi1>, vector<256x1024xi32>
    %jit3A_170 = arith.constant 0x7F800000 : f32
    %broadcast_in_dim3A_171 = vector.broadcast %jit3A_170 : f32 to vector<256x1024xf32>
    %select_n3A_172 = arith.select %eq3A_167, %broadcast_in_dim3A_171, %select_n3A_148 : vector<256x1024xi1>, vector<256x1024xf32>
    %reduce_min3A_173 = arith.constant dense<0x7F800000> : vector<256xf32>
    %reduce_min3A_174 = vector.multi_reduction <minimumf>, %select_n3A_168, %reduce_min3A_173 [1] : vector<256x1024xf32> to vector<256xf32>
    %broadcast_in_dim3A_175 = vector.shape_cast %reduce_min3A_174 : vector<256xf32> to vector<256x1xf32>
    %eq3A_176 = vector.broadcast %broadcast_in_dim3A_175 : vector<256x1xf32> to vector<256x1024xf32>
    %eq3A_177 = arith.cmpf oeq, %select_n3A_168, %eq3A_176 : vector<256x1024xf32>
    %jit3A_178 = arith.constant 2048 : i32
    %broadcast_in_dim3A_179 = vector.broadcast %jit3A_178 : i32 to vector<256x1024xi32>
    %select_n3A_180 = arith.select %eq3A_177, %select_n3A_169, %broadcast_in_dim3A_179 : vector<256x1024xi1>, vector<256x1024xi32>
    %reduce_min3A_181 = arith.constant dense<2147483647> : vector<256xi32>
    %reduce_min3A_182 = vector.multi_reduction <minsi>, %select_n3A_180, %reduce_min3A_181 [1] : vector<256x1024xi32> to vector<256xi32>
    %broadcast_in_dim3A_183 = vector.shape_cast %reduce_min3A_182 : vector<256xi32> to vector<256x1xi32>
    %eq3A_184 = arith.constant 6 : i32
    %eq3A_185 = vector.broadcast %eq3A_184 : i32 to vector<256x16xi32>
    %eq3A_186 = arith.cmpi eq, %iota3A_29, %eq3A_185 : vector<256x16xi32>
    %broadcast_in_dim3A_187 = vector.shape_cast %broadcast_in_dim3A_183 : vector<256x1xi32> to vector<256x1xi32>
    %broadcast_in_dim3A_188 = vector.broadcast %broadcast_in_dim3A_187 : vector<256x1xi32> to vector<256x16xi32>
    %select_n3A_189 = arith.select %eq3A_186, %broadcast_in_dim3A_188, %select_n3A_165 : vector<256x16xi1>, vector<256x16xi32>
    %eq3A_190 = vector.broadcast %broadcast_in_dim3A_183 : vector<256x1xi32> to vector<256x1024xi32>
    %eq3A_191 = arith.cmpi eq, %select_n3A_169, %eq3A_190 : vector<256x1024xi32>
    %select_n3A_192 = arith.select %eq3A_191, %select_n3A_172, %select_n3A_168 : vector<256x1024xi1>, vector<256x1024xf32>
    %select_n3A_193 = arith.select %eq3A_191, %select_n3A_28, %select_n3A_169 : vector<256x1024xi1>, vector<256x1024xi32>
    %jit3A_194 = arith.constant 0x7F800000 : f32
    %broadcast_in_dim3A_195 = vector.broadcast %jit3A_194 : f32 to vector<256x1024xf32>
    %select_n3A_196 = arith.select %eq3A_191, %broadcast_in_dim3A_195, %select_n3A_172 : vector<256x1024xi1>, vector<256x1024xf32>
    %reduce_min3A_197 = arith.constant dense<0x7F800000> : vector<256xf32>
    %reduce_min3A_198 = vector.multi_reduction <minimumf>, %select_n3A_192, %reduce_min3A_197 [1] : vector<256x1024xf32> to vector<256xf32>
    %broadcast_in_dim3A_199 = vector.shape_cast %reduce_min3A_198 : vector<256xf32> to vector<256x1xf32>
    %eq3A_200 = vector.broadcast %broadcast_in_dim3A_199 : vector<256x1xf32> to vector<256x1024xf32>
    %eq3A_201 = arith.cmpf oeq, %select_n3A_192, %eq3A_200 : vector<256x1024xf32>
    %jit3A_202 = arith.constant 2048 : i32
    %broadcast_in_dim3A_203 = vector.broadcast %jit3A_202 : i32 to vector<256x1024xi32>
    %select_n3A_204 = arith.select %eq3A_201, %select_n3A_193, %broadcast_in_dim3A_203 : vector<256x1024xi1>, vector<256x1024xi32>
    %reduce_min3A_205 = arith.constant dense<2147483647> : vector<256xi32>
    %reduce_min3A_206 = vector.multi_reduction <minsi>, %select_n3A_204, %reduce_min3A_205 [1] : vector<256x1024xi32> to vector<256xi32>
    %broadcast_in_dim3A_207 = vector.shape_cast %reduce_min3A_206 : vector<256xi32> to vector<256x1xi32>
    %eq3A_208 = arith.constant 7 : i32
    %eq3A_209 = vector.broadcast %eq3A_208 : i32 to vector<256x16xi32>
    %eq3A_210 = arith.cmpi eq, %iota3A_29, %eq3A_209 : vector<256x16xi32>
    %broadcast_in_dim3A_211 = vector.shape_cast %broadcast_in_dim3A_207 : vector<256x1xi32> to vector<256x1xi32>
    %broadcast_in_dim3A_212 = vector.broadcast %broadcast_in_dim3A_211 : vector<256x1xi32> to vector<256x16xi32>
    %select_n3A_213 = arith.select %eq3A_210, %broadcast_in_dim3A_212, %select_n3A_189 : vector<256x16xi1>, vector<256x16xi32>
    %eq3A_214 = vector.broadcast %broadcast_in_dim3A_207 : vector<256x1xi32> to vector<256x1024xi32>
    %eq3A_215 = arith.cmpi eq, %select_n3A_193, %eq3A_214 : vector<256x1024xi32>
    %select_n3A_216 = arith.select %eq3A_215, %select_n3A_196, %select_n3A_192 : vector<256x1024xi1>, vector<256x1024xf32>
    %select_n3A_217 = arith.select %eq3A_215, %select_n3A_28, %select_n3A_193 : vector<256x1024xi1>, vector<256x1024xi32>
    %jit3A_218 = arith.constant 0x7F800000 : f32
    %broadcast_in_dim3A_219 = vector.broadcast %jit3A_218 : f32 to vector<256x1024xf32>
    %select_n3A_220 = arith.select %eq3A_215, %broadcast_in_dim3A_219, %select_n3A_196 : vector<256x1024xi1>, vector<256x1024xf32>
    %reduce_min3A_221 = arith.constant dense<0x7F800000> : vector<256xf32>
    %reduce_min3A_222 = vector.multi_reduction <minimumf>, %select_n3A_216, %reduce_min3A_221 [1] : vector<256x1024xf32> to vector<256xf32>
    %broadcast_in_dim3A_223 = vector.shape_cast %reduce_min3A_222 : vector<256xf32> to vector<256x1xf32>
    %eq3A_224 = vector.broadcast %broadcast_in_dim3A_223 : vector<256x1xf32> to vector<256x1024xf32>
    %eq3A_225 = arith.cmpf oeq, %select_n3A_216, %eq3A_224 : vector<256x1024xf32>
    %jit3A_226 = arith.constant 2048 : i32
    %broadcast_in_dim3A_227 = vector.broadcast %jit3A_226 : i32 to vector<256x1024xi32>
    %select_n3A_228 = arith.select %eq3A_225, %select_n3A_217, %broadcast_in_dim3A_227 : vector<256x1024xi1>, vector<256x1024xi32>
    %reduce_min3A_229 = arith.constant dense<2147483647> : vector<256xi32>
    %reduce_min3A_230 = vector.multi_reduction <minsi>, %select_n3A_228, %reduce_min3A_229 [1] : vector<256x1024xi32> to vector<256xi32>
    %broadcast_in_dim3A_231 = vector.shape_cast %reduce_min3A_230 : vector<256xi32> to vector<256x1xi32>
    %eq3A_232 = arith.constant 8 : i32
    %eq3A_233 = vector.broadcast %eq3A_232 : i32 to vector<256x16xi32>
    %eq3A_234 = arith.cmpi eq, %iota3A_29, %eq3A_233 : vector<256x16xi32>
    %broadcast_in_dim3A_235 = vector.shape_cast %broadcast_in_dim3A_231 : vector<256x1xi32> to vector<256x1xi32>
    %broadcast_in_dim3A_236 = vector.broadcast %broadcast_in_dim3A_235 : vector<256x1xi32> to vector<256x16xi32>
    %select_n3A_237 = arith.select %eq3A_234, %broadcast_in_dim3A_236, %select_n3A_213 : vector<256x16xi1>, vector<256x16xi32>
    %eq3A_238 = vector.broadcast %broadcast_in_dim3A_231 : vector<256x1xi32> to vector<256x1024xi32>
    %eq3A_239 = arith.cmpi eq, %select_n3A_217, %eq3A_238 : vector<256x1024xi32>
    %select_n3A_240 = arith.select %eq3A_239, %select_n3A_220, %select_n3A_216 : vector<256x1024xi1>, vector<256x1024xf32>
    %select_n3A_241 = arith.select %eq3A_239, %select_n3A_28, %select_n3A_217 : vector<256x1024xi1>, vector<256x1024xi32>
    %jit3A_242 = arith.constant 0x7F800000 : f32
    %broadcast_in_dim3A_243 = vector.broadcast %jit3A_242 : f32 to vector<256x1024xf32>
    %select_n3A_244 = arith.select %eq3A_239, %broadcast_in_dim3A_243, %select_n3A_220 : vector<256x1024xi1>, vector<256x1024xf32>
    %reduce_min3A_245 = arith.constant dense<0x7F800000> : vector<256xf32>
    %reduce_min3A_246 = vector.multi_reduction <minimumf>, %select_n3A_240, %reduce_min3A_245 [1] : vector<256x1024xf32> to vector<256xf32>
    %broadcast_in_dim3A_247 = vector.shape_cast %reduce_min3A_246 : vector<256xf32> to vector<256x1xf32>
    %eq3A_248 = vector.broadcast %broadcast_in_dim3A_247 : vector<256x1xf32> to vector<256x1024xf32>
    %eq3A_249 = arith.cmpf oeq, %select_n3A_240, %eq3A_248 : vector<256x1024xf32>
    %jit3A_250 = arith.constant 2048 : i32
    %broadcast_in_dim3A_251 = vector.broadcast %jit3A_250 : i32 to vector<256x1024xi32>
    %select_n3A_252 = arith.select %eq3A_249, %select_n3A_241, %broadcast_in_dim3A_251 : vector<256x1024xi1>, vector<256x1024xi32>
    %reduce_min3A_253 = arith.constant dense<2147483647> : vector<256xi32>
    %reduce_min3A_254 = vector.multi_reduction <minsi>, %select_n3A_252, %reduce_min3A_253 [1] : vector<256x1024xi32> to vector<256xi32>
    %broadcast_in_dim3A_255 = vector.shape_cast %reduce_min3A_254 : vector<256xi32> to vector<256x1xi32>
    %eq3A_256 = arith.constant 9 : i32
    %eq3A_257 = vector.broadcast %eq3A_256 : i32 to vector<256x16xi32>
    %eq3A_258 = arith.cmpi eq, %iota3A_29, %eq3A_257 : vector<256x16xi32>
    %broadcast_in_dim3A_259 = vector.shape_cast %broadcast_in_dim3A_255 : vector<256x1xi32> to vector<256x1xi32>
    %broadcast_in_dim3A_260 = vector.broadcast %broadcast_in_dim3A_259 : vector<256x1xi32> to vector<256x16xi32>
    %select_n3A_261 = arith.select %eq3A_258, %broadcast_in_dim3A_260, %select_n3A_237 : vector<256x16xi1>, vector<256x16xi32>
    %eq3A_262 = vector.broadcast %broadcast_in_dim3A_255 : vector<256x1xi32> to vector<256x1024xi32>
    %eq3A_263 = arith.cmpi eq, %select_n3A_241, %eq3A_262 : vector<256x1024xi32>
    %select_n3A_264 = arith.select %eq3A_263, %select_n3A_244, %select_n3A_240 : vector<256x1024xi1>, vector<256x1024xf32>
    %select_n3A_265 = arith.select %eq3A_263, %select_n3A_28, %select_n3A_241 : vector<256x1024xi1>, vector<256x1024xi32>
    %jit3A_266 = arith.constant 0x7F800000 : f32
    %broadcast_in_dim3A_267 = vector.broadcast %jit3A_266 : f32 to vector<256x1024xf32>
    %select_n3A_268 = arith.select %eq3A_263, %broadcast_in_dim3A_267, %select_n3A_244 : vector<256x1024xi1>, vector<256x1024xf32>
    %reduce_min3A_269 = arith.constant dense<0x7F800000> : vector<256xf32>
    %reduce_min3A_270 = vector.multi_reduction <minimumf>, %select_n3A_264, %reduce_min3A_269 [1] : vector<256x1024xf32> to vector<256xf32>
    %broadcast_in_dim3A_271 = vector.shape_cast %reduce_min3A_270 : vector<256xf32> to vector<256x1xf32>
    %eq3A_272 = vector.broadcast %broadcast_in_dim3A_271 : vector<256x1xf32> to vector<256x1024xf32>
    %eq3A_273 = arith.cmpf oeq, %select_n3A_264, %eq3A_272 : vector<256x1024xf32>
    %jit3A_274 = arith.constant 2048 : i32
    %broadcast_in_dim3A_275 = vector.broadcast %jit3A_274 : i32 to vector<256x1024xi32>
    %select_n3A_276 = arith.select %eq3A_273, %select_n3A_265, %broadcast_in_dim3A_275 : vector<256x1024xi1>, vector<256x1024xi32>
    %reduce_min3A_277 = arith.constant dense<2147483647> : vector<256xi32>
    %reduce_min3A_278 = vector.multi_reduction <minsi>, %select_n3A_276, %reduce_min3A_277 [1] : vector<256x1024xi32> to vector<256xi32>
    %broadcast_in_dim3A_279 = vector.shape_cast %reduce_min3A_278 : vector<256xi32> to vector<256x1xi32>
    %eq3A_280 = arith.constant 10 : i32
    %eq3A_281 = vector.broadcast %eq3A_280 : i32 to vector<256x16xi32>
    %eq3A_282 = arith.cmpi eq, %iota3A_29, %eq3A_281 : vector<256x16xi32>
    %broadcast_in_dim3A_283 = vector.shape_cast %broadcast_in_dim3A_279 : vector<256x1xi32> to vector<256x1xi32>
    %broadcast_in_dim3A_284 = vector.broadcast %broadcast_in_dim3A_283 : vector<256x1xi32> to vector<256x16xi32>
    %select_n3A_285 = arith.select %eq3A_282, %broadcast_in_dim3A_284, %select_n3A_261 : vector<256x16xi1>, vector<256x16xi32>
    %eq3A_286 = vector.broadcast %broadcast_in_dim3A_279 : vector<256x1xi32> to vector<256x1024xi32>
    %eq3A_287 = arith.cmpi eq, %select_n3A_265, %eq3A_286 : vector<256x1024xi32>
    %select_n3A_288 = arith.select %eq3A_287, %select_n3A_268, %select_n3A_264 : vector<256x1024xi1>, vector<256x1024xf32>
    %select_n3A_289 = arith.select %eq3A_287, %select_n3A_28, %select_n3A_265 : vector<256x1024xi1>, vector<256x1024xi32>
    %jit3A_290 = arith.constant 0x7F800000 : f32
    %broadcast_in_dim3A_291 = vector.broadcast %jit3A_290 : f32 to vector<256x1024xf32>
    %select_n3A_292 = arith.select %eq3A_287, %broadcast_in_dim3A_291, %select_n3A_268 : vector<256x1024xi1>, vector<256x1024xf32>
    %reduce_min3A_293 = arith.constant dense<0x7F800000> : vector<256xf32>
    %reduce_min3A_294 = vector.multi_reduction <minimumf>, %select_n3A_288, %reduce_min3A_293 [1] : vector<256x1024xf32> to vector<256xf32>
    %broadcast_in_dim3A_295 = vector.shape_cast %reduce_min3A_294 : vector<256xf32> to vector<256x1xf32>
    %eq3A_296 = vector.broadcast %broadcast_in_dim3A_295 : vector<256x1xf32> to vector<256x1024xf32>
    %eq3A_297 = arith.cmpf oeq, %select_n3A_288, %eq3A_296 : vector<256x1024xf32>
    %jit3A_298 = arith.constant 2048 : i32
    %broadcast_in_dim3A_299 = vector.broadcast %jit3A_298 : i32 to vector<256x1024xi32>
    %select_n3A_300 = arith.select %eq3A_297, %select_n3A_289, %broadcast_in_dim3A_299 : vector<256x1024xi1>, vector<256x1024xi32>
    %reduce_min3A_301 = arith.constant dense<2147483647> : vector<256xi32>
    %reduce_min3A_302 = vector.multi_reduction <minsi>, %select_n3A_300, %reduce_min3A_301 [1] : vector<256x1024xi32> to vector<256xi32>
    %broadcast_in_dim3A_303 = vector.shape_cast %reduce_min3A_302 : vector<256xi32> to vector<256x1xi32>
    %eq3A_304 = arith.constant 11 : i32
    %eq3A_305 = vector.broadcast %eq3A_304 : i32 to vector<256x16xi32>
    %eq3A_306 = arith.cmpi eq, %iota3A_29, %eq3A_305 : vector<256x16xi32>
    %broadcast_in_dim3A_307 = vector.shape_cast %broadcast_in_dim3A_303 : vector<256x1xi32> to vector<256x1xi32>
    %broadcast_in_dim3A_308 = vector.broadcast %broadcast_in_dim3A_307 : vector<256x1xi32> to vector<256x16xi32>
    %select_n3A_309 = arith.select %eq3A_306, %broadcast_in_dim3A_308, %select_n3A_285 : vector<256x16xi1>, vector<256x16xi32>
    %eq3A_310 = vector.broadcast %broadcast_in_dim3A_303 : vector<256x1xi32> to vector<256x1024xi32>
    %eq3A_311 = arith.cmpi eq, %select_n3A_289, %eq3A_310 : vector<256x1024xi32>
    %select_n3A_312 = arith.select %eq3A_311, %select_n3A_292, %select_n3A_288 : vector<256x1024xi1>, vector<256x1024xf32>
    %select_n3A_313 = arith.select %eq3A_311, %select_n3A_28, %select_n3A_289 : vector<256x1024xi1>, vector<256x1024xi32>
    %jit3A_314 = arith.constant 0x7F800000 : f32
    %broadcast_in_dim3A_315 = vector.broadcast %jit3A_314 : f32 to vector<256x1024xf32>
    %select_n3A_316 = arith.select %eq3A_311, %broadcast_in_dim3A_315, %select_n3A_292 : vector<256x1024xi1>, vector<256x1024xf32>
    %reduce_min3A_317 = arith.constant dense<0x7F800000> : vector<256xf32>
    %reduce_min3A_318 = vector.multi_reduction <minimumf>, %select_n3A_312, %reduce_min3A_317 [1] : vector<256x1024xf32> to vector<256xf32>
    %broadcast_in_dim3A_319 = vector.shape_cast %reduce_min3A_318 : vector<256xf32> to vector<256x1xf32>
    %eq3A_320 = vector.broadcast %broadcast_in_dim3A_319 : vector<256x1xf32> to vector<256x1024xf32>
    %eq3A_321 = arith.cmpf oeq, %select_n3A_312, %eq3A_320 : vector<256x1024xf32>
    %jit3A_322 = arith.constant 2048 : i32
    %broadcast_in_dim3A_323 = vector.broadcast %jit3A_322 : i32 to vector<256x1024xi32>
    %select_n3A_324 = arith.select %eq3A_321, %select_n3A_313, %broadcast_in_dim3A_323 : vector<256x1024xi1>, vector<256x1024xi32>
    %reduce_min3A_325 = arith.constant dense<2147483647> : vector<256xi32>
    %reduce_min3A_326 = vector.multi_reduction <minsi>, %select_n3A_324, %reduce_min3A_325 [1] : vector<256x1024xi32> to vector<256xi32>
    %broadcast_in_dim3A_327 = vector.shape_cast %reduce_min3A_326 : vector<256xi32> to vector<256x1xi32>
    %eq3A_328 = arith.constant 12 : i32
    %eq3A_329 = vector.broadcast %eq3A_328 : i32 to vector<256x16xi32>
    %eq3A_330 = arith.cmpi eq, %iota3A_29, %eq3A_329 : vector<256x16xi32>
    %broadcast_in_dim3A_331 = vector.shape_cast %broadcast_in_dim3A_327 : vector<256x1xi32> to vector<256x1xi32>
    %broadcast_in_dim3A_332 = vector.broadcast %broadcast_in_dim3A_331 : vector<256x1xi32> to vector<256x16xi32>
    %select_n3A_333 = arith.select %eq3A_330, %broadcast_in_dim3A_332, %select_n3A_309 : vector<256x16xi1>, vector<256x16xi32>
    %eq3A_334 = vector.broadcast %broadcast_in_dim3A_327 : vector<256x1xi32> to vector<256x1024xi32>
    %eq3A_335 = arith.cmpi eq, %select_n3A_313, %eq3A_334 : vector<256x1024xi32>
    %select_n3A_336 = arith.select %eq3A_335, %select_n3A_316, %select_n3A_312 : vector<256x1024xi1>, vector<256x1024xf32>
    %select_n3A_337 = arith.select %eq3A_335, %select_n3A_28, %select_n3A_313 : vector<256x1024xi1>, vector<256x1024xi32>
    %jit3A_338 = arith.constant 0x7F800000 : f32
    %broadcast_in_dim3A_339 = vector.broadcast %jit3A_338 : f32 to vector<256x1024xf32>
    %select_n3A_340 = arith.select %eq3A_335, %broadcast_in_dim3A_339, %select_n3A_316 : vector<256x1024xi1>, vector<256x1024xf32>
    %reduce_min3A_341 = arith.constant dense<0x7F800000> : vector<256xf32>
    %reduce_min3A_342 = vector.multi_reduction <minimumf>, %select_n3A_336, %reduce_min3A_341 [1] : vector<256x1024xf32> to vector<256xf32>
    %broadcast_in_dim3A_343 = vector.shape_cast %reduce_min3A_342 : vector<256xf32> to vector<256x1xf32>
    %eq3A_344 = vector.broadcast %broadcast_in_dim3A_343 : vector<256x1xf32> to vector<256x1024xf32>
    %eq3A_345 = arith.cmpf oeq, %select_n3A_336, %eq3A_344 : vector<256x1024xf32>
    %jit3A_346 = arith.constant 2048 : i32
    %broadcast_in_dim3A_347 = vector.broadcast %jit3A_346 : i32 to vector<256x1024xi32>
    %select_n3A_348 = arith.select %eq3A_345, %select_n3A_337, %broadcast_in_dim3A_347 : vector<256x1024xi1>, vector<256x1024xi32>
    %reduce_min3A_349 = arith.constant dense<2147483647> : vector<256xi32>
    %reduce_min3A_350 = vector.multi_reduction <minsi>, %select_n3A_348, %reduce_min3A_349 [1] : vector<256x1024xi32> to vector<256xi32>
    %broadcast_in_dim3A_351 = vector.shape_cast %reduce_min3A_350 : vector<256xi32> to vector<256x1xi32>
    %eq3A_352 = arith.constant 13 : i32
    %eq3A_353 = vector.broadcast %eq3A_352 : i32 to vector<256x16xi32>
    %eq3A_354 = arith.cmpi eq, %iota3A_29, %eq3A_353 : vector<256x16xi32>
    %broadcast_in_dim3A_355 = vector.shape_cast %broadcast_in_dim3A_351 : vector<256x1xi32> to vector<256x1xi32>
    %broadcast_in_dim3A_356 = vector.broadcast %broadcast_in_dim3A_355 : vector<256x1xi32> to vector<256x16xi32>
    %select_n3A_357 = arith.select %eq3A_354, %broadcast_in_dim3A_356, %select_n3A_333 : vector<256x16xi1>, vector<256x16xi32>
    %eq3A_358 = vector.broadcast %broadcast_in_dim3A_351 : vector<256x1xi32> to vector<256x1024xi32>
    %eq3A_359 = arith.cmpi eq, %select_n3A_337, %eq3A_358 : vector<256x1024xi32>
    %select_n3A_360 = arith.select %eq3A_359, %select_n3A_340, %select_n3A_336 : vector<256x1024xi1>, vector<256x1024xf32>
    %select_n3A_361 = arith.select %eq3A_359, %select_n3A_28, %select_n3A_337 : vector<256x1024xi1>, vector<256x1024xi32>
    %jit3A_362 = arith.constant 0x7F800000 : f32
    %broadcast_in_dim3A_363 = vector.broadcast %jit3A_362 : f32 to vector<256x1024xf32>
    %select_n3A_364 = arith.select %eq3A_359, %broadcast_in_dim3A_363, %select_n3A_340 : vector<256x1024xi1>, vector<256x1024xf32>
    %reduce_min3A_365 = arith.constant dense<0x7F800000> : vector<256xf32>
    %reduce_min3A_366 = vector.multi_reduction <minimumf>, %select_n3A_360, %reduce_min3A_365 [1] : vector<256x1024xf32> to vector<256xf32>
    %broadcast_in_dim3A_367 = vector.shape_cast %reduce_min3A_366 : vector<256xf32> to vector<256x1xf32>
    %eq3A_368 = vector.broadcast %broadcast_in_dim3A_367 : vector<256x1xf32> to vector<256x1024xf32>
    %eq3A_369 = arith.cmpf oeq, %select_n3A_360, %eq3A_368 : vector<256x1024xf32>
    %jit3A_370 = arith.constant 2048 : i32
    %broadcast_in_dim3A_371 = vector.broadcast %jit3A_370 : i32 to vector<256x1024xi32>
    %select_n3A_372 = arith.select %eq3A_369, %select_n3A_361, %broadcast_in_dim3A_371 : vector<256x1024xi1>, vector<256x1024xi32>
    %reduce_min3A_373 = arith.constant dense<2147483647> : vector<256xi32>
    %reduce_min3A_374 = vector.multi_reduction <minsi>, %select_n3A_372, %reduce_min3A_373 [1] : vector<256x1024xi32> to vector<256xi32>
    %broadcast_in_dim3A_375 = vector.shape_cast %reduce_min3A_374 : vector<256xi32> to vector<256x1xi32>
    %eq3A_376 = arith.constant 14 : i32
    %eq3A_377 = vector.broadcast %eq3A_376 : i32 to vector<256x16xi32>
    %eq3A_378 = arith.cmpi eq, %iota3A_29, %eq3A_377 : vector<256x16xi32>
    %broadcast_in_dim3A_379 = vector.shape_cast %broadcast_in_dim3A_375 : vector<256x1xi32> to vector<256x1xi32>
    %broadcast_in_dim3A_380 = vector.broadcast %broadcast_in_dim3A_379 : vector<256x1xi32> to vector<256x16xi32>
    %select_n3A_381 = arith.select %eq3A_378, %broadcast_in_dim3A_380, %select_n3A_357 : vector<256x16xi1>, vector<256x16xi32>
    %eq3A_382 = vector.broadcast %broadcast_in_dim3A_375 : vector<256x1xi32> to vector<256x1024xi32>
    %eq3A_383 = arith.cmpi eq, %select_n3A_361, %eq3A_382 : vector<256x1024xi32>
    %select_n3A_384 = arith.select %eq3A_383, %select_n3A_364, %select_n3A_360 : vector<256x1024xi1>, vector<256x1024xf32>
    %select_n3A_385 = arith.select %eq3A_383, %select_n3A_28, %select_n3A_361 : vector<256x1024xi1>, vector<256x1024xi32>
    %reduce_min3A_386 = arith.constant dense<0x7F800000> : vector<256xf32>
    %reduce_min3A_387 = vector.multi_reduction <minimumf>, %select_n3A_384, %reduce_min3A_386 [1] : vector<256x1024xf32> to vector<256xf32>
    %broadcast_in_dim3A_388 = vector.shape_cast %reduce_min3A_387 : vector<256xf32> to vector<256x1xf32>
    %eq3A_389 = vector.broadcast %broadcast_in_dim3A_388 : vector<256x1xf32> to vector<256x1024xf32>
    %eq3A_390 = arith.cmpf oeq, %select_n3A_384, %eq3A_389 : vector<256x1024xf32>
    %jit3A_391 = arith.constant 2048 : i32
    %broadcast_in_dim3A_392 = vector.broadcast %jit3A_391 : i32 to vector<256x1024xi32>
    %select_n3A_393 = arith.select %eq3A_390, %select_n3A_385, %broadcast_in_dim3A_392 : vector<256x1024xi1>, vector<256x1024xi32>
    %reduce_min3A_394 = arith.constant dense<2147483647> : vector<256xi32>
    %reduce_min3A_395 = vector.multi_reduction <minsi>, %select_n3A_393, %reduce_min3A_394 [1] : vector<256x1024xi32> to vector<256xi32>
    %broadcast_in_dim3A_396 = vector.shape_cast %reduce_min3A_395 : vector<256xi32> to vector<256x1xi32>
    %eq3A_397 = arith.constant 15 : i32
    %eq3A_398 = vector.broadcast %eq3A_397 : i32 to vector<256x16xi32>
    %eq3A_399 = arith.cmpi eq, %iota3A_29, %eq3A_398 : vector<256x16xi32>
    %broadcast_in_dim3A_400 = vector.shape_cast %broadcast_in_dim3A_396 : vector<256x1xi32> to vector<256x1xi32>
    %broadcast_in_dim3A_401 = vector.broadcast %broadcast_in_dim3A_400 : vector<256x1xi32> to vector<256x16xi32>
    %select_n3A_402 = arith.select %eq3A_399, %broadcast_in_dim3A_401, %select_n3A_381 : vector<256x16xi1>, vector<256x16xi32>
    %mul3A_403 = arith.constant 2048 : i32
    %mul3A_404 = arith.muli %arg0, %mul3A_403 : i32
    %add3A_405 = vector.broadcast %mul3A_404 : i32 to vector<256x16xi32>
    %add3A_406 = arith.addi %select_n3A_402, %add3A_405 : vector<256x16xi32>
    %swap3A = arith.constant 0 : index
    %swap3A_407 = arith.constant 0 : index
    %swap3A_408 = arith.constant 0 : index
    %swap3A_409 = vector.load %arg4[%swap3A, %swap3A_407, %swap3A_408] : memref<1x256x16xi32, #tpu.memory_space<vmem>>, vector<1x256x16xi32>
    %swap3A_410 = vector.shape_cast %swap3A_409 : vector<1x256x16xi32> to vector<256x16xi32>
    %swap3A_411 = vector.shape_cast %add3A_406 : vector<256x16xi32> to vector<1x256x16xi32>
    tpu.vector_store %arg4[%swap3A, %swap3A_407, %swap3A_408], %swap3A_411 {strides = array<i32>} : memref<1x256x16xi32, #tpu.memory_space<vmem>>, vector<1x256x16xi32>,
    return
  }
  func.func @transform_0(%arg0: i32, %arg1: i32) -> (i32, i32, i32) {
    %c0_i32 = arith.constant 0 : i32
    %c0_i32_0 = arith.constant 0 : i32
    return %arg0, %arg1, %c0_i32 : i32, i32, i32
  }
  func.func @transform_1(%arg0: i32, %arg1: i32) -> (i32, i32, i32) {
    %c0_i32 = arith.constant 0 : i32
    %c0_i32_0 = arith.constant 0 : i32
    %c0_i32_1 = arith.constant 0 : i32
    return %arg0, %c0_i32, %c0_i32_0 : i32, i32, i32
  }
  func.func @transform_2(%arg0: i32, %arg1: i32) -> (i32, i32, i32) {
    %c0_i32 = arith.constant 0 : i32
    %c0_i32_0 = arith.constant 0 : i32
    return %arg0, %arg1, %c0_i32 : i32, i32, i32
  }
}

module attributes {stable_mosaic.version = 14 : i64} {
  func.func @_embed_body(%arg0: i32, %arg1: memref<1x2048x3xf32, #tpu.memory_space<vmem>>, %arg2: memref<3x64xf32, #tpu.memory_space<vmem>>, %arg3: memref<1x2048x64xf32, #tpu.memory_space<vmem>>, %arg4: memref<8x64xf32, #tpu.memory_space<vmem>>, %arg5: memref<8x64xf32, #tpu.memory_space<vmem>>) attributes {dimension_semantics = [#tpu.dimension_semantics<arbitrary>], iteration_bounds = array<i64: 4>, scalar_prefetch = 0 : i64, scratch_operands = 1 : i64, tpu.core_type = #tpu.core_type<tc>, window_params = [{transform_indices = @transform_0, window_bounds = array<i64: 1, 2048, 3>}, {pipeline_mode = #tpu.pipeline_mode<synchronous>, transform_indices = @transform_1, window_bounds = array<i64: 3, 64>}, {transform_indices = @transform_2, window_bounds = array<i64: 1, 2048, 64>}, {pipeline_mode = #tpu.pipeline_mode<synchronous>, transform_indices = @transform_3, window_bounds = array<i64: 8, 64>}]} {
    %get3A = arith.constant 0 : index
    %get3A_0 = arith.constant 0 : index
    %get3A_1 = arith.constant 0 : index
    %get3A_2 = vector.load %arg1[%get3A, %get3A_0, %get3A_1] : memref<1x2048x3xf32, #tpu.memory_space<vmem>>, vector<1x2048x3xf32>
    %get3A_3 = vector.shape_cast %get3A_2 : vector<1x2048x3xf32> to vector<2048x3xf32>
    %get3A_4 = arith.constant 0 : index
    %get3A_5 = arith.constant 0 : index
    %get3A_6 = vector.load %arg2[%get3A_4, %get3A_5] : memref<3x64xf32, #tpu.memory_space<vmem>>, vector<3x64xf32>
    %convert_element_type3A = arith.truncf %get3A_3 : vector<2048x3xf32> to vector<2048x3xbf16>
    %convert_element_type3A_7 = arith.truncf %get3A_6 : vector<3x64xf32> to vector<3x64xbf16>
    %dot_general3A = arith.constant dense<0.000000e+00> : vector<2048x64xf32>
    %dot_general3A_8 = tpu.matmul %convert_element_type3A, %convert_element_type3A_7, %dot_general3A {dimension_numbers = #tpu.dot_dimension_numbers<[1], [0], [0], [1], [0, 0, 1, 1], [], []>, transpose_lhs_hint = false} : vector<2048x3xbf16>, vector<3x64xbf16>, vector<2048x64xf32> -> vector<2048x64xf32>
    %swap3A = arith.constant 0 : index
    %swap3A_9 = arith.constant 0 : index
    %swap3A_10 = arith.constant 0 : index
    %swap3A_11 = vector.load %arg3[%swap3A, %swap3A_9, %swap3A_10] : memref<1x2048x64xf32, #tpu.memory_space<vmem>>, vector<1x2048x64xf32>
    %swap3A_12 = vector.shape_cast %swap3A_11 : vector<1x2048x64xf32> to vector<2048x64xf32>
    %swap3A_13 = vector.shape_cast %dot_general3A_8 : vector<2048x64xf32> to vector<1x2048x64xf32>
    tpu.vector_store %arg3[%swap3A, %swap3A_9, %swap3A_10], %swap3A_13 {strides = array<i32>} : memref<1x2048x64xf32, #tpu.memory_space<vmem>>, vector<1x2048x64xf32>,
    %eq3A = arith.constant 0 : i32
    %eq3A_14 = arith.cmpi eq, %arg0, %eq3A : i32
    %eq3A_15 = arith.constant 3 : i32
    %eq3A_16 = arith.cmpi eq, %arg0, %eq3A_15 : i32
    %convert_element_type3A_17 = arith.extui %eq3A_14 : i1 to i32
    %cond3A = arith.constant 0 : i32
    %cond3A_18 = arith.cmpi ne, %convert_element_type3A_17, %cond3A : i32
    scf.if %cond3A_18 {
      %broadcast_in_dim3A = arith.constant 0.000000e+00 : f32
      %broadcast_in_dim3A_39 = vector.broadcast %broadcast_in_dim3A : f32 to vector<8x64xf32>
      %swap3A_40 = arith.constant 0 : index
      %swap3A_41 = arith.constant 0 : index
      %swap3A_42 = vector.load %arg5[%swap3A_40, %swap3A_41] : memref<8x64xf32, #tpu.memory_space<vmem>>, vector<8x64xf32>
      tpu.vector_store %arg5[%swap3A_40, %swap3A_41], %broadcast_in_dim3A_39 {strides = array<i32>} : memref<8x64xf32, #tpu.memory_space<vmem>>, vector<8x64xf32>,
    } else {
    }
    %get3A_19 = arith.constant 0 : index
    %get3A_20 = arith.constant 0 : index
    %get3A_21 = vector.load %arg5[%get3A_19, %get3A_20] : memref<8x64xf32, #tpu.memory_space<vmem>>, vector<1x64xf32>
    %reduce_sum3A = arith.constant dense<0.000000e+00> : vector<64xf32>
    %reduce_sum3A_22 = vector.multi_reduction <add>, %dot_general3A_8, %reduce_sum3A [0] : vector<2048x64xf32> to vector<64xf32>
    %reshape3A = vector.shape_cast %reduce_sum3A_22 : vector<64xf32> to vector<1x64xf32>
    %add3A = arith.addf %get3A_21, %reshape3A : vector<1x64xf32>
    %swap3A_23 = arith.constant 0 : index
    %swap3A_24 = arith.constant 0 : index
    %swap3A_25 = vector.load %arg5[%swap3A_23, %swap3A_24] : memref<8x64xf32, #tpu.memory_space<vmem>>, vector<1x64xf32>
    tpu.vector_store %arg5[%swap3A_23, %swap3A_24], %add3A {strides = array<i32>} : memref<8x64xf32, #tpu.memory_space<vmem>>, vector<1x64xf32>,
    %get3A_26 = arith.constant 1 : index
    %get3A_27 = arith.constant 0 : index
    %get3A_28 = vector.load %arg5[%get3A_26, %get3A_27] : memref<8x64xf32, #tpu.memory_space<vmem>>, vector<1x64xf32>
    %mul3A = arith.mulf %dot_general3A_8, %dot_general3A_8 : vector<2048x64xf32>
    %reduce_sum3A_29 = arith.constant dense<0.000000e+00> : vector<64xf32>
    %reduce_sum3A_30 = vector.multi_reduction <add>, %mul3A, %reduce_sum3A_29 [0] : vector<2048x64xf32> to vector<64xf32>
    %reshape3A_31 = vector.shape_cast %reduce_sum3A_30 : vector<64xf32> to vector<1x64xf32>
    %add3A_32 = arith.addf %get3A_28, %reshape3A_31 : vector<1x64xf32>
    %swap3A_33 = arith.constant 1 : index
    %swap3A_34 = arith.constant 0 : index
    %swap3A_35 = vector.load %arg5[%swap3A_33, %swap3A_34] : memref<8x64xf32, #tpu.memory_space<vmem>>, vector<1x64xf32>
    tpu.vector_store %arg5[%swap3A_33, %swap3A_34], %add3A_32 {strides = array<i32>} : memref<8x64xf32, #tpu.memory_space<vmem>>, vector<1x64xf32>,
    %convert_element_type3A_36 = arith.extui %eq3A_16 : i1 to i32
    %cond3A_37 = arith.constant 0 : i32
    %cond3A_38 = arith.cmpi ne, %convert_element_type3A_36, %cond3A_37 : i32
    scf.if %cond3A_38 {
      %get3A_39 = arith.constant 0 : index
      %get3A_40 = arith.constant 0 : index
      %get3A_41 = vector.load %arg5[%get3A_39, %get3A_40] : memref<8x64xf32, #tpu.memory_space<vmem>>, vector<8x64xf32>
      %swap3A_42 = arith.constant 0 : index
      %swap3A_43 = arith.constant 0 : index
      %swap3A_44 = vector.load %arg4[%swap3A_42, %swap3A_43] : memref<8x64xf32, #tpu.memory_space<vmem>>, vector<8x64xf32>
      tpu.vector_store %arg4[%swap3A_42, %swap3A_43], %get3A_41 {strides = array<i32>} : memref<8x64xf32, #tpu.memory_space<vmem>>, vector<8x64xf32>,
    } else {
    }
    return
  }
  func.func @transform_0(%arg0: i32) -> (i32, i32, i32) {
    %c0_i32 = arith.constant 0 : i32
    %c0_i32_0 = arith.constant 0 : i32
    %c0_i32_1 = arith.constant 0 : i32
    return %arg0, %c0_i32, %c0_i32_0 : i32, i32, i32
  }
  func.func @transform_1(%arg0: i32) -> (i32, i32) {
    %c0_i32 = arith.constant 0 : i32
    %c0_i32_0 = arith.constant 0 : i32
    %c0_i32_1 = arith.constant 0 : i32
    return %c0_i32, %c0_i32_0 : i32, i32
  }
  func.func @transform_2(%arg0: i32) -> (i32, i32, i32) {
    %c0_i32 = arith.constant 0 : i32
    %c0_i32_0 = arith.constant 0 : i32
    %c0_i32_1 = arith.constant 0 : i32
    return %arg0, %c0_i32, %c0_i32_0 : i32, i32, i32
  }
  func.func @transform_3(%arg0: i32) -> (i32, i32) {
    %c0_i32 = arith.constant 0 : i32
    %c0_i32_0 = arith.constant 0 : i32
    %c0_i32_1 = arith.constant 0 : i32
    return %c0_i32, %c0_i32_0 : i32, i32
  }
}

module attributes {stable_mosaic.version = 14 : i64} {
  func.func @_qkv_body(%arg0: i32, %arg1: memref<1x2048x64xf32, #tpu.memory_space<vmem>>, %arg2: memref<1x64xf32, #tpu.memory_space<vmem>>, %arg3: memref<1x64xf32, #tpu.memory_space<vmem>>, %arg4: memref<64x64xf32, #tpu.memory_space<vmem>>, %arg5: memref<64x64xf32, #tpu.memory_space<vmem>>, %arg6: memref<64x64xf32, #tpu.memory_space<vmem>>, %arg7: memref<1x2048x64xf32, #tpu.memory_space<vmem>>, %arg8: memref<1x2048x64xf32, #tpu.memory_space<vmem>>, %arg9: memref<1x2048x128xf32, #tpu.memory_space<vmem>>) attributes {dimension_semantics = [#tpu.dimension_semantics<arbitrary>], iteration_bounds = array<i64: 4>, scalar_prefetch = 0 : i64, scratch_operands = 0 : i64, tpu.core_type = #tpu.core_type<tc>, window_params = [{transform_indices = @transform_0, window_bounds = array<i64: 1, 2048, 64>}, {pipeline_mode = #tpu.pipeline_mode<synchronous>, transform_indices = @transform_1, window_bounds = array<i64: 1, 64>}, {pipeline_mode = #tpu.pipeline_mode<synchronous>, transform_indices = @transform_2, window_bounds = array<i64: 1, 64>}, {pipeline_mode = #tpu.pipeline_mode<synchronous>, transform_indices = @transform_3, window_bounds = array<i64: 64, 64>}, {pipeline_mode = #tpu.pipeline_mode<synchronous>, transform_indices = @transform_4, window_bounds = array<i64: 64, 64>}, {pipeline_mode = #tpu.pipeline_mode<synchronous>, transform_indices = @transform_5, window_bounds = array<i64: 64, 64>}, {transform_indices = @transform_6, window_bounds = array<i64: 1, 2048, 64>}, {transform_indices = @transform_7, window_bounds = array<i64: 1, 2048, 64>}, {transform_indices = @transform_8, window_bounds = array<i64: 1, 2048, 128>}]} {
    %get3A = arith.constant 0 : index
    %get3A_0 = arith.constant 0 : index
    %get3A_1 = arith.constant 0 : index
    %get3A_2 = vector.load %arg1[%get3A, %get3A_0, %get3A_1] : memref<1x2048x64xf32, #tpu.memory_space<vmem>>, vector<1x2048x64xf32>
    %get3A_3 = vector.shape_cast %get3A_2 : vector<1x2048x64xf32> to vector<2048x64xf32>
    %get3A_4 = arith.constant 0 : index
    %get3A_5 = arith.constant 0 : index
    %get3A_6 = vector.load %arg2[%get3A_4, %get3A_5] : memref<1x64xf32, #tpu.memory_space<vmem>>, vector<1x64xf32>
    %mul3A = vector.broadcast %get3A_6 : vector<1x64xf32> to vector<2048x64xf32>
    %mul3A_7 = arith.mulf %get3A_3, %mul3A : vector<2048x64xf32>
    %get3A_8 = arith.constant 0 : index
    %get3A_9 = arith.constant 0 : index
    %get3A_10 = vector.load %arg3[%get3A_8, %get3A_9] : memref<1x64xf32, #tpu.memory_space<vmem>>, vector<1x64xf32>
    %add3A = vector.broadcast %get3A_10 : vector<1x64xf32> to vector<2048x64xf32>
    %add3A_11 = arith.addf %mul3A_7, %add3A : vector<2048x64xf32>
    %max3A = arith.constant 0.000000e+00 : f32
    %max3A_12 = vector.broadcast %max3A : f32 to vector<2048x64xf32>
    %max3A_13 = arith.maximumf %add3A_11, %max3A_12 : vector<2048x64xf32>
    %swap3A = arith.constant 0 : index
    %swap3A_14 = arith.constant 0 : index
    %swap3A_15 = arith.constant 0 : index
    %swap3A_16 = vector.load %arg7[%swap3A, %swap3A_14, %swap3A_15] : memref<1x2048x64xf32, #tpu.memory_space<vmem>>, vector<1x2048x64xf32>
    %swap3A_17 = vector.shape_cast %swap3A_16 : vector<1x2048x64xf32> to vector<2048x64xf32>
    %swap3A_18 = vector.shape_cast %max3A_13 : vector<2048x64xf32> to vector<1x2048x64xf32>
    tpu.vector_store %arg7[%swap3A, %swap3A_14, %swap3A_15], %swap3A_18 {strides = array<i32>} : memref<1x2048x64xf32, #tpu.memory_space<vmem>>, vector<1x2048x64xf32>,
    %get3A_19 = arith.constant 0 : index
    %get3A_20 = arith.constant 0 : index
    %get3A_21 = vector.load %arg4[%get3A_19, %get3A_20] : memref<64x64xf32, #tpu.memory_space<vmem>>, vector<64x64xf32>
    %convert_element_type3A = arith.truncf %max3A_13 : vector<2048x64xf32> to vector<2048x64xbf16>
    %convert_element_type3A_22 = arith.truncf %get3A_21 : vector<64x64xf32> to vector<64x64xbf16>
    %dot_general3A = arith.constant dense<0.000000e+00> : vector<2048x64xf32>
    %dot_general3A_23 = tpu.matmul %convert_element_type3A, %convert_element_type3A_22, %dot_general3A {dimension_numbers = #tpu.dot_dimension_numbers<[1], [0], [0], [1], [0, 0, 1, 1], [], []>, transpose_lhs_hint = false} : vector<2048x64xbf16>, vector<64x64xbf16>, vector<2048x64xf32> -> vector<2048x64xf32>
    %swap3A_24 = arith.constant 0 : index
    %swap3A_25 = arith.constant 0 : index
    %swap3A_26 = arith.constant 0 : index
    %swap3A_27 = vector.load %arg8[%swap3A_24, %swap3A_25, %swap3A_26] : memref<1x2048x64xf32, #tpu.memory_space<vmem>>, vector<1x2048x64xf32>
    %swap3A_28 = vector.shape_cast %swap3A_27 : vector<1x2048x64xf32> to vector<2048x64xf32>
    %swap3A_29 = vector.shape_cast %dot_general3A_23 : vector<2048x64xf32> to vector<1x2048x64xf32>
    tpu.vector_store %arg8[%swap3A_24, %swap3A_25, %swap3A_26], %swap3A_29 {strides = array<i32>} : memref<1x2048x64xf32, #tpu.memory_space<vmem>>, vector<1x2048x64xf32>,
    %get3A_30 = arith.constant 0 : index
    %get3A_31 = arith.constant 0 : index
    %get3A_32 = vector.load %arg5[%get3A_30, %get3A_31] : memref<64x64xf32, #tpu.memory_space<vmem>>, vector<64x64xf32>
    %convert_element_type3A_33 = arith.truncf %max3A_13 : vector<2048x64xf32> to vector<2048x64xbf16>
    %convert_element_type3A_34 = arith.truncf %get3A_32 : vector<64x64xf32> to vector<64x64xbf16>
    %dot_general3A_35 = arith.constant dense<0.000000e+00> : vector<2048x64xf32>
    %dot_general3A_36 = tpu.matmul %convert_element_type3A_33, %convert_element_type3A_34, %dot_general3A_35 {dimension_numbers = #tpu.dot_dimension_numbers<[1], [0], [0], [1], [0, 0, 1, 1], [], []>, transpose_lhs_hint = false} : vector<2048x64xbf16>, vector<64x64xbf16>, vector<2048x64xf32> -> vector<2048x64xf32>
    %swap3A_37 = arith.constant 0 : index
    %swap3A_38 = arith.constant 0 : index
    %swap3A_39 = arith.constant 0 : index
    %swap3A_40 = vector.load %arg9[%swap3A_37, %swap3A_38, %swap3A_39] : memref<1x2048x128xf32, #tpu.memory_space<vmem>>, vector<1x2048x64xf32>
    %swap3A_41 = vector.shape_cast %swap3A_40 : vector<1x2048x64xf32> to vector<2048x64xf32>
    %swap3A_42 = vector.shape_cast %dot_general3A_36 : vector<2048x64xf32> to vector<1x2048x64xf32>
    tpu.vector_store %arg9[%swap3A_37, %swap3A_38, %swap3A_39], %swap3A_42 {strides = array<i32>} : memref<1x2048x128xf32, #tpu.memory_space<vmem>>, vector<1x2048x64xf32>,
    %get3A_43 = arith.constant 0 : index
    %get3A_44 = arith.constant 0 : index
    %get3A_45 = vector.load %arg6[%get3A_43, %get3A_44] : memref<64x64xf32, #tpu.memory_space<vmem>>, vector<64x64xf32>
    %convert_element_type3A_46 = arith.truncf %max3A_13 : vector<2048x64xf32> to vector<2048x64xbf16>
    %convert_element_type3A_47 = arith.truncf %get3A_45 : vector<64x64xf32> to vector<64x64xbf16>
    %dot_general3A_48 = arith.constant dense<0.000000e+00> : vector<2048x64xf32>
    %dot_general3A_49 = tpu.matmul %convert_element_type3A_46, %convert_element_type3A_47, %dot_general3A_48 {dimension_numbers = #tpu.dot_dimension_numbers<[1], [0], [0], [1], [0, 0, 1, 1], [], []>, transpose_lhs_hint = false} : vector<2048x64xbf16>, vector<64x64xbf16>, vector<2048x64xf32> -> vector<2048x64xf32>
    %swap3A_50 = arith.constant 0 : index
    %swap3A_51 = arith.constant 0 : index
    %swap3A_52 = arith.constant 64 : index
    %swap3A_53 = vector.load %arg9[%swap3A_50, %swap3A_51, %swap3A_52] : memref<1x2048x128xf32, #tpu.memory_space<vmem>>, vector<1x2048x64xf32>
    %swap3A_54 = vector.shape_cast %swap3A_53 : vector<1x2048x64xf32> to vector<2048x64xf32>
    %swap3A_55 = vector.shape_cast %dot_general3A_49 : vector<2048x64xf32> to vector<1x2048x64xf32>
    tpu.vector_store %arg9[%swap3A_50, %swap3A_51, %swap3A_52], %swap3A_55 {strides = array<i32>} : memref<1x2048x128xf32, #tpu.memory_space<vmem>>, vector<1x2048x64xf32>,
    return
  }
  func.func @transform_0(%arg0: i32) -> (i32, i32, i32) {
    %c0_i32 = arith.constant 0 : i32
    %c0_i32_0 = arith.constant 0 : i32
    %c0_i32_1 = arith.constant 0 : i32
    return %arg0, %c0_i32, %c0_i32_0 : i32, i32, i32
  }
  func.func @transform_1(%arg0: i32) -> (i32, i32) {
    %c0_i32 = arith.constant 0 : i32
    %c0_i32_0 = arith.constant 0 : i32
    %c0_i32_1 = arith.constant 0 : i32
    return %c0_i32, %c0_i32_0 : i32, i32
  }
  func.func @transform_2(%arg0: i32) -> (i32, i32) {
    %c0_i32 = arith.constant 0 : i32
    %c0_i32_0 = arith.constant 0 : i32
    %c0_i32_1 = arith.constant 0 : i32
    return %c0_i32, %c0_i32_0 : i32, i32
  }
  func.func @transform_3(%arg0: i32) -> (i32, i32) {
    %c0_i32 = arith.constant 0 : i32
    %c0_i32_0 = arith.constant 0 : i32
    %c0_i32_1 = arith.constant 0 : i32
    return %c0_i32, %c0_i32_0 : i32, i32
  }
  func.func @transform_4(%arg0: i32) -> (i32, i32) {
    %c0_i32 = arith.constant 0 : i32
    %c0_i32_0 = arith.constant 0 : i32
    %c0_i32_1 = arith.constant 0 : i32
    return %c0_i32, %c0_i32_0 : i32, i32
  }
  func.func @transform_5(%arg0: i32) -> (i32, i32) {
    %c0_i32 = arith.constant 0 : i32
    %c0_i32_0 = arith.constant 0 : i32
    %c0_i32_1 = arith.constant 0 : i32
    return %c0_i32, %c0_i32_0 : i32, i32
  }
  func.func @transform_6(%arg0: i32) -> (i32, i32, i32) {
    %c0_i32 = arith.constant 0 : i32
    %c0_i32_0 = arith.constant 0 : i32
    %c0_i32_1 = arith.constant 0 : i32
    return %arg0, %c0_i32, %c0_i32_0 : i32, i32, i32
  }
  func.func @transform_7(%arg0: i32) -> (i32, i32, i32) {
    %c0_i32 = arith.constant 0 : i32
    %c0_i32_0 = arith.constant 0 : i32
    %c0_i32_1 = arith.constant 0 : i32
    return %arg0, %c0_i32, %c0_i32_0 : i32, i32, i32
  }
  func.func @transform_8(%arg0: i32) -> (i32, i32, i32) {
    %c0_i32 = arith.constant 0 : i32
    %c0_i32_0 = arith.constant 0 : i32
    %c0_i32_1 = arith.constant 0 : i32
    return %arg0, %c0_i32, %c0_i32_0 : i32, i32, i32
  }
}

module attributes {stable_mosaic.version = 14 : i64} {
  func.func @_pd_body(%arg0: i32, %arg1: i32, %arg2: memref<1x256x16xf32, #tpu.memory_space<vmem>>, %arg3: memref<1x4096x16xf32, #tpu.memory_space<vmem>>, %arg4: memref<1x4096x16xf32, #tpu.memory_space<vmem>>, %arg5: memref<8x16xf32, #tpu.memory_space<vmem>>, %arg6: memref<8x16xf32, #tpu.memory_space<vmem>>) attributes {dimension_semantics = [#tpu.dimension_semantics<arbitrary>, #tpu.dimension_semantics<arbitrary>], iteration_bounds = array<i64: 4, 8>, scalar_prefetch = 0 : i64, scratch_operands = 1 : i64, tpu.core_type = #tpu.core_type<tc>, window_params = [{transform_indices = @transform_0, window_bounds = array<i64: 1, 256, 16>}, {transform_indices = @transform_1, window_bounds = array<i64: 1, 4096, 16>}, {transform_indices = @transform_2, window_bounds = array<i64: 1, 4096, 16>}, {pipeline_mode = #tpu.pipeline_mode<synchronous>, transform_indices = @transform_3, window_bounds = array<i64: 8, 16>}]} {
    %get3A = arith.constant 0 : index
    %get3A_0 = arith.constant 0 : index
    %get3A_1 = arith.constant 0 : index
    %get3A_2 = vector.load %arg2[%get3A, %get3A_0, %get3A_1] : memref<1x256x16xf32, #tpu.memory_space<vmem>>, vector<1x256x16xf32>
    %get3A_3 = vector.shape_cast %get3A_2 : vector<1x256x16xf32> to vector<256x16xf32>
    %get3A_4 = arith.constant 0 : index
    %get3A_5 = arith.constant 0 : index
    %get3A_6 = arith.constant 0 : index
    %get3A_7 = vector.load %arg3[%get3A_4, %get3A_5, %get3A_6] : memref<1x4096x16xf32, #tpu.memory_space<vmem>>, vector<1x4096x16xf32>
    %get3A_8 = vector.shape_cast %get3A_7 : vector<1x4096x16xf32> to vector<4096x16xf32>
    %broadcast_in_dim3A = vector.shape_cast %get3A_3 : vector<256x16xf32> to vector<256x1x16xf32>
    %reshape3A = vector.shape_cast %get3A_8 : vector<4096x16xf32> to vector<256x16x16xf32>
    %sub3A = vector.broadcast %broadcast_in_dim3A : vector<256x1x16xf32> to vector<256x16x16xf32>
    %sub3A_9 = arith.subf %sub3A, %reshape3A : vector<256x16x16xf32>
    %reshape3A_10 = vector.shape_cast %sub3A_9 : vector<256x16x16xf32> to vector<4096x16xf32>
    %swap3A = arith.constant 0 : index
    %swap3A_11 = arith.constant 0 : index
    %swap3A_12 = arith.constant 0 : index
    %swap3A_13 = vector.load %arg4[%swap3A, %swap3A_11, %swap3A_12] : memref<1x4096x16xf32, #tpu.memory_space<vmem>>, vector<1x4096x16xf32>
    %swap3A_14 = vector.shape_cast %swap3A_13 : vector<1x4096x16xf32> to vector<4096x16xf32>
    %swap3A_15 = vector.shape_cast %reshape3A_10 : vector<4096x16xf32> to vector<1x4096x16xf32>
    tpu.vector_store %arg4[%swap3A, %swap3A_11, %swap3A_12], %swap3A_15 {strides = array<i32>} : memref<1x4096x16xf32, #tpu.memory_space<vmem>>, vector<1x4096x16xf32>,
    %reduce_sum3A = arith.constant dense<0.000000e+00> : vector<16xf32>
    %reduce_sum3A_16 = vector.multi_reduction <add>, %reshape3A_10, %reduce_sum3A [0] : vector<4096x16xf32> to vector<16xf32>
    %mul3A = arith.mulf %reshape3A_10, %reshape3A_10 : vector<4096x16xf32>
    %reduce_sum3A_17 = arith.constant dense<0.000000e+00> : vector<16xf32>
    %reduce_sum3A_18 = vector.multi_reduction <add>, %mul3A, %reduce_sum3A_17 [0] : vector<4096x16xf32> to vector<16xf32>
    %slice3A = vector.extract_strided_slice %reshape3A_10 {offsets = [0, 1], sizes = [4096, 15], strides = [1, 1]} : vector<4096x16xf32> to vector<4096x15xf32>
    %slice3A_19 = vector.extract_strided_slice %reshape3A_10 {offsets = [0, 0], sizes = [4096, 1], strides = [1, 1]} : vector<4096x16xf32> to vector<4096x1xf32>
    %concatenate3A = tpu.concatenate %slice3A, %slice3A_19 in 1 : vector<4096x15xf32>, vector<4096x1xf32> -> vector<4096x16xf32>
    %mul3A_20 = arith.mulf %reshape3A_10, %concatenate3A : vector<4096x16xf32>
    %reduce_sum3A_21 = arith.constant dense<0.000000e+00> : vector<16xf32>
    %reduce_sum3A_22 = vector.multi_reduction <add>, %mul3A_20, %reduce_sum3A_21 [0] : vector<4096x16xf32> to vector<16xf32>
    %slice3A_23 = vector.extract_strided_slice %reshape3A_10 {offsets = [0, 2], sizes = [4096, 14], strides = [1, 1]} : vector<4096x16xf32> to vector<4096x14xf32>
    %slice3A_24 = vector.extract_strided_slice %reshape3A_10 {offsets = [0, 0], sizes = [4096, 2], strides = [1, 1]} : vector<4096x16xf32> to vector<4096x2xf32>
    %concatenate3A_25 = tpu.concatenate %slice3A_23, %slice3A_24 in 1 : vector<4096x14xf32>, vector<4096x2xf32> -> vector<4096x16xf32>
    %mul3A_26 = arith.mulf %reshape3A_10, %concatenate3A_25 : vector<4096x16xf32>
    %reduce_sum3A_27 = arith.constant dense<0.000000e+00> : vector<16xf32>
    %reduce_sum3A_28 = vector.multi_reduction <add>, %mul3A_26, %reduce_sum3A_27 [0] : vector<4096x16xf32> to vector<16xf32>
    %eq3A = arith.constant 0 : i32
    %eq3A_29 = arith.cmpi eq, %arg0, %eq3A : i32
    %eq3A_30 = arith.constant 0 : i32
    %eq3A_31 = arith.cmpi eq, %arg1, %eq3A_30 : i32
    %and3A = arith.andi %eq3A_29, %eq3A_31 : i1
    %eq3A_32 = arith.constant 3 : i32
    %eq3A_33 = arith.cmpi eq, %arg0, %eq3A_32 : i32
    %eq3A_34 = arith.constant 7 : i32
    %eq3A_35 = arith.cmpi eq, %arg1, %eq3A_34 : i32
    %and3A_36 = arith.andi %eq3A_33, %eq3A_35 : i1
    %convert_element_type3A = arith.extui %and3A : i1 to i32
    %cond3A = arith.constant 0 : i32
    %cond3A_37 = arith.cmpi ne, %convert_element_type3A, %cond3A : i32
    scf.if %cond3A_37 {
      %broadcast_in_dim3A_72 = arith.constant 0.000000e+00 : f32
      %broadcast_in_dim3A_73 = vector.broadcast %broadcast_in_dim3A_72 : f32 to vector<8x16xf32>
      %swap3A_74 = arith.constant 0 : index
      %swap3A_75 = arith.constant 0 : index
      %swap3A_76 = vector.load %arg6[%swap3A_74, %swap3A_75] : memref<8x16xf32, #tpu.memory_space<vmem>>, vector<8x16xf32>
      tpu.vector_store %arg6[%swap3A_74, %swap3A_75], %broadcast_in_dim3A_73 {strides = array<i32>} : memref<8x16xf32, #tpu.memory_space<vmem>>, vector<8x16xf32>,
    } else {
    }
    %get3A_38 = arith.constant 0 : index
    %get3A_39 = arith.constant 0 : index
    %get3A_40 = vector.load %arg6[%get3A_38, %get3A_39] : memref<8x16xf32, #tpu.memory_space<vmem>>, vector<1x16xf32>
    %reshape3A_41 = vector.shape_cast %reduce_sum3A_16 : vector<16xf32> to vector<1x16xf32>
    %add3A = arith.addf %get3A_40, %reshape3A_41 : vector<1x16xf32>
    %swap3A_42 = arith.constant 0 : index
    %swap3A_43 = arith.constant 0 : index
    %swap3A_44 = vector.load %arg6[%swap3A_42, %swap3A_43] : memref<8x16xf32, #tpu.memory_space<vmem>>, vector<1x16xf32>
    tpu.vector_store %arg6[%swap3A_42, %swap3A_43], %add3A {strides = array<i32>} : memref<8x16xf32, #tpu.memory_space<vmem>>, vector<1x16xf32>,
    %get3A_45 = arith.constant 1 : index
    %get3A_46 = arith.constant 0 : index
    %get3A_47 = vector.load %arg6[%get3A_45, %get3A_46] : memref<8x16xf32, #tpu.memory_space<vmem>>, vector<1x16xf32>
    %reshape3A_48 = vector.shape_cast %reduce_sum3A_18 : vector<16xf32> to vector<1x16xf32>
    %add3A_49 = arith.addf %get3A_47, %reshape3A_48 : vector<1x16xf32>
    %swap3A_50 = arith.constant 1 : index
    %swap3A_51 = arith.constant 0 : index
    %swap3A_52 = vector.load %arg6[%swap3A_50, %swap3A_51] : memref<8x16xf32, #tpu.memory_space<vmem>>, vector<1x16xf32>
    tpu.vector_store %arg6[%swap3A_50, %swap3A_51], %add3A_49 {strides = array<i32>} : memref<8x16xf32, #tpu.memory_space<vmem>>, vector<1x16xf32>,
    %get3A_53 = arith.constant 2 : index
    %get3A_54 = arith.constant 0 : index
    %get3A_55 = vector.load %arg6[%get3A_53, %get3A_54] : memref<8x16xf32, #tpu.memory_space<vmem>>, vector<1x16xf32>
    %reshape3A_56 = vector.shape_cast %reduce_sum3A_22 : vector<16xf32> to vector<1x16xf32>
    %add3A_57 = arith.addf %get3A_55, %reshape3A_56 : vector<1x16xf32>
    %swap3A_58 = arith.constant 2 : index
    %swap3A_59 = arith.constant 0 : index
    %swap3A_60 = vector.load %arg6[%swap3A_58, %swap3A_59] : memref<8x16xf32, #tpu.memory_space<vmem>>, vector<1x16xf32>
    tpu.vector_store %arg6[%swap3A_58, %swap3A_59], %add3A_57 {strides = array<i32>} : memref<8x16xf32, #tpu.memory_space<vmem>>, vector<1x16xf32>,
    %get3A_61 = arith.constant 3 : index
    %get3A_62 = arith.constant 0 : index
    %get3A_63 = vector.load %arg6[%get3A_61, %get3A_62] : memref<8x16xf32, #tpu.memory_space<vmem>>, vector<1x16xf32>
    %reshape3A_64 = vector.shape_cast %reduce_sum3A_28 : vector<16xf32> to vector<1x16xf32>
    %add3A_65 = arith.addf %get3A_63, %reshape3A_64 : vector<1x16xf32>
    %swap3A_66 = arith.constant 3 : index
    %swap3A_67 = arith.constant 0 : index
    %swap3A_68 = vector.load %arg6[%swap3A_66, %swap3A_67] : memref<8x16xf32, #tpu.memory_space<vmem>>, vector<1x16xf32>
    tpu.vector_store %arg6[%swap3A_66, %swap3A_67], %add3A_65 {strides = array<i32>} : memref<8x16xf32, #tpu.memory_space<vmem>>, vector<1x16xf32>,
    %convert_element_type3A_69 = arith.extui %and3A_36 : i1 to i32
    %cond3A_70 = arith.constant 0 : i32
    %cond3A_71 = arith.cmpi ne, %convert_element_type3A_69, %cond3A_70 : i32
    scf.if %cond3A_71 {
      %get3A_72 = arith.constant 0 : index
      %get3A_73 = arith.constant 0 : index
      %get3A_74 = vector.load %arg6[%get3A_72, %get3A_73] : memref<8x16xf32, #tpu.memory_space<vmem>>, vector<8x16xf32>
      %swap3A_75 = arith.constant 0 : index
      %swap3A_76 = arith.constant 0 : index
      %swap3A_77 = vector.load %arg5[%swap3A_75, %swap3A_76] : memref<8x16xf32, #tpu.memory_space<vmem>>, vector<8x16xf32>
      tpu.vector_store %arg5[%swap3A_75, %swap3A_76], %get3A_74 {strides = array<i32>} : memref<8x16xf32, #tpu.memory_space<vmem>>, vector<8x16xf32>,
    } else {
    }
    return
  }
  func.func @transform_0(%arg0: i32, %arg1: i32) -> (i32, i32, i32) {
    %c0_i32 = arith.constant 0 : i32
    %c0_i32_0 = arith.constant 0 : i32
    return %arg0, %arg1, %c0_i32 : i32, i32, i32
  }
  func.func @transform_1(%arg0: i32, %arg1: i32) -> (i32, i32, i32) {
    %c0_i32 = arith.constant 0 : i32
    %c0_i32_0 = arith.constant 0 : i32
    return %arg0, %arg1, %c0_i32 : i32, i32, i32
  }
  func.func @transform_2(%arg0: i32, %arg1: i32) -> (i32, i32, i32) {
    %c0_i32 = arith.constant 0 : i32
    %c0_i32_0 = arith.constant 0 : i32
    return %arg0, %arg1, %c0_i32 : i32, i32, i32
  }
  func.func @transform_3(%arg0: i32, %arg1: i32) -> (i32, i32) {
    %c0_i32 = arith.constant 0 : i32
    %c0_i32_0 = arith.constant 0 : i32
    %c0_i32_1 = arith.constant 0 : i32
    return %c0_i32, %c0_i32_0 : i32, i32
  }
}

module attributes {stable_mosaic.version = 14 : i64} {
  func.func @_attn_pre_body(%arg0: i32, %arg1: i32, %arg2: memref<1x4096x16xf32, #tpu.memory_space<vmem>>, %arg3: memref<1x256x64xf32, #tpu.memory_space<vmem>>, %arg4: memref<1x4096x128xf32, #tpu.memory_space<vmem>>, %arg5: memref<16x64xf32, #tpu.memory_space<vmem>>, %arg6: memref<1x64xf32, #tpu.memory_space<vmem>>, %arg7: memref<1x64xf32, #tpu.memory_space<vmem>>, %arg8: memref<64x64xf32, #tpu.memory_space<vmem>>, %arg9: memref<64x64xf32, #tpu.memory_space<vmem>>, %arg10: memref<1x4096x64xf32, #tpu.memory_space<vmem>>, %arg11: memref<1x4096x64xf32, #tpu.memory_space<vmem>>, %arg12: memref<8x64xf32, #tpu.memory_space<vmem>>, %arg13: memref<8x64xf32, #tpu.memory_space<vmem>>) attributes {dimension_semantics = [#tpu.dimension_semantics<arbitrary>, #tpu.dimension_semantics<arbitrary>], iteration_bounds = array<i64: 4, 8>, scalar_prefetch = 0 : i64, scratch_operands = 1 : i64, tpu.core_type = #tpu.core_type<tc>, window_params = [{transform_indices = @transform_0, window_bounds = array<i64: 1, 4096, 16>}, {transform_indices = @transform_1, window_bounds = array<i64: 1, 256, 64>}, {transform_indices = @transform_2, window_bounds = array<i64: 1, 4096, 128>}, {pipeline_mode = #tpu.pipeline_mode<synchronous>, transform_indices = @transform_3, window_bounds = array<i64: 16, 64>}, {pipeline_mode = #tpu.pipeline_mode<synchronous>, transform_indices = @transform_4, window_bounds = array<i64: 1, 64>}, {pipeline_mode = #tpu.pipeline_mode<synchronous>, transform_indices = @transform_5, window_bounds = array<i64: 1, 64>}, {pipeline_mode = #tpu.pipeline_mode<synchronous>, transform_indices = @transform_6, window_bounds = array<i64: 64, 64>}, {pipeline_mode = #tpu.pipeline_mode<synchronous>, transform_indices = @transform_7, window_bounds = array<i64: 64, 64>}, {transform_indices = @transform_8, window_bounds = array<i64: 1, 4096, 64>}, {transform_indices = @transform_9, window_bounds = array<i64: 1, 4096, 64>}, {pipeline_mode = #tpu.pipeline_mode<synchronous>, transform_indices = @transform_10, window_bounds = array<i64: 8, 64>}]} {
    %get3A = arith.constant 0 : index
    %get3A_0 = arith.constant 0 : index
    %get3A_1 = arith.constant 0 : index
    %get3A_2 = vector.load %arg2[%get3A, %get3A_0, %get3A_1] : memref<1x4096x16xf32, #tpu.memory_space<vmem>>, vector<1x4096x16xf32>
    %get3A_3 = vector.shape_cast %get3A_2 : vector<1x4096x16xf32> to vector<4096x16xf32>
    %get3A_4 = arith.constant 0 : index
    %get3A_5 = arith.constant 0 : index
    %get3A_6 = vector.load %arg5[%get3A_4, %get3A_5] : memref<16x64xf32, #tpu.memory_space<vmem>>, vector<16x64xf32>
    %convert_element_type3A = arith.truncf %get3A_3 : vector<4096x16xf32> to vector<4096x16xbf16>
    %convert_element_type3A_7 = arith.truncf %get3A_6 : vector<16x64xf32> to vector<16x64xbf16>
    %dot_general3A = arith.constant dense<0.000000e+00> : vector<4096x64xf32>
    %dot_general3A_8 = tpu.matmul %convert_element_type3A, %convert_element_type3A_7, %dot_general3A {dimension_numbers = #tpu.dot_dimension_numbers<[1], [0], [0], [1], [0, 0, 1, 1], [], []>, transpose_lhs_hint = false} : vector<4096x16xbf16>, vector<16x64xbf16>, vector<4096x64xf32> -> vector<4096x64xf32>
    %get3A_9 = arith.constant 0 : index
    %get3A_10 = arith.constant 0 : index
    %get3A_11 = vector.load %arg6[%get3A_9, %get3A_10] : memref<1x64xf32, #tpu.memory_space<vmem>>, vector<1x64xf32>
    %mul3A = vector.broadcast %get3A_11 : vector<1x64xf32> to vector<4096x64xf32>
    %mul3A_12 = arith.mulf %dot_general3A_8, %mul3A : vector<4096x64xf32>
    %get3A_13 = arith.constant 0 : index
    %get3A_14 = arith.constant 0 : index
    %get3A_15 = vector.load %arg7[%get3A_13, %get3A_14] : memref<1x64xf32, #tpu.memory_space<vmem>>, vector<1x64xf32>
    %add3A = vector.broadcast %get3A_15 : vector<1x64xf32> to vector<4096x64xf32>
    %add3A_16 = arith.addf %mul3A_12, %add3A : vector<4096x64xf32>
    %max3A = arith.constant 0.000000e+00 : f32
    %max3A_17 = vector.broadcast %max3A : f32 to vector<4096x64xf32>
    %max3A_18 = arith.maximumf %add3A_16, %max3A_17 : vector<4096x64xf32>
    %get3A_19 = arith.constant 0 : index
    %get3A_20 = arith.constant 0 : index
    %get3A_21 = vector.load %arg8[%get3A_19, %get3A_20] : memref<64x64xf32, #tpu.memory_space<vmem>>, vector<64x64xf32>
    %convert_element_type3A_22 = arith.truncf %max3A_18 : vector<4096x64xf32> to vector<4096x64xbf16>
    %convert_element_type3A_23 = arith.truncf %get3A_21 : vector<64x64xf32> to vector<64x64xbf16>
    %dot_general3A_24 = arith.constant dense<0.000000e+00> : vector<4096x64xf32>
    %dot_general3A_25 = tpu.matmul %convert_element_type3A_22, %convert_element_type3A_23, %dot_general3A_24 {dimension_numbers = #tpu.dot_dimension_numbers<[1], [0], [0], [1], [0, 0, 1, 1], [], []>, transpose_lhs_hint = false} : vector<4096x64xbf16>, vector<64x64xbf16>, vector<4096x64xf32> -> vector<4096x64xf32>
    %swap3A = arith.constant 0 : index
    %swap3A_26 = arith.constant 0 : index
    %swap3A_27 = arith.constant 0 : index
    %swap3A_28 = vector.load %arg10[%swap3A, %swap3A_26, %swap3A_27] : memref<1x4096x64xf32, #tpu.memory_space<vmem>>, vector<1x4096x64xf32>
    %swap3A_29 = vector.shape_cast %swap3A_28 : vector<1x4096x64xf32> to vector<4096x64xf32>
    %swap3A_30 = vector.shape_cast %dot_general3A_25 : vector<4096x64xf32> to vector<1x4096x64xf32>
    tpu.vector_store %arg10[%swap3A, %swap3A_26, %swap3A_27], %swap3A_30 {strides = array<i32>} : memref<1x4096x64xf32, #tpu.memory_space<vmem>>, vector<1x4096x64xf32>,
    %get3A_31 = arith.constant 0 : index
    %get3A_32 = arith.constant 0 : index
    %get3A_33 = arith.constant 0 : index
    %get3A_34 = vector.load %arg3[%get3A_31, %get3A_32, %get3A_33] : memref<1x256x64xf32, #tpu.memory_space<vmem>>, vector<1x256x64xf32>
    %get3A_35 = vector.shape_cast %get3A_34 : vector<1x256x64xf32> to vector<256x64xf32>
    %broadcast_in_dim3A = vector.shape_cast %get3A_35 : vector<256x64xf32> to vector<256x1x64xf32>
    %get3A_36 = arith.constant 0 : index
    %get3A_37 = arith.constant 0 : index
    %get3A_38 = arith.constant 0 : index
    %get3A_39 = vector.load %arg4[%get3A_36, %get3A_37, %get3A_38] : memref<1x4096x128xf32, #tpu.memory_space<vmem>>, vector<1x4096x128xf32>
    %get3A_40 = vector.shape_cast %get3A_39 : vector<1x4096x128xf32> to vector<4096x128xf32>
    %slice3A = vector.extract_strided_slice %get3A_40 {offsets = [0, 0], sizes = [4096, 64], strides = [1, 1]} : vector<4096x128xf32> to vector<4096x64xf32>
    %reshape3A = vector.shape_cast %slice3A : vector<4096x64xf32> to vector<256x16x64xf32>
    %sub3A = vector.broadcast %broadcast_in_dim3A : vector<256x1x64xf32> to vector<256x16x64xf32>
    %sub3A_41 = arith.subf %sub3A, %reshape3A : vector<256x16x64xf32>
    %reshape3A_42 = vector.shape_cast %dot_general3A_25 : vector<4096x64xf32> to vector<256x16x64xf32>
    %add3A_43 = arith.addf %sub3A_41, %reshape3A_42 : vector<256x16x64xf32>
    %get3A_44 = arith.constant 0 : index
    %get3A_45 = arith.constant 0 : index
    %get3A_46 = vector.load %arg9[%get3A_44, %get3A_45] : memref<64x64xf32, #tpu.memory_space<vmem>>, vector<64x64xf32>
    %convert_element_type3A_47 = arith.truncf %add3A_43 : vector<256x16x64xf32> to vector<256x16x64xbf16>
    %convert_element_type3A_48 = arith.truncf %get3A_46 : vector<64x64xf32> to vector<64x64xbf16>
    %dot_general3A_49 = arith.constant dense<0.000000e+00> : vector<256x16x64xf32>
    %dot_general3A_50 = tpu.matmul %convert_element_type3A_47, %convert_element_type3A_48, %dot_general3A_49 {dimension_numbers = #tpu.dot_dimension_numbers<[2], [0], [0, 1], [1], [0, 0, 0, 1, 1, 1], [], []>, transpose_lhs_hint = false} : vector<256x16x64xbf16>, vector<64x64xbf16>, vector<256x16x64xf32> -> vector<256x16x64xf32>
    %reshape3A_51 = vector.shape_cast %dot_general3A_50 : vector<256x16x64xf32> to vector<4096x64xf32>
    %swap3A_52 = arith.constant 0 : index
    %swap3A_53 = arith.constant 0 : index
    %swap3A_54 = arith.constant 0 : index
    %swap3A_55 = vector.load %arg11[%swap3A_52, %swap3A_53, %swap3A_54] : memref<1x4096x64xf32, #tpu.memory_space<vmem>>, vector<1x4096x64xf32>
    %swap3A_56 = vector.shape_cast %swap3A_55 : vector<1x4096x64xf32> to vector<4096x64xf32>
    %swap3A_57 = vector.shape_cast %reshape3A_51 : vector<4096x64xf32> to vector<1x4096x64xf32>
    tpu.vector_store %arg11[%swap3A_52, %swap3A_53, %swap3A_54], %swap3A_57 {strides = array<i32>} : memref<1x4096x64xf32, #tpu.memory_space<vmem>>, vector<1x4096x64xf32>,
    %reduce_sum3A = arith.constant dense<0.000000e+00> : vector<64xf32>
    %reduce_sum3A_58 = vector.multi_reduction <add>, %dot_general3A_50, %reduce_sum3A [0, 1] : vector<256x16x64xf32> to vector<64xf32>
    %mul3A_59 = arith.mulf %dot_general3A_50, %dot_general3A_50 : vector<256x16x64xf32>
    %reduce_sum3A_60 = arith.constant dense<0.000000e+00> : vector<64xf32>
    %reduce_sum3A_61 = vector.multi_reduction <add>, %mul3A_59, %reduce_sum3A_60 [0, 1] : vector<256x16x64xf32> to vector<64xf32>
    %eq3A = arith.constant 0 : i32
    %eq3A_62 = arith.cmpi eq, %arg0, %eq3A : i32
    %eq3A_63 = arith.constant 0 : i32
    %eq3A_64 = arith.cmpi eq, %arg1, %eq3A_63 : i32
    %and3A = arith.andi %eq3A_62, %eq3A_64 : i1
    %eq3A_65 = arith.constant 3 : i32
    %eq3A_66 = arith.cmpi eq, %arg0, %eq3A_65 : i32
    %eq3A_67 = arith.constant 7 : i32
    %eq3A_68 = arith.cmpi eq, %arg1, %eq3A_67 : i32
    %and3A_69 = arith.andi %eq3A_66, %eq3A_68 : i1
    %convert_element_type3A_70 = arith.extui %and3A : i1 to i32
    %cond3A = arith.constant 0 : i32
    %cond3A_71 = arith.cmpi ne, %convert_element_type3A_70, %cond3A : i32
    scf.if %cond3A_71 {
      %broadcast_in_dim3A_91 = arith.constant 0.000000e+00 : f32
      %broadcast_in_dim3A_92 = vector.broadcast %broadcast_in_dim3A_91 : f32 to vector<8x64xf32>
      %swap3A_93 = arith.constant 0 : index
      %swap3A_94 = arith.constant 0 : index
      %swap3A_95 = vector.load %arg13[%swap3A_93, %swap3A_94] : memref<8x64xf32, #tpu.memory_space<vmem>>, vector<8x64xf32>
      tpu.vector_store %arg13[%swap3A_93, %swap3A_94], %broadcast_in_dim3A_92 {strides = array<i32>} : memref<8x64xf32, #tpu.memory_space<vmem>>, vector<8x64xf32>,
    } else {
    }
    %get3A_72 = arith.constant 0 : index
    %get3A_73 = arith.constant 0 : index
    %get3A_74 = vector.load %arg13[%get3A_72, %get3A_73] : memref<8x64xf32, #tpu.memory_space<vmem>>, vector<1x64xf32>
    %reshape3A_75 = vector.shape_cast %reduce_sum3A_58 : vector<64xf32> to vector<1x64xf32>
    %add3A_76 = arith.addf %get3A_74, %reshape3A_75 : vector<1x64xf32>
    %swap3A_77 = arith.constant 0 : index
    %swap3A_78 = arith.constant 0 : index
    %swap3A_79 = vector.load %arg13[%swap3A_77, %swap3A_78] : memref<8x64xf32, #tpu.memory_space<vmem>>, vector<1x64xf32>
    tpu.vector_store %arg13[%swap3A_77, %swap3A_78], %add3A_76 {strides = array<i32>} : memref<8x64xf32, #tpu.memory_space<vmem>>, vector<1x64xf32>,
    %get3A_80 = arith.constant 1 : index
    %get3A_81 = arith.constant 0 : index
    %get3A_82 = vector.load %arg13[%get3A_80, %get3A_81] : memref<8x64xf32, #tpu.memory_space<vmem>>, vector<1x64xf32>
    %reshape3A_83 = vector.shape_cast %reduce_sum3A_61 : vector<64xf32> to vector<1x64xf32>
    %add3A_84 = arith.addf %get3A_82, %reshape3A_83 : vector<1x64xf32>
    %swap3A_85 = arith.constant 1 : index
    %swap3A_86 = arith.constant 0 : index
    %swap3A_87 = vector.load %arg13[%swap3A_85, %swap3A_86] : memref<8x64xf32, #tpu.memory_space<vmem>>, vector<1x64xf32>
    tpu.vector_store %arg13[%swap3A_85, %swap3A_86], %add3A_84 {strides = array<i32>} : memref<8x64xf32, #tpu.memory_space<vmem>>, vector<1x64xf32>,
    %convert_element_type3A_88 = arith.extui %and3A_69 : i1 to i32
    %cond3A_89 = arith.constant 0 : i32
    %cond3A_90 = arith.cmpi ne, %convert_element_type3A_88, %cond3A_89 : i32
    scf.if %cond3A_90 {
      %get3A_91 = arith.constant 0 : index
      %get3A_92 = arith.constant 0 : index
      %get3A_93 = vector.load %arg13[%get3A_91, %get3A_92] : memref<8x64xf32, #tpu.memory_space<vmem>>, vector<8x64xf32>
      %swap3A_94 = arith.constant 0 : index
      %swap3A_95 = arith.constant 0 : index
      %swap3A_96 = vector.load %arg12[%swap3A_94, %swap3A_95] : memref<8x64xf32, #tpu.memory_space<vmem>>, vector<8x64xf32>
      tpu.vector_store %arg12[%swap3A_94, %swap3A_95], %get3A_93 {strides = array<i32>} : memref<8x64xf32, #tpu.memory_space<vmem>>, vector<8x64xf32>,
    } else {
    }
    return
  }
  func.func @transform_0(%arg0: i32, %arg1: i32) -> (i32, i32, i32) {
    %c0_i32 = arith.constant 0 : i32
    %c0_i32_0 = arith.constant 0 : i32
    return %arg0, %arg1, %c0_i32 : i32, i32, i32
  }
  func.func @transform_1(%arg0: i32, %arg1: i32) -> (i32, i32, i32) {
    %c0_i32 = arith.constant 0 : i32
    %c0_i32_0 = arith.constant 0 : i32
    return %arg0, %arg1, %c0_i32 : i32, i32, i32
  }
  func.func @transform_2(%arg0: i32, %arg1: i32) -> (i32, i32, i32) {
    %c0_i32 = arith.constant 0 : i32
    %c0_i32_0 = arith.constant 0 : i32
    return %arg0, %arg1, %c0_i32 : i32, i32, i32
  }
  func.func @transform_3(%arg0: i32, %arg1: i32) -> (i32, i32) {
    %c0_i32 = arith.constant 0 : i32
    %c0_i32_0 = arith.constant 0 : i32
    %c0_i32_1 = arith.constant 0 : i32
    return %c0_i32, %c0_i32_0 : i32, i32
  }
  func.func @transform_4(%arg0: i32, %arg1: i32) -> (i32, i32) {
    %c0_i32 = arith.constant 0 : i32
    %c0_i32_0 = arith.constant 0 : i32
    %c0_i32_1 = arith.constant 0 : i32
    return %c0_i32, %c0_i32_0 : i32, i32
  }
  func.func @transform_5(%arg0: i32, %arg1: i32) -> (i32, i32) {
    %c0_i32 = arith.constant 0 : i32
    %c0_i32_0 = arith.constant 0 : i32
    %c0_i32_1 = arith.constant 0 : i32
    return %c0_i32, %c0_i32_0 : i32, i32
  }
  func.func @transform_6(%arg0: i32, %arg1: i32) -> (i32, i32) {
    %c0_i32 = arith.constant 0 : i32
    %c0_i32_0 = arith.constant 0 : i32
    %c0_i32_1 = arith.constant 0 : i32
    return %c0_i32, %c0_i32_0 : i32, i32
  }
  func.func @transform_7(%arg0: i32, %arg1: i32) -> (i32, i32) {
    %c0_i32 = arith.constant 0 : i32
    %c0_i32_0 = arith.constant 0 : i32
    %c0_i32_1 = arith.constant 0 : i32
    return %c0_i32, %c0_i32_0 : i32, i32
  }
  func.func @transform_8(%arg0: i32, %arg1: i32) -> (i32, i32, i32) {
    %c0_i32 = arith.constant 0 : i32
    %c0_i32_0 = arith.constant 0 : i32
    return %arg0, %arg1, %c0_i32 : i32, i32, i32
  }
  func.func @transform_9(%arg0: i32, %arg1: i32) -> (i32, i32, i32) {
    %c0_i32 = arith.constant 0 : i32
    %c0_i32_0 = arith.constant 0 : i32
    return %arg0, %arg1, %c0_i32 : i32, i32, i32
  }
  func.func @transform_10(%arg0: i32, %arg1: i32) -> (i32, i32) {
    %c0_i32 = arith.constant 0 : i32
    %c0_i32_0 = arith.constant 0 : i32
    %c0_i32_1 = arith.constant 0 : i32
    return %c0_i32, %c0_i32_0 : i32, i32
  }
}

module attributes {stable_mosaic.version = 14 : i64} {
  func.func @_attn_out_body(%arg0: i32, %arg1: i32, %arg2: memref<1x4096x64xf32, #tpu.memory_space<vmem>>, %arg3: memref<1x4096x64xf32, #tpu.memory_space<vmem>>, %arg4: memref<1x4096x128xf32, #tpu.memory_space<vmem>>, %arg5: memref<1x256x64xf32, #tpu.memory_space<vmem>>, %arg6: memref<1x64xf32, #tpu.memory_space<vmem>>, %arg7: memref<1x64xf32, #tpu.memory_space<vmem>>, %arg8: memref<64x64xf32, #tpu.memory_space<vmem>>, %arg9: memref<1x256x64xf32, #tpu.memory_space<vmem>>, %arg10: memref<8x64xf32, #tpu.memory_space<vmem>>, %arg11: memref<8x64xf32, #tpu.memory_space<vmem>>) attributes {dimension_semantics = [#tpu.dimension_semantics<arbitrary>, #tpu.dimension_semantics<arbitrary>], iteration_bounds = array<i64: 4, 8>, scalar_prefetch = 0 : i64, scratch_operands = 1 : i64, tpu.core_type = #tpu.core_type<tc>, window_params = [{transform_indices = @transform_0, window_bounds = array<i64: 1, 4096, 64>}, {transform_indices = @transform_1, window_bounds = array<i64: 1, 4096, 64>}, {transform_indices = @transform_2, window_bounds = array<i64: 1, 4096, 128>}, {transform_indices = @transform_3, window_bounds = array<i64: 1, 256, 64>}, {pipeline_mode = #tpu.pipeline_mode<synchronous>, transform_indices = @transform_4, window_bounds = array<i64: 1, 64>}, {pipeline_mode = #tpu.pipeline_mode<synchronous>, transform_indices = @transform_5, window_bounds = array<i64: 1, 64>}, {pipeline_mode = #tpu.pipeline_mode<synchronous>, transform_indices = @transform_6, window_bounds = array<i64: 64, 64>}, {transform_indices = @transform_7, window_bounds = array<i64: 1, 256, 64>}, {pipeline_mode = #tpu.pipeline_mode<synchronous>, transform_indices = @transform_8, window_bounds = array<i64: 8, 64>}]} {
    %get3A = arith.constant 0 : index
    %get3A_0 = arith.constant 0 : index
    %get3A_1 = arith.constant 0 : index
    %get3A_2 = vector.load %arg3[%get3A, %get3A_0, %get3A_1] : memref<1x4096x64xf32, #tpu.memory_space<vmem>>, vector<1x4096x64xf32>
    %get3A_3 = vector.shape_cast %get3A_2 : vector<1x4096x64xf32> to vector<4096x64xf32>
    %reshape3A = vector.shape_cast %get3A_3 : vector<4096x64xf32> to vector<256x16x64xf32>
    %get3A_4 = arith.constant 0 : index
    %get3A_5 = arith.constant 0 : index
    %get3A_6 = vector.load %arg6[%get3A_4, %get3A_5] : memref<1x64xf32, #tpu.memory_space<vmem>>, vector<1x64xf32>
    %broadcast_in_dim3A = vector.shape_cast %get3A_6 : vector<1x64xf32> to vector<1x1x64xf32>
    %mul3A = vector.broadcast %broadcast_in_dim3A : vector<1x1x64xf32> to vector<256x16x64xf32>
    %mul3A_7 = arith.mulf %reshape3A, %mul3A : vector<256x16x64xf32>
    %get3A_8 = arith.constant 0 : index
    %get3A_9 = arith.constant 0 : index
    %get3A_10 = vector.load %arg7[%get3A_8, %get3A_9] : memref<1x64xf32, #tpu.memory_space<vmem>>, vector<1x64xf32>
    %broadcast_in_dim3A_11 = vector.shape_cast %get3A_10 : vector<1x64xf32> to vector<1x1x64xf32>
    %add3A = vector.broadcast %broadcast_in_dim3A_11 : vector<1x1x64xf32> to vector<256x16x64xf32>
    %add3A_12 = arith.addf %mul3A_7, %add3A : vector<256x16x64xf32>
    %max3A = arith.constant 0.000000e+00 : f32
    %max3A_13 = vector.broadcast %max3A : f32 to vector<256x16x64xf32>
    %max3A_14 = arith.maximumf %add3A_12, %max3A_13 : vector<256x16x64xf32>
    %get3A_15 = arith.constant 0 : index
    %get3A_16 = arith.constant 0 : index
    %get3A_17 = vector.load %arg8[%get3A_15, %get3A_16] : memref<64x64xf32, #tpu.memory_space<vmem>>, vector<64x64xf32>
    %convert_element_type3A = arith.truncf %max3A_14 : vector<256x16x64xf32> to vector<256x16x64xbf16>
    %convert_element_type3A_18 = arith.truncf %get3A_17 : vector<64x64xf32> to vector<64x64xbf16>
    %dot_general3A = arith.constant dense<0.000000e+00> : vector<256x16x64xf32>
    %dot_general3A_19 = tpu.matmul %convert_element_type3A, %convert_element_type3A_18, %dot_general3A {dimension_numbers = #tpu.dot_dimension_numbers<[2], [0], [0, 1], [1], [0, 0, 0, 1, 1, 1], [], []>, transpose_lhs_hint = false} : vector<256x16x64xbf16>, vector<64x64xbf16>, vector<256x16x64xf32> -> vector<256x16x64xf32>
    %reduce_max3A = arith.constant dense<0xFF800000> : vector<256x64xf32>
    %reduce_max3A_20 = vector.multi_reduction <maximumf>, %dot_general3A_19, %reduce_max3A [1] : vector<256x16x64xf32> to vector<256x64xf32>
    %broadcast_in_dim3A_21 = vector.shape_cast %reduce_max3A_20 : vector<256x64xf32> to vector<256x1x64xf32>
    %sub3A = vector.broadcast %broadcast_in_dim3A_21 : vector<256x1x64xf32> to vector<256x16x64xf32>
    %sub3A_22 = arith.subf %dot_general3A_19, %sub3A : vector<256x16x64xf32>
    %exp3A = math.exp %sub3A_22 : vector<256x16x64xf32>
    %reduce_sum3A = arith.constant dense<0.000000e+00> : vector<256x64xf32>
    %reduce_sum3A_23 = vector.multi_reduction <add>, %exp3A, %reduce_sum3A [1] : vector<256x16x64xf32> to vector<256x64xf32>
    %broadcast_in_dim3A_24 = vector.shape_cast %reduce_sum3A_23 : vector<256x64xf32> to vector<256x1x64xf32>
    %div3A = vector.broadcast %broadcast_in_dim3A_24 : vector<256x1x64xf32> to vector<256x16x64xf32>
    %div3A_25 = arith.divf %exp3A, %div3A : vector<256x16x64xf32>
    %get3A_26 = arith.constant 0 : index
    %get3A_27 = arith.constant 0 : index
    %get3A_28 = arith.constant 0 : index
    %get3A_29 = vector.load %arg4[%get3A_26, %get3A_27, %get3A_28] : memref<1x4096x128xf32, #tpu.memory_space<vmem>>, vector<1x4096x128xf32>
    %get3A_30 = vector.shape_cast %get3A_29 : vector<1x4096x128xf32> to vector<4096x128xf32>
    %slice3A = vector.extract_strided_slice %get3A_30 {offsets = [0, 64], sizes = [4096, 64], strides = [1, 1]} : vector<4096x128xf32> to vector<4096x64xf32>
    %reshape3A_31 = vector.shape_cast %slice3A : vector<4096x64xf32> to vector<256x16x64xf32>
    %get3A_32 = arith.constant 0 : index
    %get3A_33 = arith.constant 0 : index
    %get3A_34 = arith.constant 0 : index
    %get3A_35 = vector.load %arg2[%get3A_32, %get3A_33, %get3A_34] : memref<1x4096x64xf32, #tpu.memory_space<vmem>>, vector<1x4096x64xf32>
    %get3A_36 = vector.shape_cast %get3A_35 : vector<1x4096x64xf32> to vector<4096x64xf32>
    %reshape3A_37 = vector.shape_cast %get3A_36 : vector<4096x64xf32> to vector<256x16x64xf32>
    %add3A_38 = arith.addf %reshape3A_31, %reshape3A_37 : vector<256x16x64xf32>
    %mul3A_39 = arith.mulf %div3A_25, %add3A_38 : vector<256x16x64xf32>
    %reduce_sum3A_40 = arith.constant dense<0.000000e+00> : vector<256x64xf32>
    %reduce_sum3A_41 = vector.multi_reduction <add>, %mul3A_39, %reduce_sum3A_40 [1] : vector<256x16x64xf32> to vector<256x64xf32>
    %get3A_42 = arith.constant 0 : index
    %get3A_43 = arith.constant 0 : index
    %get3A_44 = arith.constant 0 : index
    %get3A_45 = vector.load %arg5[%get3A_42, %get3A_43, %get3A_44] : memref<1x256x64xf32, #tpu.memory_space<vmem>>, vector<1x256x64xf32>
    %get3A_46 = vector.shape_cast %get3A_45 : vector<1x256x64xf32> to vector<256x64xf32>
    %add3A_47 = arith.addf %get3A_46, %reduce_sum3A_41 : vector<256x64xf32>
    %swap3A = arith.constant 0 : index
    %swap3A_48 = arith.constant 0 : index
    %swap3A_49 = arith.constant 0 : index
    %swap3A_50 = vector.load %arg9[%swap3A, %swap3A_48, %swap3A_49] : memref<1x256x64xf32, #tpu.memory_space<vmem>>, vector<1x256x64xf32>
    %swap3A_51 = vector.shape_cast %swap3A_50 : vector<1x256x64xf32> to vector<256x64xf32>
    %swap3A_52 = vector.shape_cast %add3A_47 : vector<256x64xf32> to vector<1x256x64xf32>
    tpu.vector_store %arg9[%swap3A, %swap3A_48, %swap3A_49], %swap3A_52 {strides = array<i32>} : memref<1x256x64xf32, #tpu.memory_space<vmem>>, vector<1x256x64xf32>,
    %reduce_sum3A_53 = arith.constant dense<0.000000e+00> : vector<64xf32>
    %reduce_sum3A_54 = vector.multi_reduction <add>, %add3A_47, %reduce_sum3A_53 [0] : vector<256x64xf32> to vector<64xf32>
    %mul3A_55 = arith.mulf %add3A_47, %add3A_47 : vector<256x64xf32>
    %reduce_sum3A_56 = arith.constant dense<0.000000e+00> : vector<64xf32>
    %reduce_sum3A_57 = vector.multi_reduction <add>, %mul3A_55, %reduce_sum3A_56 [0] : vector<256x64xf32> to vector<64xf32>
    %eq3A = arith.constant 0 : i32
    %eq3A_58 = arith.cmpi eq, %arg0, %eq3A : i32
    %eq3A_59 = arith.constant 0 : i32
    %eq3A_60 = arith.cmpi eq, %arg1, %eq3A_59 : i32
    %and3A = arith.andi %eq3A_58, %eq3A_60 : i1
    %eq3A_61 = arith.constant 3 : i32
    %eq3A_62 = arith.cmpi eq, %arg0, %eq3A_61 : i32
    %eq3A_63 = arith.constant 7 : i32
    %eq3A_64 = arith.cmpi eq, %arg1, %eq3A_63 : i32
    %and3A_65 = arith.andi %eq3A_62, %eq3A_64 : i1
    %convert_element_type3A_66 = arith.extui %and3A : i1 to i32
    %cond3A = arith.constant 0 : i32
    %cond3A_67 = arith.cmpi ne, %convert_element_type3A_66, %cond3A : i32
    scf.if %cond3A_67 {
      %broadcast_in_dim3A_87 = arith.constant 0.000000e+00 : f32
      %broadcast_in_dim3A_88 = vector.broadcast %broadcast_in_dim3A_87 : f32 to vector<8x64xf32>
      %swap3A_89 = arith.constant 0 : index
      %swap3A_90 = arith.constant 0 : index
      %swap3A_91 = vector.load %arg11[%swap3A_89, %swap3A_90] : memref<8x64xf32, #tpu.memory_space<vmem>>, vector<8x64xf32>
      tpu.vector_store %arg11[%swap3A_89, %swap3A_90], %broadcast_in_dim3A_88 {strides = array<i32>} : memref<8x64xf32, #tpu.memory_space<vmem>>, vector<8x64xf32>,
    } else {
    }
    %get3A_68 = arith.constant 0 : index
    %get3A_69 = arith.constant 0 : index
    %get3A_70 = vector.load %arg11[%get3A_68, %get3A_69] : memref<8x64xf32, #tpu.memory_space<vmem>>, vector<1x64xf32>
    %reshape3A_71 = vector.shape_cast %reduce_sum3A_54 : vector<64xf32> to vector<1x64xf32>
    %add3A_72 = arith.addf %get3A_70, %reshape3A_71 : vector<1x64xf32>
    %swap3A_73 = arith.constant 0 : index
    %swap3A_74 = arith.constant 0 : index
    %swap3A_75 = vector.load %arg11[%swap3A_73, %swap3A_74] : memref<8x64xf32, #tpu.memory_space<vmem>>, vector<1x64xf32>
    tpu.vector_store %arg11[%swap3A_73, %swap3A_74], %add3A_72 {strides = array<i32>} : memref<8x64xf32, #tpu.memory_space<vmem>>, vector<1x64xf32>,
    %get3A_76 = arith.constant 1 : index
    %get3A_77 = arith.constant 0 : index
    %get3A_78 = vector.load %arg11[%get3A_76, %get3A_77] : memref<8x64xf32, #tpu.memory_space<vmem>>, vector<1x64xf32>
    %reshape3A_79 = vector.shape_cast %reduce_sum3A_57 : vector<64xf32> to vector<1x64xf32>
    %add3A_80 = arith.addf %get3A_78, %reshape3A_79 : vector<1x64xf32>
    %swap3A_81 = arith.constant 1 : index
    %swap3A_82 = arith.constant 0 : index
    %swap3A_83 = vector.load %arg11[%swap3A_81, %swap3A_82] : memref<8x64xf32, #tpu.memory_space<vmem>>, vector<1x64xf32>
    tpu.vector_store %arg11[%swap3A_81, %swap3A_82], %add3A_80 {strides = array<i32>} : memref<8x64xf32, #tpu.memory_space<vmem>>, vector<1x64xf32>,
    %convert_element_type3A_84 = arith.extui %and3A_65 : i1 to i32
    %cond3A_85 = arith.constant 0 : i32
    %cond3A_86 = arith.cmpi ne, %convert_element_type3A_84, %cond3A_85 : i32
    scf.if %cond3A_86 {
      %get3A_87 = arith.constant 0 : index
      %get3A_88 = arith.constant 0 : index
      %get3A_89 = vector.load %arg11[%get3A_87, %get3A_88] : memref<8x64xf32, #tpu.memory_space<vmem>>, vector<8x64xf32>
      %swap3A_90 = arith.constant 0 : index
      %swap3A_91 = arith.constant 0 : index
      %swap3A_92 = vector.load %arg10[%swap3A_90, %swap3A_91] : memref<8x64xf32, #tpu.memory_space<vmem>>, vector<8x64xf32>
      tpu.vector_store %arg10[%swap3A_90, %swap3A_91], %get3A_89 {strides = array<i32>} : memref<8x64xf32, #tpu.memory_space<vmem>>, vector<8x64xf32>,
    } else {
    }
    return
  }
  func.func @transform_0(%arg0: i32, %arg1: i32) -> (i32, i32, i32) {
    %c0_i32 = arith.constant 0 : i32
    %c0_i32_0 = arith.constant 0 : i32
    return %arg0, %arg1, %c0_i32 : i32, i32, i32
  }
  func.func @transform_1(%arg0: i32, %arg1: i32) -> (i32, i32, i32) {
    %c0_i32 = arith.constant 0 : i32
    %c0_i32_0 = arith.constant 0 : i32
    return %arg0, %arg1, %c0_i32 : i32, i32, i32
  }
  func.func @transform_2(%arg0: i32, %arg1: i32) -> (i32, i32, i32) {
    %c0_i32 = arith.constant 0 : i32
    %c0_i32_0 = arith.constant 0 : i32
    return %arg0, %arg1, %c0_i32 : i32, i32, i32
  }
  func.func @transform_3(%arg0: i32, %arg1: i32) -> (i32, i32, i32) {
    %c0_i32 = arith.constant 0 : i32
    %c0_i32_0 = arith.constant 0 : i32
    return %arg0, %arg1, %c0_i32 : i32, i32, i32
  }
  func.func @transform_4(%arg0: i32, %arg1: i32) -> (i32, i32) {
    %c0_i32 = arith.constant 0 : i32
    %c0_i32_0 = arith.constant 0 : i32
    %c0_i32_1 = arith.constant 0 : i32
    return %c0_i32, %c0_i32_0 : i32, i32
  }
  func.func @transform_5(%arg0: i32, %arg1: i32) -> (i32, i32) {
    %c0_i32 = arith.constant 0 : i32
    %c0_i32_0 = arith.constant 0 : i32
    %c0_i32_1 = arith.constant 0 : i32
    return %c0_i32, %c0_i32_0 : i32, i32
  }
  func.func @transform_6(%arg0: i32, %arg1: i32) -> (i32, i32) {
    %c0_i32 = arith.constant 0 : i32
    %c0_i32_0 = arith.constant 0 : i32
    %c0_i32_1 = arith.constant 0 : i32
    return %c0_i32, %c0_i32_0 : i32, i32
  }
  func.func @transform_7(%arg0: i32, %arg1: i32) -> (i32, i32, i32) {
    %c0_i32 = arith.constant 0 : i32
    %c0_i32_0 = arith.constant 0 : i32
    return %arg0, %arg1, %c0_i32 : i32, i32, i32
  }
  func.func @transform_8(%arg0: i32, %arg1: i32) -> (i32, i32) {
    %c0_i32 = arith.constant 0 : i32
    %c0_i32_0 = arith.constant 0 : i32
    %c0_i32_1 = arith.constant 0 : i32
    return %c0_i32, %c0_i32_0 : i32, i32
  }
}

module attributes {stable_mosaic.version = 14 : i64} {
  func.func @_ffn1_body(%arg0: i32, %arg1: memref<1x2048x64xf32, #tpu.memory_space<vmem>>, %arg2: memref<1x64xf32, #tpu.memory_space<vmem>>, %arg3: memref<1x64xf32, #tpu.memory_space<vmem>>, %arg4: memref<64x128xf32, #tpu.memory_space<vmem>>, %arg5: memref<8x128xf32, #tpu.memory_space<vmem>>, %arg6: memref<8x128xf32, #tpu.memory_space<vmem>>) attributes {dimension_semantics = [#tpu.dimension_semantics<arbitrary>], iteration_bounds = array<i64: 4>, scalar_prefetch = 0 : i64, scratch_operands = 1 : i64, tpu.core_type = #tpu.core_type<tc>, window_params = [{transform_indices = @transform_0, window_bounds = array<i64: 1, 2048, 64>}, {pipeline_mode = #tpu.pipeline_mode<synchronous>, transform_indices = @transform_1, window_bounds = array<i64: 1, 64>}, {pipeline_mode = #tpu.pipeline_mode<synchronous>, transform_indices = @transform_2, window_bounds = array<i64: 1, 64>}, {pipeline_mode = #tpu.pipeline_mode<synchronous>, transform_indices = @transform_3, window_bounds = array<i64: 64, 128>}, {pipeline_mode = #tpu.pipeline_mode<synchronous>, transform_indices = @transform_4, window_bounds = array<i64: 8, 128>}]} {
    %get3A = arith.constant 0 : index
    %get3A_0 = arith.constant 0 : index
    %get3A_1 = arith.constant 0 : index
    %get3A_2 = vector.load %arg1[%get3A, %get3A_0, %get3A_1] : memref<1x2048x64xf32, #tpu.memory_space<vmem>>, vector<1x2048x64xf32>
    %get3A_3 = vector.shape_cast %get3A_2 : vector<1x2048x64xf32> to vector<2048x64xf32>
    %get3A_4 = arith.constant 0 : index
    %get3A_5 = arith.constant 0 : index
    %get3A_6 = vector.load %arg2[%get3A_4, %get3A_5] : memref<1x64xf32, #tpu.memory_space<vmem>>, vector<1x64xf32>
    %mul3A = vector.broadcast %get3A_6 : vector<1x64xf32> to vector<2048x64xf32>
    %mul3A_7 = arith.mulf %get3A_3, %mul3A : vector<2048x64xf32>
    %get3A_8 = arith.constant 0 : index
    %get3A_9 = arith.constant 0 : index
    %get3A_10 = vector.load %arg3[%get3A_8, %get3A_9] : memref<1x64xf32, #tpu.memory_space<vmem>>, vector<1x64xf32>
    %add3A = vector.broadcast %get3A_10 : vector<1x64xf32> to vector<2048x64xf32>
    %add3A_11 = arith.addf %mul3A_7, %add3A : vector<2048x64xf32>
    %get3A_12 = arith.constant 0 : index
    %get3A_13 = arith.constant 0 : index
    %get3A_14 = vector.load %arg4[%get3A_12, %get3A_13] : memref<64x128xf32, #tpu.memory_space<vmem>>, vector<64x128xf32>
    %convert_element_type3A = arith.truncf %add3A_11 : vector<2048x64xf32> to vector<2048x64xbf16>
    %convert_element_type3A_15 = arith.truncf %get3A_14 : vector<64x128xf32> to vector<64x128xbf16>
    %dot_general3A = arith.constant dense<0.000000e+00> : vector<2048x128xf32>
    %dot_general3A_16 = tpu.matmul %convert_element_type3A, %convert_element_type3A_15, %dot_general3A {dimension_numbers = #tpu.dot_dimension_numbers<[1], [0], [0], [1], [0, 0, 1, 1], [], []>, transpose_lhs_hint = false} : vector<2048x64xbf16>, vector<64x128xbf16>, vector<2048x128xf32> -> vector<2048x128xf32>
    %eq3A = arith.constant 0 : i32
    %eq3A_17 = arith.cmpi eq, %arg0, %eq3A : i32
    %eq3A_18 = arith.constant 3 : i32
    %eq3A_19 = arith.cmpi eq, %arg0, %eq3A_18 : i32
    %convert_element_type3A_20 = arith.extui %eq3A_17 : i1 to i32
    %cond3A = arith.constant 0 : i32
    %cond3A_21 = arith.cmpi ne, %convert_element_type3A_20, %cond3A : i32
    scf.if %cond3A_21 {
      %broadcast_in_dim3A = arith.constant 0.000000e+00 : f32
      %broadcast_in_dim3A_43 = vector.broadcast %broadcast_in_dim3A : f32 to vector<8x128xf32>
      %swap3A_44 = arith.constant 0 : index
      %swap3A_45 = arith.constant 0 : index
      %swap3A_46 = vector.load %arg6[%swap3A_44, %swap3A_45] : memref<8x128xf32, #tpu.memory_space<vmem>>, vector<8x128xf32>
      tpu.vector_store %arg6[%swap3A_44, %swap3A_45], %broadcast_in_dim3A_43 {strides = array<i32>} : memref<8x128xf32, #tpu.memory_space<vmem>>, vector<8x128xf32>,
    } else {
    }
    %get3A_22 = arith.constant 0 : index
    %get3A_23 = arith.constant 0 : index
    %get3A_24 = vector.load %arg6[%get3A_22, %get3A_23] : memref<8x128xf32, #tpu.memory_space<vmem>>, vector<1x128xf32>
    %reduce_sum3A = arith.constant dense<0.000000e+00> : vector<128xf32>
    %reduce_sum3A_25 = vector.multi_reduction <add>, %dot_general3A_16, %reduce_sum3A [0] : vector<2048x128xf32> to vector<128xf32>
    %reshape3A = vector.shape_cast %reduce_sum3A_25 : vector<128xf32> to vector<1x128xf32>
    %add3A_26 = arith.addf %get3A_24, %reshape3A : vector<1x128xf32>
    %swap3A = arith.constant 0 : index
    %swap3A_27 = arith.constant 0 : index
    %swap3A_28 = vector.load %arg6[%swap3A, %swap3A_27] : memref<8x128xf32, #tpu.memory_space<vmem>>, vector<1x128xf32>
    tpu.vector_store %arg6[%swap3A, %swap3A_27], %add3A_26 {strides = array<i32>} : memref<8x128xf32, #tpu.memory_space<vmem>>, vector<1x128xf32>,
    %get3A_29 = arith.constant 1 : index
    %get3A_30 = arith.constant 0 : index
    %get3A_31 = vector.load %arg6[%get3A_29, %get3A_30] : memref<8x128xf32, #tpu.memory_space<vmem>>, vector<1x128xf32>
    %mul3A_32 = arith.mulf %dot_general3A_16, %dot_general3A_16 : vector<2048x128xf32>
    %reduce_sum3A_33 = arith.constant dense<0.000000e+00> : vector<128xf32>
    %reduce_sum3A_34 = vector.multi_reduction <add>, %mul3A_32, %reduce_sum3A_33 [0] : vector<2048x128xf32> to vector<128xf32>
    %reshape3A_35 = vector.shape_cast %reduce_sum3A_34 : vector<128xf32> to vector<1x128xf32>
    %add3A_36 = arith.addf %get3A_31, %reshape3A_35 : vector<1x128xf32>
    %swap3A_37 = arith.constant 1 : index
    %swap3A_38 = arith.constant 0 : index
    %swap3A_39 = vector.load %arg6[%swap3A_37, %swap3A_38] : memref<8x128xf32, #tpu.memory_space<vmem>>, vector<1x128xf32>
    tpu.vector_store %arg6[%swap3A_37, %swap3A_38], %add3A_36 {strides = array<i32>} : memref<8x128xf32, #tpu.memory_space<vmem>>, vector<1x128xf32>,
    %convert_element_type3A_40 = arith.extui %eq3A_19 : i1 to i32
    %cond3A_41 = arith.constant 0 : i32
    %cond3A_42 = arith.cmpi ne, %convert_element_type3A_40, %cond3A_41 : i32
    scf.if %cond3A_42 {
      %get3A_43 = arith.constant 0 : index
      %get3A_44 = arith.constant 0 : index
      %get3A_45 = vector.load %arg6[%get3A_43, %get3A_44] : memref<8x128xf32, #tpu.memory_space<vmem>>, vector<8x128xf32>
      %swap3A_46 = arith.constant 0 : index
      %swap3A_47 = arith.constant 0 : index
      %swap3A_48 = vector.load %arg5[%swap3A_46, %swap3A_47] : memref<8x128xf32, #tpu.memory_space<vmem>>, vector<8x128xf32>
      tpu.vector_store %arg5[%swap3A_46, %swap3A_47], %get3A_45 {strides = array<i32>} : memref<8x128xf32, #tpu.memory_space<vmem>>, vector<8x128xf32>,
    } else {
    }
    return
  }
  func.func @transform_0(%arg0: i32) -> (i32, i32, i32) {
    %c0_i32 = arith.constant 0 : i32
    %c0_i32_0 = arith.constant 0 : i32
    %c0_i32_1 = arith.constant 0 : i32
    return %arg0, %c0_i32, %c0_i32_0 : i32, i32, i32
  }
  func.func @transform_1(%arg0: i32) -> (i32, i32) {
    %c0_i32 = arith.constant 0 : i32
    %c0_i32_0 = arith.constant 0 : i32
    %c0_i32_1 = arith.constant 0 : i32
    return %c0_i32, %c0_i32_0 : i32, i32
  }
  func.func @transform_2(%arg0: i32) -> (i32, i32) {
    %c0_i32 = arith.constant 0 : i32
    %c0_i32_0 = arith.constant 0 : i32
    %c0_i32_1 = arith.constant 0 : i32
    return %c0_i32, %c0_i32_0 : i32, i32
  }
  func.func @transform_3(%arg0: i32) -> (i32, i32) {
    %c0_i32 = arith.constant 0 : i32
    %c0_i32_0 = arith.constant 0 : i32
    %c0_i32_1 = arith.constant 0 : i32
    return %c0_i32, %c0_i32_0 : i32, i32
  }
  func.func @transform_4(%arg0: i32) -> (i32, i32) {
    %c0_i32 = arith.constant 0 : i32
    %c0_i32_0 = arith.constant 0 : i32
    %c0_i32_1 = arith.constant 0 : i32
    return %c0_i32, %c0_i32_0 : i32, i32
  }
}

module attributes {stable_mosaic.version = 14 : i64} {
  func.func @_ffn2_body(%arg0: i32, %arg1: memref<1x2048x64xf32, #tpu.memory_space<vmem>>, %arg2: memref<1x64xf32, #tpu.memory_space<vmem>>, %arg3: memref<1x64xf32, #tpu.memory_space<vmem>>, %arg4: memref<64x128xf32, #tpu.memory_space<vmem>>, %arg5: memref<1x128xf32, #tpu.memory_space<vmem>>, %arg6: memref<1x128xf32, #tpu.memory_space<vmem>>, %arg7: memref<128x64xf32, #tpu.memory_space<vmem>>, %arg8: memref<1x2048x64xf32, #tpu.memory_space<vmem>>, %arg9: memref<8x64xf32, #tpu.memory_space<vmem>>, %arg10: memref<8x64xf32, #tpu.memory_space<vmem>>) attributes {dimension_semantics = [#tpu.dimension_semantics<arbitrary>], iteration_bounds = array<i64: 4>, scalar_prefetch = 0 : i64, scratch_operands = 1 : i64, tpu.core_type = #tpu.core_type<tc>, window_params = [{transform_indices = @transform_0, window_bounds = array<i64: 1, 2048, 64>}, {pipeline_mode = #tpu.pipeline_mode<synchronous>, transform_indices = @transform_1, window_bounds = array<i64: 1, 64>}, {pipeline_mode = #tpu.pipeline_mode<synchronous>, transform_indices = @transform_2, window_bounds = array<i64: 1, 64>}, {pipeline_mode = #tpu.pipeline_mode<synchronous>, transform_indices = @transform_3, window_bounds = array<i64: 64, 128>}, {pipeline_mode = #tpu.pipeline_mode<synchronous>, transform_indices = @transform_4, window_bounds = array<i64: 1, 128>}, {pipeline_mode = #tpu.pipeline_mode<synchronous>, transform_indices = @transform_5, window_bounds = array<i64: 1, 128>}, {pipeline_mode = #tpu.pipeline_mode<synchronous>, transform_indices = @transform_6, window_bounds = array<i64: 128, 64>}, {transform_indices = @transform_7, window_bounds = array<i64: 1, 2048, 64>}, {pipeline_mode = #tpu.pipeline_mode<synchronous>, transform_indices = @transform_8, window_bounds = array<i64: 8, 64>}]} {
    %get3A = arith.constant 0 : index
    %get3A_0 = arith.constant 0 : index
    %get3A_1 = arith.constant 0 : index
    %get3A_2 = vector.load %arg1[%get3A, %get3A_0, %get3A_1] : memref<1x2048x64xf32, #tpu.memory_space<vmem>>, vector<1x2048x64xf32>
    %get3A_3 = vector.shape_cast %get3A_2 : vector<1x2048x64xf32> to vector<2048x64xf32>
    %get3A_4 = arith.constant 0 : index
    %get3A_5 = arith.constant 0 : index
    %get3A_6 = vector.load %arg2[%get3A_4, %get3A_5] : memref<1x64xf32, #tpu.memory_space<vmem>>, vector<1x64xf32>
    %mul3A = vector.broadcast %get3A_6 : vector<1x64xf32> to vector<2048x64xf32>
    %mul3A_7 = arith.mulf %get3A_3, %mul3A : vector<2048x64xf32>
    %get3A_8 = arith.constant 0 : index
    %get3A_9 = arith.constant 0 : index
    %get3A_10 = vector.load %arg3[%get3A_8, %get3A_9] : memref<1x64xf32, #tpu.memory_space<vmem>>, vector<1x64xf32>
    %add3A = vector.broadcast %get3A_10 : vector<1x64xf32> to vector<2048x64xf32>
    %add3A_11 = arith.addf %mul3A_7, %add3A : vector<2048x64xf32>
    %get3A_12 = arith.constant 0 : index
    %get3A_13 = arith.constant 0 : index
    %get3A_14 = vector.load %arg4[%get3A_12, %get3A_13] : memref<64x128xf32, #tpu.memory_space<vmem>>, vector<64x128xf32>
    %convert_element_type3A = arith.truncf %add3A_11 : vector<2048x64xf32> to vector<2048x64xbf16>
    %convert_element_type3A_15 = arith.truncf %get3A_14 : vector<64x128xf32> to vector<64x128xbf16>
    %dot_general3A = arith.constant dense<0.000000e+00> : vector<2048x128xf32>
    %dot_general3A_16 = tpu.matmul %convert_element_type3A, %convert_element_type3A_15, %dot_general3A {dimension_numbers = #tpu.dot_dimension_numbers<[1], [0], [0], [1], [0, 0, 1, 1], [], []>, transpose_lhs_hint = false} : vector<2048x64xbf16>, vector<64x128xbf16>, vector<2048x128xf32> -> vector<2048x128xf32>
    %get3A_17 = arith.constant 0 : index
    %get3A_18 = arith.constant 0 : index
    %get3A_19 = vector.load %arg5[%get3A_17, %get3A_18] : memref<1x128xf32, #tpu.memory_space<vmem>>, vector<1x128xf32>
    %mul3A_20 = vector.broadcast %get3A_19 : vector<1x128xf32> to vector<2048x128xf32>
    %mul3A_21 = arith.mulf %dot_general3A_16, %mul3A_20 : vector<2048x128xf32>
    %get3A_22 = arith.constant 0 : index
    %get3A_23 = arith.constant 0 : index
    %get3A_24 = vector.load %arg6[%get3A_22, %get3A_23] : memref<1x128xf32, #tpu.memory_space<vmem>>, vector<1x128xf32>
    %add3A_25 = vector.broadcast %get3A_24 : vector<1x128xf32> to vector<2048x128xf32>
    %add3A_26 = arith.addf %mul3A_21, %add3A_25 : vector<2048x128xf32>
    %max3A = arith.constant 0.000000e+00 : f32
    %max3A_27 = vector.broadcast %max3A : f32 to vector<2048x128xf32>
    %max3A_28 = arith.maximumf %add3A_26, %max3A_27 : vector<2048x128xf32>
    %get3A_29 = arith.constant 0 : index
    %get3A_30 = arith.constant 0 : index
    %get3A_31 = vector.load %arg7[%get3A_29, %get3A_30] : memref<128x64xf32, #tpu.memory_space<vmem>>, vector<128x64xf32>
    %convert_element_type3A_32 = arith.truncf %max3A_28 : vector<2048x128xf32> to vector<2048x128xbf16>
    %convert_element_type3A_33 = arith.truncf %get3A_31 : vector<128x64xf32> to vector<128x64xbf16>
    %dot_general3A_34 = arith.constant dense<0.000000e+00> : vector<2048x64xf32>
    %dot_general3A_35 = tpu.matmul %convert_element_type3A_32, %convert_element_type3A_33, %dot_general3A_34 {dimension_numbers = #tpu.dot_dimension_numbers<[1], [0], [0], [1], [0, 0, 1, 1], [], []>, transpose_lhs_hint = false} : vector<2048x128xbf16>, vector<128x64xbf16>, vector<2048x64xf32> -> vector<2048x64xf32>
    %add3A_36 = arith.addf %add3A_11, %dot_general3A_35 : vector<2048x64xf32>
    %swap3A = arith.constant 0 : index
    %swap3A_37 = arith.constant 0 : index
    %swap3A_38 = arith.constant 0 : index
    %swap3A_39 = vector.load %arg8[%swap3A, %swap3A_37, %swap3A_38] : memref<1x2048x64xf32, #tpu.memory_space<vmem>>, vector<1x2048x64xf32>
    %swap3A_40 = vector.shape_cast %swap3A_39 : vector<1x2048x64xf32> to vector<2048x64xf32>
    %swap3A_41 = vector.shape_cast %add3A_36 : vector<2048x64xf32> to vector<1x2048x64xf32>
    tpu.vector_store %arg8[%swap3A, %swap3A_37, %swap3A_38], %swap3A_41 {strides = array<i32>} : memref<1x2048x64xf32, #tpu.memory_space<vmem>>, vector<1x2048x64xf32>,
    %eq3A = arith.constant 0 : i32
    %eq3A_42 = arith.cmpi eq, %arg0, %eq3A : i32
    %eq3A_43 = arith.constant 3 : i32
    %eq3A_44 = arith.cmpi eq, %arg0, %eq3A_43 : i32
    %convert_element_type3A_45 = arith.extui %eq3A_42 : i1 to i32
    %cond3A = arith.constant 0 : i32
    %cond3A_46 = arith.cmpi ne, %convert_element_type3A_45, %cond3A : i32
    scf.if %cond3A_46 {
      %broadcast_in_dim3A = arith.constant 0.000000e+00 : f32
      %broadcast_in_dim3A_69 = vector.broadcast %broadcast_in_dim3A : f32 to vector<8x64xf32>
      %swap3A_70 = arith.constant 0 : index
      %swap3A_71 = arith.constant 0 : index
      %swap3A_72 = vector.load %arg10[%swap3A_70, %swap3A_71] : memref<8x64xf32, #tpu.memory_space<vmem>>, vector<8x64xf32>
      tpu.vector_store %arg10[%swap3A_70, %swap3A_71], %broadcast_in_dim3A_69 {strides = array<i32>} : memref<8x64xf32, #tpu.memory_space<vmem>>, vector<8x64xf32>,
    } else {
    }
    %get3A_47 = arith.constant 0 : index
    %get3A_48 = arith.constant 0 : index
    %get3A_49 = vector.load %arg10[%get3A_47, %get3A_48] : memref<8x64xf32, #tpu.memory_space<vmem>>, vector<1x64xf32>
    %reduce_sum3A = arith.constant dense<0.000000e+00> : vector<64xf32>
    %reduce_sum3A_50 = vector.multi_reduction <add>, %add3A_36, %reduce_sum3A [0] : vector<2048x64xf32> to vector<64xf32>
    %reshape3A = vector.shape_cast %reduce_sum3A_50 : vector<64xf32> to vector<1x64xf32>
    %add3A_51 = arith.addf %get3A_49, %reshape3A : vector<1x64xf32>
    %swap3A_52 = arith.constant 0 : index
    %swap3A_53 = arith.constant 0 : index
    %swap3A_54 = vector.load %arg10[%swap3A_52, %swap3A_53] : memref<8x64xf32, #tpu.memory_space<vmem>>, vector<1x64xf32>
    tpu.vector_store %arg10[%swap3A_52, %swap3A_53], %add3A_51 {strides = array<i32>} : memref<8x64xf32, #tpu.memory_space<vmem>>, vector<1x64xf32>,
    %get3A_55 = arith.constant 1 : index
    %get3A_56 = arith.constant 0 : index
    %get3A_57 = vector.load %arg10[%get3A_55, %get3A_56] : memref<8x64xf32, #tpu.memory_space<vmem>>, vector<1x64xf32>
    %mul3A_58 = arith.mulf %add3A_36, %add3A_36 : vector<2048x64xf32>
    %reduce_sum3A_59 = arith.constant dense<0.000000e+00> : vector<64xf32>
    %reduce_sum3A_60 = vector.multi_reduction <add>, %mul3A_58, %reduce_sum3A_59 [0] : vector<2048x64xf32> to vector<64xf32>
    %reshape3A_61 = vector.shape_cast %reduce_sum3A_60 : vector<64xf32> to vector<1x64xf32>
    %add3A_62 = arith.addf %get3A_57, %reshape3A_61 : vector<1x64xf32>
    %swap3A_63 = arith.constant 1 : index
    %swap3A_64 = arith.constant 0 : index
    %swap3A_65 = vector.load %arg10[%swap3A_63, %swap3A_64] : memref<8x64xf32, #tpu.memory_space<vmem>>, vector<1x64xf32>
    tpu.vector_store %arg10[%swap3A_63, %swap3A_64], %add3A_62 {strides = array<i32>} : memref<8x64xf32, #tpu.memory_space<vmem>>, vector<1x64xf32>,
    %convert_element_type3A_66 = arith.extui %eq3A_44 : i1 to i32
    %cond3A_67 = arith.constant 0 : i32
    %cond3A_68 = arith.cmpi ne, %convert_element_type3A_66, %cond3A_67 : i32
    scf.if %cond3A_68 {
      %get3A_69 = arith.constant 0 : index
      %get3A_70 = arith.constant 0 : index
      %get3A_71 = vector.load %arg10[%get3A_69, %get3A_70] : memref<8x64xf32, #tpu.memory_space<vmem>>, vector<8x64xf32>
      %swap3A_72 = arith.constant 0 : index
      %swap3A_73 = arith.constant 0 : index
      %swap3A_74 = vector.load %arg9[%swap3A_72, %swap3A_73] : memref<8x64xf32, #tpu.memory_space<vmem>>, vector<8x64xf32>
      tpu.vector_store %arg9[%swap3A_72, %swap3A_73], %get3A_71 {strides = array<i32>} : memref<8x64xf32, #tpu.memory_space<vmem>>, vector<8x64xf32>,
    } else {
    }
    return
  }
  func.func @transform_0(%arg0: i32) -> (i32, i32, i32) {
    %c0_i32 = arith.constant 0 : i32
    %c0_i32_0 = arith.constant 0 : i32
    %c0_i32_1 = arith.constant 0 : i32
    return %arg0, %c0_i32, %c0_i32_0 : i32, i32, i32
  }
  func.func @transform_1(%arg0: i32) -> (i32, i32) {
    %c0_i32 = arith.constant 0 : i32
    %c0_i32_0 = arith.constant 0 : i32
    %c0_i32_1 = arith.constant 0 : i32
    return %c0_i32, %c0_i32_0 : i32, i32
  }
  func.func @transform_2(%arg0: i32) -> (i32, i32) {
    %c0_i32 = arith.constant 0 : i32
    %c0_i32_0 = arith.constant 0 : i32
    %c0_i32_1 = arith.constant 0 : i32
    return %c0_i32, %c0_i32_0 : i32, i32
  }
  func.func @transform_3(%arg0: i32) -> (i32, i32) {
    %c0_i32 = arith.constant 0 : i32
    %c0_i32_0 = arith.constant 0 : i32
    %c0_i32_1 = arith.constant 0 : i32
    return %c0_i32, %c0_i32_0 : i32, i32
  }
  func.func @transform_4(%arg0: i32) -> (i32, i32) {
    %c0_i32 = arith.constant 0 : i32
    %c0_i32_0 = arith.constant 0 : i32
    %c0_i32_1 = arith.constant 0 : i32
    return %c0_i32, %c0_i32_0 : i32, i32
  }
  func.func @transform_5(%arg0: i32) -> (i32, i32) {
    %c0_i32 = arith.constant 0 : i32
    %c0_i32_0 = arith.constant 0 : i32
    %c0_i32_1 = arith.constant 0 : i32
    return %c0_i32, %c0_i32_0 : i32, i32
  }
  func.func @transform_6(%arg0: i32) -> (i32, i32) {
    %c0_i32 = arith.constant 0 : i32
    %c0_i32_0 = arith.constant 0 : i32
    %c0_i32_1 = arith.constant 0 : i32
    return %c0_i32, %c0_i32_0 : i32, i32
  }
  func.func @transform_7(%arg0: i32) -> (i32, i32, i32) {
    %c0_i32 = arith.constant 0 : i32
    %c0_i32_0 = arith.constant 0 : i32
    %c0_i32_1 = arith.constant 0 : i32
    return %arg0, %c0_i32, %c0_i32_0 : i32, i32, i32
  }
  func.func @transform_8(%arg0: i32) -> (i32, i32) {
    %c0_i32 = arith.constant 0 : i32
    %c0_i32_0 = arith.constant 0 : i32
    %c0_i32_1 = arith.constant 0 : i32
    return %c0_i32, %c0_i32_0 : i32, i32
  }
}

module attributes {stable_mosaic.version = 14 : i64} {
  func.func @_qkv_body(%arg0: i32, %arg1: memref<1x2048x64xf32, #tpu.memory_space<vmem>>, %arg2: memref<1x64xf32, #tpu.memory_space<vmem>>, %arg3: memref<1x64xf32, #tpu.memory_space<vmem>>, %arg4: memref<64x64xf32, #tpu.memory_space<vmem>>, %arg5: memref<64x64xf32, #tpu.memory_space<vmem>>, %arg6: memref<64x64xf32, #tpu.memory_space<vmem>>, %arg7: memref<1x2048x64xf32, #tpu.memory_space<vmem>>, %arg8: memref<1x2048x64xf32, #tpu.memory_space<vmem>>, %arg9: memref<1x2048x128xf32, #tpu.memory_space<vmem>>) attributes {dimension_semantics = [#tpu.dimension_semantics<arbitrary>], iteration_bounds = array<i64: 4>, scalar_prefetch = 0 : i64, scratch_operands = 0 : i64, tpu.core_type = #tpu.core_type<tc>, window_params = [{transform_indices = @transform_0, window_bounds = array<i64: 1, 2048, 64>}, {pipeline_mode = #tpu.pipeline_mode<synchronous>, transform_indices = @transform_1, window_bounds = array<i64: 1, 64>}, {pipeline_mode = #tpu.pipeline_mode<synchronous>, transform_indices = @transform_2, window_bounds = array<i64: 1, 64>}, {pipeline_mode = #tpu.pipeline_mode<synchronous>, transform_indices = @transform_3, window_bounds = array<i64: 64, 64>}, {pipeline_mode = #tpu.pipeline_mode<synchronous>, transform_indices = @transform_4, window_bounds = array<i64: 64, 64>}, {pipeline_mode = #tpu.pipeline_mode<synchronous>, transform_indices = @transform_5, window_bounds = array<i64: 64, 64>}, {transform_indices = @transform_6, window_bounds = array<i64: 1, 2048, 64>}, {transform_indices = @transform_7, window_bounds = array<i64: 1, 2048, 64>}, {transform_indices = @transform_8, window_bounds = array<i64: 1, 2048, 128>}]} {
    %get3A = arith.constant 0 : index
    %get3A_0 = arith.constant 0 : index
    %get3A_1 = arith.constant 0 : index
    %get3A_2 = vector.load %arg1[%get3A, %get3A_0, %get3A_1] : memref<1x2048x64xf32, #tpu.memory_space<vmem>>, vector<1x2048x64xf32>
    %get3A_3 = vector.shape_cast %get3A_2 : vector<1x2048x64xf32> to vector<2048x64xf32>
    %get3A_4 = arith.constant 0 : index
    %get3A_5 = arith.constant 0 : index
    %get3A_6 = vector.load %arg2[%get3A_4, %get3A_5] : memref<1x64xf32, #tpu.memory_space<vmem>>, vector<1x64xf32>
    %mul3A = vector.broadcast %get3A_6 : vector<1x64xf32> to vector<2048x64xf32>
    %mul3A_7 = arith.mulf %get3A_3, %mul3A : vector<2048x64xf32>
    %get3A_8 = arith.constant 0 : index
    %get3A_9 = arith.constant 0 : index
    %get3A_10 = vector.load %arg3[%get3A_8, %get3A_9] : memref<1x64xf32, #tpu.memory_space<vmem>>, vector<1x64xf32>
    %add3A = vector.broadcast %get3A_10 : vector<1x64xf32> to vector<2048x64xf32>
    %add3A_11 = arith.addf %mul3A_7, %add3A : vector<2048x64xf32>
    %swap3A = arith.constant 0 : index
    %swap3A_12 = arith.constant 0 : index
    %swap3A_13 = arith.constant 0 : index
    %swap3A_14 = vector.load %arg7[%swap3A, %swap3A_12, %swap3A_13] : memref<1x2048x64xf32, #tpu.memory_space<vmem>>, vector<1x2048x64xf32>
    %swap3A_15 = vector.shape_cast %swap3A_14 : vector<1x2048x64xf32> to vector<2048x64xf32>
    %swap3A_16 = vector.shape_cast %add3A_11 : vector<2048x64xf32> to vector<1x2048x64xf32>
    tpu.vector_store %arg7[%swap3A, %swap3A_12, %swap3A_13], %swap3A_16 {strides = array<i32>} : memref<1x2048x64xf32, #tpu.memory_space<vmem>>, vector<1x2048x64xf32>,
    %get3A_17 = arith.constant 0 : index
    %get3A_18 = arith.constant 0 : index
    %get3A_19 = vector.load %arg4[%get3A_17, %get3A_18] : memref<64x64xf32, #tpu.memory_space<vmem>>, vector<64x64xf32>
    %convert_element_type3A = arith.truncf %add3A_11 : vector<2048x64xf32> to vector<2048x64xbf16>
    %convert_element_type3A_20 = arith.truncf %get3A_19 : vector<64x64xf32> to vector<64x64xbf16>
    %dot_general3A = arith.constant dense<0.000000e+00> : vector<2048x64xf32>
    %dot_general3A_21 = tpu.matmul %convert_element_type3A, %convert_element_type3A_20, %dot_general3A {dimension_numbers = #tpu.dot_dimension_numbers<[1], [0], [0], [1], [0, 0, 1, 1], [], []>, transpose_lhs_hint = false} : vector<2048x64xbf16>, vector<64x64xbf16>, vector<2048x64xf32> -> vector<2048x64xf32>
    %swap3A_22 = arith.constant 0 : index
    %swap3A_23 = arith.constant 0 : index
    %swap3A_24 = arith.constant 0 : index
    %swap3A_25 = vector.load %arg8[%swap3A_22, %swap3A_23, %swap3A_24] : memref<1x2048x64xf32, #tpu.memory_space<vmem>>, vector<1x2048x64xf32>
    %swap3A_26 = vector.shape_cast %swap3A_25 : vector<1x2048x64xf32> to vector<2048x64xf32>
    %swap3A_27 = vector.shape_cast %dot_general3A_21 : vector<2048x64xf32> to vector<1x2048x64xf32>
    tpu.vector_store %arg8[%swap3A_22, %swap3A_23, %swap3A_24], %swap3A_27 {strides = array<i32>} : memref<1x2048x64xf32, #tpu.memory_space<vmem>>, vector<1x2048x64xf32>,
    %get3A_28 = arith.constant 0 : index
    %get3A_29 = arith.constant 0 : index
    %get3A_30 = vector.load %arg5[%get3A_28, %get3A_29] : memref<64x64xf32, #tpu.memory_space<vmem>>, vector<64x64xf32>
    %convert_element_type3A_31 = arith.truncf %add3A_11 : vector<2048x64xf32> to vector<2048x64xbf16>
    %convert_element_type3A_32 = arith.truncf %get3A_30 : vector<64x64xf32> to vector<64x64xbf16>
    %dot_general3A_33 = arith.constant dense<0.000000e+00> : vector<2048x64xf32>
    %dot_general3A_34 = tpu.matmul %convert_element_type3A_31, %convert_element_type3A_32, %dot_general3A_33 {dimension_numbers = #tpu.dot_dimension_numbers<[1], [0], [0], [1], [0, 0, 1, 1], [], []>, transpose_lhs_hint = false} : vector<2048x64xbf16>, vector<64x64xbf16>, vector<2048x64xf32> -> vector<2048x64xf32>
    %swap3A_35 = arith.constant 0 : index
    %swap3A_36 = arith.constant 0 : index
    %swap3A_37 = arith.constant 0 : index
    %swap3A_38 = vector.load %arg9[%swap3A_35, %swap3A_36, %swap3A_37] : memref<1x2048x128xf32, #tpu.memory_space<vmem>>, vector<1x2048x64xf32>
    %swap3A_39 = vector.shape_cast %swap3A_38 : vector<1x2048x64xf32> to vector<2048x64xf32>
    %swap3A_40 = vector.shape_cast %dot_general3A_34 : vector<2048x64xf32> to vector<1x2048x64xf32>
    tpu.vector_store %arg9[%swap3A_35, %swap3A_36, %swap3A_37], %swap3A_40 {strides = array<i32>} : memref<1x2048x128xf32, #tpu.memory_space<vmem>>, vector<1x2048x64xf32>,
    %get3A_41 = arith.constant 0 : index
    %get3A_42 = arith.constant 0 : index
    %get3A_43 = vector.load %arg6[%get3A_41, %get3A_42] : memref<64x64xf32, #tpu.memory_space<vmem>>, vector<64x64xf32>
    %convert_element_type3A_44 = arith.truncf %add3A_11 : vector<2048x64xf32> to vector<2048x64xbf16>
    %convert_element_type3A_45 = arith.truncf %get3A_43 : vector<64x64xf32> to vector<64x64xbf16>
    %dot_general3A_46 = arith.constant dense<0.000000e+00> : vector<2048x64xf32>
    %dot_general3A_47 = tpu.matmul %convert_element_type3A_44, %convert_element_type3A_45, %dot_general3A_46 {dimension_numbers = #tpu.dot_dimension_numbers<[1], [0], [0], [1], [0, 0, 1, 1], [], []>, transpose_lhs_hint = false} : vector<2048x64xbf16>, vector<64x64xbf16>, vector<2048x64xf32> -> vector<2048x64xf32>
    %swap3A_48 = arith.constant 0 : index
    %swap3A_49 = arith.constant 0 : index
    %swap3A_50 = arith.constant 64 : index
    %swap3A_51 = vector.load %arg9[%swap3A_48, %swap3A_49, %swap3A_50] : memref<1x2048x128xf32, #tpu.memory_space<vmem>>, vector<1x2048x64xf32>
    %swap3A_52 = vector.shape_cast %swap3A_51 : vector<1x2048x64xf32> to vector<2048x64xf32>
    %swap3A_53 = vector.shape_cast %dot_general3A_47 : vector<2048x64xf32> to vector<1x2048x64xf32>
    tpu.vector_store %arg9[%swap3A_48, %swap3A_49, %swap3A_50], %swap3A_53 {strides = array<i32>} : memref<1x2048x128xf32, #tpu.memory_space<vmem>>, vector<1x2048x64xf32>,
    return
  }
  func.func @transform_0(%arg0: i32) -> (i32, i32, i32) {
    %c0_i32 = arith.constant 0 : i32
    %c0_i32_0 = arith.constant 0 : i32
    %c0_i32_1 = arith.constant 0 : i32
    return %arg0, %c0_i32, %c0_i32_0 : i32, i32, i32
  }
  func.func @transform_1(%arg0: i32) -> (i32, i32) {
    %c0_i32 = arith.constant 0 : i32
    %c0_i32_0 = arith.constant 0 : i32
    %c0_i32_1 = arith.constant 0 : i32
    return %c0_i32, %c0_i32_0 : i32, i32
  }
  func.func @transform_2(%arg0: i32) -> (i32, i32) {
    %c0_i32 = arith.constant 0 : i32
    %c0_i32_0 = arith.constant 0 : i32
    %c0_i32_1 = arith.constant 0 : i32
    return %c0_i32, %c0_i32_0 : i32, i32
  }
  func.func @transform_3(%arg0: i32) -> (i32, i32) {
    %c0_i32 = arith.constant 0 : i32
    %c0_i32_0 = arith.constant 0 : i32
    %c0_i32_1 = arith.constant 0 : i32
    return %c0_i32, %c0_i32_0 : i32, i32
  }
  func.func @transform_4(%arg0: i32) -> (i32, i32) {
    %c0_i32 = arith.constant 0 : i32
    %c0_i32_0 = arith.constant 0 : i32
    %c0_i32_1 = arith.constant 0 : i32
    return %c0_i32, %c0_i32_0 : i32, i32
  }
  func.func @transform_5(%arg0: i32) -> (i32, i32) {
    %c0_i32 = arith.constant 0 : i32
    %c0_i32_0 = arith.constant 0 : i32
    %c0_i32_1 = arith.constant 0 : i32
    return %c0_i32, %c0_i32_0 : i32, i32
  }
  func.func @transform_6(%arg0: i32) -> (i32, i32, i32) {
    %c0_i32 = arith.constant 0 : i32
    %c0_i32_0 = arith.constant 0 : i32
    %c0_i32_1 = arith.constant 0 : i32
    return %arg0, %c0_i32, %c0_i32_0 : i32, i32, i32
  }
  func.func @transform_7(%arg0: i32) -> (i32, i32, i32) {
    %c0_i32 = arith.constant 0 : i32
    %c0_i32_0 = arith.constant 0 : i32
    %c0_i32_1 = arith.constant 0 : i32
    return %arg0, %c0_i32, %c0_i32_0 : i32, i32, i32
  }
  func.func @transform_8(%arg0: i32) -> (i32, i32, i32) {
    %c0_i32 = arith.constant 0 : i32
    %c0_i32_0 = arith.constant 0 : i32
    %c0_i32_1 = arith.constant 0 : i32
    return %arg0, %c0_i32, %c0_i32_0 : i32, i32, i32
  }
}

module attributes {stable_mosaic.version = 14 : i64} {
  func.func @_head_body(%arg0: memref<4x2048x64xf32, #tpu.memory_space<vmem>>, %arg1: memref<1x64xf32, #tpu.memory_space<vmem>>, %arg2: memref<1x64xf32, #tpu.memory_space<vmem>>, %arg3: memref<64x128xf32, #tpu.memory_space<vmem>>, %arg4: memref<1x128xf32, #tpu.memory_space<vmem>>, %arg5: memref<1x128xf32, #tpu.memory_space<vmem>>, %arg6: memref<13x128xf32, #tpu.memory_space<vmem>>, %arg7: memref<13x1xf32, #tpu.memory_space<vmem>>, %arg8: memref<4x13x2048xf32, #tpu.memory_space<vmem>>) attributes {dimension_semantics = [], scalar_prefetch = 0 : i64, scratch_operands = 0 : i64, tpu.core_type = #tpu.core_type<tc>} {
    %get3A = arith.constant 0 : index
    %get3A_0 = arith.constant 0 : index
    %get3A_1 = vector.load %arg3[%get3A, %get3A_0] : memref<64x128xf32, #tpu.memory_space<vmem>>, vector<64x128xf32>
    %broadcast_in_dim3A = arith.constant 0.000000e+00 : f32
    %broadcast_in_dim3A_2 = vector.broadcast %broadcast_in_dim3A : f32 to vector<1x128xf32>
    %broadcast_in_dim3A_3 = arith.constant 0.000000e+00 : f32
    %broadcast_in_dim3A_4 = vector.broadcast %broadcast_in_dim3A_3 : f32 to vector<1x128xf32>
    %get3A_5 = arith.constant 0 : index
    %get3A_6 = arith.constant 0 : index
    %get3A_7 = arith.constant 0 : index
    %get3A_8 = vector.load %arg0[%get3A_5, %get3A_6, %get3A_7] : memref<4x2048x64xf32, #tpu.memory_space<vmem>>, vector<1x2048x64xf32>
    %get3A_9 = vector.shape_cast %get3A_8 : vector<1x2048x64xf32> to vector<2048x64xf32>
    %get3A_10 = arith.constant 0 : index
    %get3A_11 = arith.constant 0 : index
    %get3A_12 = vector.load %arg1[%get3A_10, %get3A_11] : memref<1x64xf32, #tpu.memory_space<vmem>>, vector<1x64xf32>
    %mul3A = vector.broadcast %get3A_12 : vector<1x64xf32> to vector<2048x64xf32>
    %mul3A_13 = arith.mulf %get3A_9, %mul3A : vector<2048x64xf32>
    %get3A_14 = arith.constant 0 : index
    %get3A_15 = arith.constant 0 : index
    %get3A_16 = vector.load %arg2[%get3A_14, %get3A_15] : memref<1x64xf32, #tpu.memory_space<vmem>>, vector<1x64xf32>
    %add3A = vector.broadcast %get3A_16 : vector<1x64xf32> to vector<2048x64xf32>
    %add3A_17 = arith.addf %mul3A_13, %add3A : vector<2048x64xf32>
    %convert_element_type3A = arith.truncf %add3A_17 : vector<2048x64xf32> to vector<2048x64xbf16>
    %convert_element_type3A_18 = arith.truncf %get3A_1 : vector<64x128xf32> to vector<64x128xbf16>
    %dot_general3A = arith.constant dense<0.000000e+00> : vector<2048x128xf32>
    %dot_general3A_19 = tpu.matmul %convert_element_type3A, %convert_element_type3A_18, %dot_general3A {dimension_numbers = #tpu.dot_dimension_numbers<[1], [0], [0], [1], [0, 0, 1, 1], [], []>, transpose_lhs_hint = false} : vector<2048x64xbf16>, vector<64x128xbf16>, vector<2048x128xf32> -> vector<2048x128xf32>
    %reduce_sum3A = arith.constant dense<0.000000e+00> : vector<128xf32>
    %reduce_sum3A_20 = vector.multi_reduction <add>, %dot_general3A_19, %reduce_sum3A [0] : vector<2048x128xf32> to vector<128xf32>
    %reshape3A = vector.shape_cast %reduce_sum3A_20 : vector<128xf32> to vector<1x128xf32>
    %add3A_21 = arith.addf %broadcast_in_dim3A_2, %reshape3A : vector<1x128xf32>
    %mul3A_22 = arith.mulf %dot_general3A_19, %dot_general3A_19 : vector<2048x128xf32>
    %reduce_sum3A_23 = arith.constant dense<0.000000e+00> : vector<128xf32>
    %reduce_sum3A_24 = vector.multi_reduction <add>, %mul3A_22, %reduce_sum3A_23 [0] : vector<2048x128xf32> to vector<128xf32>
    %reshape3A_25 = vector.shape_cast %reduce_sum3A_24 : vector<128xf32> to vector<1x128xf32>
    %add3A_26 = arith.addf %broadcast_in_dim3A_4, %reshape3A_25 : vector<1x128xf32>
    %get3A_27 = arith.constant 1 : index
    %get3A_28 = arith.constant 0 : index
    %get3A_29 = arith.constant 0 : index
    %get3A_30 = vector.load %arg0[%get3A_27, %get3A_28, %get3A_29] : memref<4x2048x64xf32, #tpu.memory_space<vmem>>, vector<1x2048x64xf32>
    %get3A_31 = vector.shape_cast %get3A_30 : vector<1x2048x64xf32> to vector<2048x64xf32>
    %get3A_32 = arith.constant 0 : index
    %get3A_33 = arith.constant 0 : index
    %get3A_34 = vector.load %arg1[%get3A_32, %get3A_33] : memref<1x64xf32, #tpu.memory_space<vmem>>, vector<1x64xf32>
    %mul3A_35 = vector.broadcast %get3A_34 : vector<1x64xf32> to vector<2048x64xf32>
    %mul3A_36 = arith.mulf %get3A_31, %mul3A_35 : vector<2048x64xf32>
    %get3A_37 = arith.constant 0 : index
    %get3A_38 = arith.constant 0 : index
    %get3A_39 = vector.load %arg2[%get3A_37, %get3A_38] : memref<1x64xf32, #tpu.memory_space<vmem>>, vector<1x64xf32>
    %add3A_40 = vector.broadcast %get3A_39 : vector<1x64xf32> to vector<2048x64xf32>
    %add3A_41 = arith.addf %mul3A_36, %add3A_40 : vector<2048x64xf32>
    %convert_element_type3A_42 = arith.truncf %add3A_41 : vector<2048x64xf32> to vector<2048x64xbf16>
    %convert_element_type3A_43 = arith.truncf %get3A_1 : vector<64x128xf32> to vector<64x128xbf16>
    %dot_general3A_44 = arith.constant dense<0.000000e+00> : vector<2048x128xf32>
    %dot_general3A_45 = tpu.matmul %convert_element_type3A_42, %convert_element_type3A_43, %dot_general3A_44 {dimension_numbers = #tpu.dot_dimension_numbers<[1], [0], [0], [1], [0, 0, 1, 1], [], []>, transpose_lhs_hint = false} : vector<2048x64xbf16>, vector<64x128xbf16>, vector<2048x128xf32> -> vector<2048x128xf32>
    %reduce_sum3A_46 = arith.constant dense<0.000000e+00> : vector<128xf32>
    %reduce_sum3A_47 = vector.multi_reduction <add>, %dot_general3A_45, %reduce_sum3A_46 [0] : vector<2048x128xf32> to vector<128xf32>
    %reshape3A_48 = vector.shape_cast %reduce_sum3A_47 : vector<128xf32> to vector<1x128xf32>
    %add3A_49 = arith.addf %add3A_21, %reshape3A_48 : vector<1x128xf32>
    %mul3A_50 = arith.mulf %dot_general3A_45, %dot_general3A_45 : vector<2048x128xf32>
    %reduce_sum3A_51 = arith.constant dense<0.000000e+00> : vector<128xf32>
    %reduce_sum3A_52 = vector.multi_reduction <add>, %mul3A_50, %reduce_sum3A_51 [0] : vector<2048x128xf32> to vector<128xf32>
    %reshape3A_53 = vector.shape_cast %reduce_sum3A_52 : vector<128xf32> to vector<1x128xf32>
    %add3A_54 = arith.addf %add3A_26, %reshape3A_53 : vector<1x128xf32>
    %get3A_55 = arith.constant 2 : index
    %get3A_56 = arith.constant 0 : index
    %get3A_57 = arith.constant 0 : index
    %get3A_58 = vector.load %arg0[%get3A_55, %get3A_56, %get3A_57] : memref<4x2048x64xf32, #tpu.memory_space<vmem>>, vector<1x2048x64xf32>
    %get3A_59 = vector.shape_cast %get3A_58 : vector<1x2048x64xf32> to vector<2048x64xf32>
    %get3A_60 = arith.constant 0 : index
    %get3A_61 = arith.constant 0 : index
    %get3A_62 = vector.load %arg1[%get3A_60, %get3A_61] : memref<1x64xf32, #tpu.memory_space<vmem>>, vector<1x64xf32>
    %mul3A_63 = vector.broadcast %get3A_62 : vector<1x64xf32> to vector<2048x64xf32>
    %mul3A_64 = arith.mulf %get3A_59, %mul3A_63 : vector<2048x64xf32>
    %get3A_65 = arith.constant 0 : index
    %get3A_66 = arith.constant 0 : index
    %get3A_67 = vector.load %arg2[%get3A_65, %get3A_66] : memref<1x64xf32, #tpu.memory_space<vmem>>, vector<1x64xf32>
    %add3A_68 = vector.broadcast %get3A_67 : vector<1x64xf32> to vector<2048x64xf32>
    %add3A_69 = arith.addf %mul3A_64, %add3A_68 : vector<2048x64xf32>
    %convert_element_type3A_70 = arith.truncf %add3A_69 : vector<2048x64xf32> to vector<2048x64xbf16>
    %convert_element_type3A_71 = arith.truncf %get3A_1 : vector<64x128xf32> to vector<64x128xbf16>
    %dot_general3A_72 = arith.constant dense<0.000000e+00> : vector<2048x128xf32>
    %dot_general3A_73 = tpu.matmul %convert_element_type3A_70, %convert_element_type3A_71, %dot_general3A_72 {dimension_numbers = #tpu.dot_dimension_numbers<[1], [0], [0], [1], [0, 0, 1, 1], [], []>, transpose_lhs_hint = false} : vector<2048x64xbf16>, vector<64x128xbf16>, vector<2048x128xf32> -> vector<2048x128xf32>
    %reduce_sum3A_74 = arith.constant dense<0.000000e+00> : vector<128xf32>
    %reduce_sum3A_75 = vector.multi_reduction <add>, %dot_general3A_73, %reduce_sum3A_74 [0] : vector<2048x128xf32> to vector<128xf32>
    %reshape3A_76 = vector.shape_cast %reduce_sum3A_75 : vector<128xf32> to vector<1x128xf32>
    %add3A_77 = arith.addf %add3A_49, %reshape3A_76 : vector<1x128xf32>
    %mul3A_78 = arith.mulf %dot_general3A_73, %dot_general3A_73 : vector<2048x128xf32>
    %reduce_sum3A_79 = arith.constant dense<0.000000e+00> : vector<128xf32>
    %reduce_sum3A_80 = vector.multi_reduction <add>, %mul3A_78, %reduce_sum3A_79 [0] : vector<2048x128xf32> to vector<128xf32>
    %reshape3A_81 = vector.shape_cast %reduce_sum3A_80 : vector<128xf32> to vector<1x128xf32>
    %add3A_82 = arith.addf %add3A_54, %reshape3A_81 : vector<1x128xf32>
    %get3A_83 = arith.constant 3 : index
    %get3A_84 = arith.constant 0 : index
    %get3A_85 = arith.constant 0 : index
    %get3A_86 = vector.load %arg0[%get3A_83, %get3A_84, %get3A_85] : memref<4x2048x64xf32, #tpu.memory_space<vmem>>, vector<1x2048x64xf32>
    %get3A_87 = vector.shape_cast %get3A_86 : vector<1x2048x64xf32> to vector<2048x64xf32>
    %get3A_88 = arith.constant 0 : index
    %get3A_89 = arith.constant 0 : index
    %get3A_90 = vector.load %arg1[%get3A_88, %get3A_89] : memref<1x64xf32, #tpu.memory_space<vmem>>, vector<1x64xf32>
    %mul3A_91 = vector.broadcast %get3A_90 : vector<1x64xf32> to vector<2048x64xf32>
    %mul3A_92 = arith.mulf %get3A_87, %mul3A_91 : vector<2048x64xf32>
    %get3A_93 = arith.constant 0 : index
    %get3A_94 = arith.constant 0 : index
    %get3A_95 = vector.load %arg2[%get3A_93, %get3A_94] : memref<1x64xf32, #tpu.memory_space<vmem>>, vector<1x64xf32>
    %add3A_96 = vector.broadcast %get3A_95 : vector<1x64xf32> to vector<2048x64xf32>
    %add3A_97 = arith.addf %mul3A_92, %add3A_96 : vector<2048x64xf32>
    %convert_element_type3A_98 = arith.truncf %add3A_97 : vector<2048x64xf32> to vector<2048x64xbf16>
    %convert_element_type3A_99 = arith.truncf %get3A_1 : vector<64x128xf32> to vector<64x128xbf16>
    %dot_general3A_100 = arith.constant dense<0.000000e+00> : vector<2048x128xf32>
    %dot_general3A_101 = tpu.matmul %convert_element_type3A_98, %convert_element_type3A_99, %dot_general3A_100 {dimension_numbers = #tpu.dot_dimension_numbers<[1], [0], [0], [1], [0, 0, 1, 1], [], []>, transpose_lhs_hint = false} : vector<2048x64xbf16>, vector<64x128xbf16>, vector<2048x128xf32> -> vector<2048x128xf32>
    %reduce_sum3A_102 = arith.constant dense<0.000000e+00> : vector<128xf32>
    %reduce_sum3A_103 = vector.multi_reduction <add>, %dot_general3A_101, %reduce_sum3A_102 [0] : vector<2048x128xf32> to vector<128xf32>
    %reshape3A_104 = vector.shape_cast %reduce_sum3A_103 : vector<128xf32> to vector<1x128xf32>
    %add3A_105 = arith.addf %add3A_77, %reshape3A_104 : vector<1x128xf32>
    %mul3A_106 = arith.mulf %dot_general3A_101, %dot_general3A_101 : vector<2048x128xf32>
    %reduce_sum3A_107 = arith.constant dense<0.000000e+00> : vector<128xf32>
    %reduce_sum3A_108 = vector.multi_reduction <add>, %mul3A_106, %reduce_sum3A_107 [0] : vector<2048x128xf32> to vector<128xf32>
    %reshape3A_109 = vector.shape_cast %reduce_sum3A_108 : vector<128xf32> to vector<1x128xf32>
    %add3A_110 = arith.addf %add3A_82, %reshape3A_109 : vector<1x128xf32>
    %div3A = arith.constant 8.192000e+03 : f32
    %div3A_111 = vector.broadcast %div3A : f32 to vector<1x128xf32>
    %div3A_112 = arith.divf %add3A_105, %div3A_111 : vector<1x128xf32>
    %div3A_113 = arith.constant 8.192000e+03 : f32
    %div3A_114 = vector.broadcast %div3A_113 : f32 to vector<1x128xf32>
    %div3A_115 = arith.divf %add3A_110, %div3A_114 : vector<1x128xf32>
    %mul3A_116 = arith.mulf %div3A_112, %div3A_112 : vector<1x128xf32>
    %sub3A = arith.subf %div3A_115, %mul3A_116 : vector<1x128xf32>
    %get3A_117 = arith.constant 0 : index
    %get3A_118 = arith.constant 0 : index
    %get3A_119 = vector.load %arg4[%get3A_117, %get3A_118] : memref<1x128xf32, #tpu.memory_space<vmem>>, vector<1x128xf32>
    %add3A_120 = arith.constant 9.99999974E-6 : f32
    %add3A_121 = vector.broadcast %add3A_120 : f32 to vector<1x128xf32>
    %add3A_122 = arith.addf %sub3A, %add3A_121 : vector<1x128xf32>
    %sqrt3A = math.sqrt %add3A_122 : vector<1x128xf32>
    %div3A_123 = arith.divf %get3A_119, %sqrt3A : vector<1x128xf32>
    %get3A_124 = arith.constant 0 : index
    %get3A_125 = arith.constant 0 : index
    %get3A_126 = vector.load %arg5[%get3A_124, %get3A_125] : memref<1x128xf32, #tpu.memory_space<vmem>>, vector<1x128xf32>
    %mul3A_127 = arith.mulf %div3A_112, %div3A_123 : vector<1x128xf32>
    %sub3A_128 = arith.subf %get3A_126, %mul3A_127 : vector<1x128xf32>
    %get3A_129 = arith.constant 0 : index
    %get3A_130 = arith.constant 0 : index
    %get3A_131 = vector.load %arg6[%get3A_129, %get3A_130] : memref<13x128xf32, #tpu.memory_space<vmem>>, vector<13x128xf32>
    %mul3A_132 = vector.broadcast %div3A_123 : vector<1x128xf32> to vector<2048x128xf32>
    %mul3A_133 = arith.mulf %dot_general3A_19, %mul3A_132 : vector<2048x128xf32>
    %add3A_134 = vector.broadcast %sub3A_128 : vector<1x128xf32> to vector<2048x128xf32>
    %add3A_135 = arith.addf %mul3A_133, %add3A_134 : vector<2048x128xf32>
    %max3A = arith.constant 0.000000e+00 : f32
    %max3A_136 = vector.broadcast %max3A : f32 to vector<2048x128xf32>
    %max3A_137 = arith.maximumf %add3A_135, %max3A_136 : vector<2048x128xf32>
    %convert_element_type3A_138 = arith.truncf %get3A_131 : vector<13x128xf32> to vector<13x128xbf16>
    %convert_element_type3A_139 = arith.truncf %max3A_137 : vector<2048x128xf32> to vector<2048x128xbf16>
    %dot_general3A_140 = arith.constant dense<0.000000e+00> : vector<13x2048xf32>
    %dot_general3A_141 = tpu.matmul %convert_element_type3A_138, %convert_element_type3A_139, %dot_general3A_140 {dimension_numbers = #tpu.dot_dimension_numbers<[1], [1], [0], [0], [0, 0, 1, 0], [], []>, transpose_lhs_hint = false} : vector<13x128xbf16>, vector<2048x128xbf16>, vector<13x2048xf32> -> vector<13x2048xf32>
    %get3A_142 = arith.constant 0 : index
    %get3A_143 = arith.constant 0 : index
    %get3A_144 = vector.load %arg7[%get3A_142, %get3A_143] : memref<13x1xf32, #tpu.memory_space<vmem>>, vector<13x1xf32>
    %add3A_145 = vector.broadcast %get3A_144 : vector<13x1xf32> to vector<13x2048xf32>
    %add3A_146 = arith.addf %dot_general3A_141, %add3A_145 : vector<13x2048xf32>
    %swap3A = arith.constant 0 : index
    %swap3A_147 = arith.constant 0 : index
    %swap3A_148 = arith.constant 0 : index
    %swap3A_149 = vector.load %arg8[%swap3A, %swap3A_147, %swap3A_148] : memref<4x13x2048xf32, #tpu.memory_space<vmem>>, vector<1x13x2048xf32>
    %swap3A_150 = vector.shape_cast %swap3A_149 : vector<1x13x2048xf32> to vector<13x2048xf32>
    %swap3A_151 = vector.shape_cast %add3A_146 : vector<13x2048xf32> to vector<1x13x2048xf32>
    tpu.vector_store %arg8[%swap3A, %swap3A_147, %swap3A_148], %swap3A_151 {strides = array<i32>} : memref<4x13x2048xf32, #tpu.memory_space<vmem>>, vector<1x13x2048xf32>,
    %mul3A_152 = vector.broadcast %div3A_123 : vector<1x128xf32> to vector<2048x128xf32>
    %mul3A_153 = arith.mulf %dot_general3A_45, %mul3A_152 : vector<2048x128xf32>
    %add3A_154 = vector.broadcast %sub3A_128 : vector<1x128xf32> to vector<2048x128xf32>
    %add3A_155 = arith.addf %mul3A_153, %add3A_154 : vector<2048x128xf32>
    %max3A_156 = arith.constant 0.000000e+00 : f32
    %max3A_157 = vector.broadcast %max3A_156 : f32 to vector<2048x128xf32>
    %max3A_158 = arith.maximumf %add3A_155, %max3A_157 : vector<2048x128xf32>
    %convert_element_type3A_159 = arith.truncf %get3A_131 : vector<13x128xf32> to vector<13x128xbf16>
    %convert_element_type3A_160 = arith.truncf %max3A_158 : vector<2048x128xf32> to vector<2048x128xbf16>
    %dot_general3A_161 = arith.constant dense<0.000000e+00> : vector<13x2048xf32>
    %dot_general3A_162 = tpu.matmul %convert_element_type3A_159, %convert_element_type3A_160, %dot_general3A_161 {dimension_numbers = #tpu.dot_dimension_numbers<[1], [1], [0], [0], [0, 0, 1, 0], [], []>, transpose_lhs_hint = false} : vector<13x128xbf16>, vector<2048x128xbf16>, vector<13x2048xf32> -> vector<13x2048xf32>
    %get3A_163 = arith.constant 0 : index
    %get3A_164 = arith.constant 0 : index
    %get3A_165 = vector.load %arg7[%get3A_163, %get3A_164] : memref<13x1xf32, #tpu.memory_space<vmem>>, vector<13x1xf32>
    %add3A_166 = vector.broadcast %get3A_165 : vector<13x1xf32> to vector<13x2048xf32>
    %add3A_167 = arith.addf %dot_general3A_162, %add3A_166 : vector<13x2048xf32>
    %swap3A_168 = arith.constant 1 : index
    %swap3A_169 = arith.constant 0 : index
    %swap3A_170 = arith.constant 0 : index
    %swap3A_171 = vector.load %arg8[%swap3A_168, %swap3A_169, %swap3A_170] : memref<4x13x2048xf32, #tpu.memory_space<vmem>>, vector<1x13x2048xf32>
    %swap3A_172 = vector.shape_cast %swap3A_171 : vector<1x13x2048xf32> to vector<13x2048xf32>
    %swap3A_173 = vector.shape_cast %add3A_167 : vector<13x2048xf32> to vector<1x13x2048xf32>
    tpu.vector_store %arg8[%swap3A_168, %swap3A_169, %swap3A_170], %swap3A_173 {strides = array<i32>} : memref<4x13x2048xf32, #tpu.memory_space<vmem>>, vector<1x13x2048xf32>,
    %mul3A_174 = vector.broadcast %div3A_123 : vector<1x128xf32> to vector<2048x128xf32>
    %mul3A_175 = arith.mulf %dot_general3A_73, %mul3A_174 : vector<2048x128xf32>
    %add3A_176 = vector.broadcast %sub3A_128 : vector<1x128xf32> to vector<2048x128xf32>
    %add3A_177 = arith.addf %mul3A_175, %add3A_176 : vector<2048x128xf32>
    %max3A_178 = arith.constant 0.000000e+00 : f32
    %max3A_179 = vector.broadcast %max3A_178 : f32 to vector<2048x128xf32>
    %max3A_180 = arith.maximumf %add3A_177, %max3A_179 : vector<2048x128xf32>
    %convert_element_type3A_181 = arith.truncf %get3A_131 : vector<13x128xf32> to vector<13x128xbf16>
    %convert_element_type3A_182 = arith.truncf %max3A_180 : vector<2048x128xf32> to vector<2048x128xbf16>
    %dot_general3A_183 = arith.constant dense<0.000000e+00> : vector<13x2048xf32>
    %dot_general3A_184 = tpu.matmul %convert_element_type3A_181, %convert_element_type3A_182, %dot_general3A_183 {dimension_numbers = #tpu.dot_dimension_numbers<[1], [1], [0], [0], [0, 0, 1, 0], [], []>, transpose_lhs_hint = false} : vector<13x128xbf16>, vector<2048x128xbf16>, vector<13x2048xf32> -> vector<13x2048xf32>
    %get3A_185 = arith.constant 0 : index
    %get3A_186 = arith.constant 0 : index
    %get3A_187 = vector.load %arg7[%get3A_185, %get3A_186] : memref<13x1xf32, #tpu.memory_space<vmem>>, vector<13x1xf32>
    %add3A_188 = vector.broadcast %get3A_187 : vector<13x1xf32> to vector<13x2048xf32>
    %add3A_189 = arith.addf %dot_general3A_184, %add3A_188 : vector<13x2048xf32>
    %swap3A_190 = arith.constant 2 : index
    %swap3A_191 = arith.constant 0 : index
    %swap3A_192 = arith.constant 0 : index
    %swap3A_193 = vector.load %arg8[%swap3A_190, %swap3A_191, %swap3A_192] : memref<4x13x2048xf32, #tpu.memory_space<vmem>>, vector<1x13x2048xf32>
    %swap3A_194 = vector.shape_cast %swap3A_193 : vector<1x13x2048xf32> to vector<13x2048xf32>
    %swap3A_195 = vector.shape_cast %add3A_189 : vector<13x2048xf32> to vector<1x13x2048xf32>
    tpu.vector_store %arg8[%swap3A_190, %swap3A_191, %swap3A_192], %swap3A_195 {strides = array<i32>} : memref<4x13x2048xf32, #tpu.memory_space<vmem>>, vector<1x13x2048xf32>,
    %mul3A_196 = vector.broadcast %div3A_123 : vector<1x128xf32> to vector<2048x128xf32>
    %mul3A_197 = arith.mulf %dot_general3A_101, %mul3A_196 : vector<2048x128xf32>
    %add3A_198 = vector.broadcast %sub3A_128 : vector<1x128xf32> to vector<2048x128xf32>
    %add3A_199 = arith.addf %mul3A_197, %add3A_198 : vector<2048x128xf32>
    %max3A_200 = arith.constant 0.000000e+00 : f32
    %max3A_201 = vector.broadcast %max3A_200 : f32 to vector<2048x128xf32>
    %max3A_202 = arith.maximumf %add3A_199, %max3A_201 : vector<2048x128xf32>
    %convert_element_type3A_203 = arith.truncf %get3A_131 : vector<13x128xf32> to vector<13x128xbf16>
    %convert_element_type3A_204 = arith.truncf %max3A_202 : vector<2048x128xf32> to vector<2048x128xbf16>
    %dot_general3A_205 = arith.constant dense<0.000000e+00> : vector<13x2048xf32>
    %dot_general3A_206 = tpu.matmul %convert_element_type3A_203, %convert_element_type3A_204, %dot_general3A_205 {dimension_numbers = #tpu.dot_dimension_numbers<[1], [1], [0], [0], [0, 0, 1, 0], [], []>, transpose_lhs_hint = false} : vector<13x128xbf16>, vector<2048x128xbf16>, vector<13x2048xf32> -> vector<13x2048xf32>
    %get3A_207 = arith.constant 0 : index
    %get3A_208 = arith.constant 0 : index
    %get3A_209 = vector.load %arg7[%get3A_207, %get3A_208] : memref<13x1xf32, #tpu.memory_space<vmem>>, vector<13x1xf32>
    %add3A_210 = vector.broadcast %get3A_209 : vector<13x1xf32> to vector<13x2048xf32>
    %add3A_211 = arith.addf %dot_general3A_206, %add3A_210 : vector<13x2048xf32>
    %swap3A_212 = arith.constant 3 : index
    %swap3A_213 = arith.constant 0 : index
    %swap3A_214 = arith.constant 0 : index
    %swap3A_215 = vector.load %arg8[%swap3A_212, %swap3A_213, %swap3A_214] : memref<4x13x2048xf32, #tpu.memory_space<vmem>>, vector<1x13x2048xf32>
    %swap3A_216 = vector.shape_cast %swap3A_215 : vector<1x13x2048xf32> to vector<13x2048xf32>
    %swap3A_217 = vector.shape_cast %add3A_211 : vector<13x2048xf32> to vector<1x13x2048xf32>
    tpu.vector_store %arg8[%swap3A_212, %swap3A_213, %swap3A_214], %swap3A_217 {strides = array<i32>} : memref<4x13x2048xf32, #tpu.memory_space<vmem>>, vector<1x13x2048xf32>,
    return
  }
}

</mosaic_0001>

<sc_bundles>
// kernel: kernel.19.cloned.1.call-start
scs
__scs_entry_jumppad:
0x0: {  	(pc) =	sbr.rel $0x88, $3  }
0x1: {  	(tag) =	ssettag $0x0;
	lr =	simm.s32 $0x1  }
0x2: {  	[smem:$0x3F85] =	sst lr;
	_ =	strace $0xD0000000  }
0x3: {  	_ = 	snop  }
0x4: {  	_ = 	snop  }
0x5: {  	_ = 	snop  }
0x6: {  	_ = 	snop  }
0x7: {  	_ = 	snop  }
__scs_overlays_trampoline_lowered:
0x8: {  	[smem:$0x3F94] =	sst s0  }
0x9: {  	[smem:$0x3F95] =	sst s1  }
0xa: {  	[smem:$0x3F96] =	sst s2  }
0xb: {  	[smem:$0x3F97] =	sst s3  }
0xc: {  	[smem:$0x3F98] =	sst s4  }
0xd: {  	[smem:$0x3F99] =	sst s5  }
0xe: {  	[smem:$0x3F9A] =	sst s6  }
0xf: {  	[smem:$0x3F9B] =	sst s7  }
0x10: {  	[smem:$0x3F9C] =	sst s8  }
0x11: {  	[smem:$0x3F9D] =	sst s9;
	s0 =	simm.s32 @!p0 $0x0  }
0x12: {  	s1 =	sld [smem:$0x3F83];
	s0 =	simm.s32 @p0 $0x1  }
0x13: {  	[smem:$0x3F9E] =	sst s0;
	s0 =	simm.s32 @!p1 $0x0  }
0x14: {  	s2 =	sld [smem:$0x3F82];
	s0 =	simm.s32 @p1 $0x1  }
0x15: {  	[smem:$0x3F9F] =	sst s0;
	s0 =	simm.s32 @!p2 $0x0  }
0x16: {  	s3 =	sld [smem:$0x3FDB];
	s0 =	simm.s32 @p2 $0x1  }
0x17: {  	s4 =	simm.s32 $0x1BF5;
	[smem:$0x3FA1] =	sst s0  }
0x18: {  	s0 =	sld [smem:$0x3F84];
	_ =	swait.ge [sflag:s4], $0x0  }
0x19: {  	s7 =	sld [smem:$0x3F85]  }
0x1a: {  	s8 =	sadd.s32 $0xFFFFE003, lr  }
0x1b: {  	s9 =	sadd.s32 $0xFFFFFEF7, lr;
	s5 =	simm.s32 $0xFFFFFFFF;
	p2 =	slt.u32 s8, $0xFFFFF086  }
0x1c: {  	p1 =	slt.u32 s9, $0xF7A;
	s5 =	simm.s32 @!p2 $0x0  }
0x1d: {  	s5 =	simm.s32 @p1 $0x1;
	p0 =	seq.s32 s7, s2  }
0x1e: {  	s7 =	smul.u32 @!p0 $0xF7A, s2;
	p2 =	seq.s32 @!p0 s5, $0x0  }
0x1f: {  	s9 =	smul.u32 $0xF7A, s1;
	s8 =	simm.s32 @!p0 $0x1BF5;
	p2 =	por !p2, p0  }
0x20: {  	[sflag:s8] =	ssyncset.s32 @!p0 $0xFFFFF086;
	s6 =	sadd.s32 @!p0 s3, s7;
	s7 =	simm.s32 @!p0 $0x108  }
0x21: {  	s3 =	sadd.s32 s3, s9;
	s6 =	sadd.s32 @!p0 $0x88, s6;
	s7 =	simm.s32 @p2 $0x1082  }
0x22: {  	[simem:s7], [sflag:s8] =	dma.local @!p0 [hbm:s6], $0xF7A  }
0x23: {  	s9 =	sor.u32 $0xD0000000, s2;
	s6 =	simm.s32 $0x108;
	_ =	swait.ge @!p0 [sflag:s8], $0x0  }
0x24: {  	s3 =	sadd.s32 $0x88, s3;
	s6 =	simm.s32 @!p1 $0x1082;
	[sflag:s4] =	ssyncset.s32 $0xFFFFF086  }
0x25: {  	[simem:s6], [sflag:s4] =	dma.local [hbm:s3], $0xF7A  }
0x26: {  	[smem:$0x3F85] =	sst s1;
	(tag) =	ssettag s2;
	_ =	strace s9  }
0x27: {  	s1 =	sld [smem:$0x3F95]  }
0x28: {  	s2 =	sld [smem:$0x3F96]  }
0x29: {  	s4 =	sld [smem:$0x3F98]  }
0x2a: {  	p0 =	seq.s32 s5, $0x0;
	s5 =	sld [smem:$0x3F99]  }
0x2b: {  	s6 =	sld [smem:$0x3F9A]  }
0x2c: {  	s7 =	sld [smem:$0x3F9B]  }
0x2d: {  	s3 =	simm.s32 $0x108;
	s8 =	sld [smem:$0x3F9C]  }
0x2e: {  	s3 =	simm.s32 @!p0 $0x1082;
	s9 =	sld [smem:$0x3F9D]  }
0x2f: {  	lr =	sadd.s32 s0, s3;
	s0 =	sld [smem:$0x3F94]  }
0x30: {  	s3 =	sld [smem:$0x3F97]  }
0x31: {  	[smem:$0x3FA0] =	sst s10  }
0x32: {  	s10 =	sld [smem:$0x3F9E];
	_ =	sdelay $0x3  }
0x33: {  	p0 =	seq.s32 s10, $0x1;
	s10 =	sld [smem:$0x3FA0];
	_ =	sdelay $0x3  }
0x34: {  	[smem:$0x3FA0] =	sst s10  }
0x35: {  	s10 =	sld [smem:$0x3F9F];
	_ =	sdelay $0x3  }
0x36: {  	p1 =	seq.s32 s10, $0x1;
	s10 =	sld [smem:$0x3FA0];
	_ =	sdelay $0x3  }
0x37: {  	[smem:$0x3FA0] =	sst s10  }
0x38: {  	s10 =	sld [smem:$0x3FA1]  }
0x39: {  	_ = 	snop;
	(pc) =	sbr.ind lr, $3  }
0x3a: {  	_ = 	snop  }
0x3b: {  	_ = 	snop  }
0x3c: {  	p2 =	seq.s32 s10, $0x1;
	s10 =	sld [smem:$0x3FA0]  }
0x3d: {  	_ =	shalt  }
0x3e: {  	_ =	shalt  }
0x3f: {  	_ =	shalt  }
0x40: {  	_ =	shalt  }
0x41: {  	_ =	shalt  }
0x42: {  	_ =	shalt  }
0x43: {  	_ =	shalt  }
0x44: {  	_ =	shalt  }
0x45: {  	_ =	shalt  }
0x46: {  	_ =	shalt  }
0x47: {  	_ =	shalt  }
0x48: {  	_ =	shalt  }
0x49: {  	_ =	shalt  }
0x4a: {  	_ =	shalt  }
0x4b: {  	_ =	shalt  }
0x4c: {  	_ =	shalt  }
0x4d: {  	_ =	shalt  }
0x4e: {  	_ =	shalt  }
0x4f: {  	_ =	shalt  }
0x50: {  	_ =	shalt  }
0x51: {  	_ =	shalt  }
0x52: {  	_ =	shalt  }
0x53: {  	_ =	shalt  }
0x54: {  	_ =	shalt  }
0x55: {  	_ =	shalt  }
0x56: {  	_ =	shalt  }
0x57: {  	_ =	shalt  }
0x58: {  	_ =	shalt  }
0x59: {  	_ =	shalt  }
0x5a: {  	_ =	shalt  }
0x5b: {  	_ =	shalt  }
0x5c: {  	_ =	shalt  }
0x5d: {  	_ =	shalt  }
0x5e: {  	_ =	shalt  }
0x5f: {  	_ =	shalt  }
0x60: {  	_ =	shalt  }
0x61: {  	_ =	shalt  }
0x62: {  	_ =	shalt  }
0x63: {  	_ =	shalt  }
0x64: {  	_ =	shalt  }
0x65: {  	_ =	shalt  }
0x66: {  	_ =	shalt  }
0x67: {  	_ =	shalt  }
0x68: {  	_ =	shalt  }
0x69: {  	_ =	shalt  }
0x6a: {  	_ =	shalt  }
0x6b: {  	_ =	shalt  }
0x6c: {  	_ =	shalt  }
0x6d: {  	_ =	shalt  }
0x6e: {  	_ =	shalt  }
0x6f: {  	_ =	shalt  }
0x70: {  	_ =	shalt  }
0x71: {  	_ =	shalt  }
0x72: {  	_ =	shalt  }
0x73: {  	_ =	shalt  }
0x74: {  	_ =	shalt  }
0x75: {  	_ =	shalt  }
0x76: {  	_ =	shalt  }
0x77: {  	_ =	shalt  }
0x78: {  	_ =	shalt  }
0x79: {  	_ =	shalt  }
0x7a: {  	_ =	shalt  }
0x7b: {  	_ =	shalt  }
0x7c: {  	_ =	shalt  }
0x7d: {  	_ =	shalt  }
0x7e: {  	_ =	shalt  }
0x7f: {  	_ =	shalt  }
0x80: {  	_ =	shalt  }
0x81: {  	_ =	shalt  }
0x82: {  	_ =	shalt  }
0x83: {  	_ =	shalt  }
0x84: {  	_ =	shalt  }
0x85: {  	_ =	shalt  }
0x86: {  	_ =	shalt  }
0x87: {  	_ =	shalt  }
.Lfunc_end0:
.L_simem_size_0:
called_computation_lowered:
.L_overlay_start_0:
0x88: {  	s2 =	sld [smem:$0x3FD9]  }
0x89: {  	s3 =	sld [smem:$0x3FFE];
	_ =	sdelay $0x1  }
0x8a: {  	s1 =	srdreg.scid  }
0x8b: {  	s0 =	sand.u32 $0x1, s1  }
0x8c: {  	s16 =	sshll.u32 s0, $0xA;
	s2 =	sadd.s32 s3, s2  }
0x8d: {  	s2 =	sadd.s32 s2, s16  }
0x8e: {  	[smem:$0x3FAC] =	sst s2  }
0x8f: {  	_ = 	snop  }
0x90: {  	(tm) =	ssettm $0x1  }
0x91: {  	s17 =	sld [smem:$0x3FFB];
	_ =	sdelay $0x3  }
0x92: {  	_ =	strace s17  }
0x93: {  	s2 =	sld [smem:$0x3FFC];
	_ =	sdelay $0x3  }
0x94: {  	_ =	strace s2  }
0x95: {  	s2 =	sld [smem:$0x3FFD];
	_ =	sdelay $0x3  }
0x96: {  	_ =	strace s2  }
0x97: {  	_ =	strace $0x8FFFFFFF  }
0x98: {  	s18 =	sld [smem:$0x3FDB];
	_ =	sdelay $0x1  }
0x99: {  	s19 =	simm.s32 $_scs_section_size  }
0x9a: {  	s4 =	simm.s32 $_size__tile_overlayer_lowered;
	s5 =	simm.s32 $_tile_overlayer_lowered  }
0x9b: {  	s22 =	simm.s32 $0x1BFF;
	s21 =	sshll.u32 s5, $0x1;
	s2 =	sadd.s32 s19, s18  }
0x9c: {  	s6 =	simm.s32 $0x0;
	s20 =	sshll.u32 s4, $0x1;
	s4 =	sadd.s32 s21, s2  }
0x9d: {  	[timem:s6], [sflag:s22] =	dma.local [hbm:s4], s20  }
0x9e: {  	_ =	swait.ge [sflag:s22], s20  }
0x9f: {  	s3 =	ssub.s32 $0x0, s20;
	[sflag:s22] =	ssyncset.done $0x0  }
0xa0: {  	[sflag:s22] =	ssyncadd.s32 s3;
	_ =	sdelay $0x1  }
0xa1: {  	s23 =	simm.s32 $0x1B8B  }
0xa2: {  	_ =	swait.ge [sflag:s23], $0x1  }
0xa3: {  	[sflag:s23] =	ssyncset.done $0x0  }
0xa4: {  	s25 =	simm.s32 $0x1B8E;
	s24 =	sld [smem:$0x3FFE];
	[sflag:s23] =	ssyncadd.s32 $0xFFFFFFFF  }
0xa5: {  	s26 =	simm.s32 $execute0_lowered;
	[smem:$0x3FD2] =	sst s25  }
0xa6: {  	s4 =	sshll.u32 s26, $0x1;
	_ =	strace $0x80000046;
	[dreg:$0x1] =	wrdreg $0xFFFFFFFF  }
0xa7: {  	s28 =	simm.s32 $_size_execute0_lowered;
	s2 =	sadd.s32 s2, s4;
	[dreg:$0x0] =	wrdreg $0x0  }
0xa8: {  	s4 =	sshll.u32 s28, $0x1;
	[dreg:$0x2] =	wrdreg s2  }
0xa9: {  	[dreg:$0x3] =	wrdreg s4  }
0xaa: {  	[dreg:$0x4] =	wrdreg $0xC0  }
0xab: {  	_ =	task [dreg:s6], $0x5FFFF  }
0xac: {  	[dreg:$0x1] =	wrdreg $0xFFFFFFFF  }
0xad: {  	[dreg:$0x0] =	wrdreg $0x60  }
0xae: {  	[dreg:$0x2] =	wrdreg s24  }
0xaf: {  	[dreg:$0x3] =	wrdreg $0x9  }
0xb0: {  	_ =	task.clear_ibuf [dreg:s6], $0x4FFFF;
	_ =	strace $0x90000046  }
0xb1: {  	s29 =	simm.s32 $0x9;
	_ =	strace $0x80000048  }
0xb2: {  	_ =	swait.ge [sflag:s29], $0x1  }
0xb3: {  	[sflag:s29] =	ssyncadd.s32 $0xFFFFFFFF  }
0xb4: {  	_ =	strace $0x90000048  }
0xb5: {  	_ =	sfence  }
0xb6: {  	s30 =	sld [smem:$0x0];
	_ =	sdelay $0x2  }
0xb7: {  	s31 =	sshll.u32 s1, $0xD;
	s1 =	sshrl.u32 s1, $0x2  }
0xb8: {  	s3 =	sand.u32 $0x4000, s31;
	s1 =	sadd.s32 s1, s30  }
0xb9: {  	s0 =	sor.u32 s3, s0;
	s1 =	sshll.u32 s1, $0x11  }
0xba: {  	s0 =	sor.u32 s1, s0  }
0xbb: {  	s0 =	sadd.s32 $0x8F2B, s0  }
0xbc: {  	[sflag:s0] =	ssyncadd.remote.s32 $0x1  }
0xbd: {  	_ =	sfence.sel $0xFFFF  }
0xbe: {  	[dreg:$0x0] =	wrdreg $0xFFFFFFFF;
	(pc) =	sbr.abs _section_cstart, $3  }
0xbf: {  	[dreg:$0x1] =	wrdreg $0xFFFFFFFF  }
0xc0: {  	_ =	task.clear_ibuf [dreg:s6], $0x2FFFF;
	_ =	strace $0x9FFFFFFF  }
0xc1: {  	(tm) =	ssettm $0x7FFFFFFF  }
tec
execute0_lowered:
.L_overlay_start_1:
0x0: {  	(tag) =	ssettag $0x1  }
0x1: {  	s1 =	srdreg.scid  }
0x2: {  	s0 =	stileid.u32;
	s6 =	sand.u32 $0x1, s1  }
0x3: {  	s8 =	rddreg [dreg:$0x0];
	s30 =	sshll.u32 s0, $0xD;
	s2 =	sshll.u32 s6, $0xC  }
0x4: {  	s7 =	simm.s32 $0x1;
	s1 =	rddreg [dreg:$0x1];
	s9 =	sor.u32 s2, s30  }
0x5: {  	s5 =	sadd.s32 $0xE200, s8;
	s2 =	simm.s32 $0x0;
	s3 =	sshrl.u32 s9, $0x3  }
0x6: {  	s10 =	ssub.s32 $0x2, s6;
	[smem:$0x7FF] =	sst s2;
	s3 =	sadd.s32 s3, s8  }
0x7: {  	_ =	strace $0x80000047;
	s4 =	sadd.s32 $0xA200, s3;
	s3 =	simm.s32 $0x2  }
0x8: {  	[tilespmem:s2], [sflag:$0x2] =	stream.linear.gather [hbm4b:s4+s2], $0x1000, $0x38;
	[tilespmem:$0x11000] =	vst v63  }
0x9: {  	s6 =	simm.s32 $0x1000;
	s11 =	sshrl.u32 s10, $0x1;
	_ =	swait.ge [sflag:s3], $0x1000  }
0xa: {  	s9 =	sshll.u32 s9, $0x1;
	s31 =	ssub.s32 s10, s11;
	[sflag:s3] =	ssyncset.done $0x0  }
0xb: {  	s8 =	sadd.s32 s9, s8;
	s9 =	smax.u32 s31, $0x1;
	[sflag:s3] =	ssyncadd.s32 $0xFFFFF000  }
0xc: {  	[tilespmem:s6], [sflag:$0x1] =	stream.indirect.gather [hbm4b:s5+s6], $0x10, s2, s6, $0xb8;
	[tilespmem:$0x11000] =	vst v63  }
0xd: {  	p0 =	sne.s32 s9, $0x1;
	_ =	swait.ge [sflag:s7], $0x10000  }
.Ltmp0:
0xe: {  	[sflag:s7] =	ssyncset.done $0x0;
	(pc) =	sbr.rel @!p0 .LBB2_2-.Ltmp0, $4  }
0xf: {  	s8 =	sadd.s32 $0x12200, s8;
	[sflag:s7] =	ssyncadd.s32 $0xFFFF0000  }
0x10: {  	[hbm4b:s8+s2] =	stream.linear.scatter [tilespmem:s6], [sflag:$0x2], $0x10000, $0x38;
	[tilespmem:$0x11000] =	vst v63  }
0x11: {  	_ =	swait.ge [sflag:s3], $0x10000  }
0x12: {  	s9 =	sadd.s32 $0xFFFFFFFF, s9;
	[sflag:s3] =	ssyncset.done $0x0  }
.LBB2_1:
0x13: {  	p0 =	sne.s32 s9, $0x1;
	s9 =	sadd.s32 $0xFFFFFFFF, s9;
	[sflag:s3] =	ssyncadd.s32 $0xFFFF0000  }
0x14: {  	[tilespmem:s2], [sflag:$0x2] =	stream.linear.gather [hbm4b:s4+s2], $0x1000, $0x38;
	[tilespmem:$0x11000] =	vst v63  }
0x15: {  	_ =	swait.ge [sflag:s3], $0x1000  }
0x16: {  	[sflag:s3] =	ssyncset.done $0x0  }
0x17: {  	[sflag:s3] =	ssyncadd.s32 $0xFFFFF000  }
0x18: {  	[tilespmem:s6], [sflag:$0x1] =	stream.indirect.gather [hbm4b:s5+s6], $0x10, s2, s6, $0xb8;
	[tilespmem:$0x11000] =	vst v63  }
0x19: {  	_ =	swait.ge [sflag:s7], $0x10000  }
.Ltmp1:
0x1a: {  	[sflag:s7] =	ssyncset.done $0x0;
	(pc) =	sbr.rel @p0 .LBB2_1-.Ltmp1, $4  }
0x1b: {  	[sflag:s7] =	ssyncadd.s32 $0xFFFF0000  }
0x1c: {  	[hbm4b:s8+s2] =	stream.linear.scatter [tilespmem:s6], [sflag:$0x2], $0x10000, $0x38;
	[tilespmem:$0x11000] =	vst v63  }
0x1d: {  	_ =	swait.ge [sflag:s3], $0x10000  }
0x1e: {  	[sflag:s3] =	ssyncset.done $0x0  }
.LBB2_2:
0x1f: {  	[sflag:s3] =	ssyncadd.s32 $0xFFFF0000  }
0x20: {  	_ =	sfence.sel $0x180000  }
0x21: {  	[bflag:$0x0] =	sbarrier.arrive $0xFFFF  }
0x22: {  	p0 =	sne.s32 s0, $0x0;
	_ =	strace $0x90000047  }
0x23: {  	s0 =	sadd.s32 @!p0 $0x100000, s1;
	[bflag:$0x2] =	sbarrier.arrive $0xFFFF  }
0x24: {  	[sflag:s0] =	ssyncadd.tile.s32 @!p0 $0x1;
	_ =	shalt  }
.Lfunc_end2:
_tile_overlayer_lowered:
.L_overlay_start_2:
0x25: {  	(tag) =	ssettag $0x2  }
0x26: {  	s0 =	rddreg [dreg:$0x0];
	s2 =	stileid.u32  }
0x27: {  	s1 =	rddreg [dreg:$0x1];
	p0 =	sne.s32 s2, $0x0  }
0x28: {  	s3 =	rddreg [dreg:$0x2];
	[bflag:$0x3] =	sbarrier.arrive $0xFFFF;
	s2 =	simm.s32 @!p0 $0x1C02  }
0x29: {  	[timem:s3], [sflag:s2] =	dma.local @!p0 [hbm:s0], s1  }
0x2a: {  	s0 =	simm.s32 @!p0 $0x2  }
0x2b: {  	_ =	swait.ge @!p0 [sflag:s0], s1  }
0x2c: {  	s1 =	ssub.s32 @!p0 $0x0, s1;
	[sflag:s0] =	ssyncset.done @!p0 $0x0  }
0x2d: {  	[sflag:s0] =	ssyncadd.s32 @!p0 s1  }
0x2e: {  	[bflag:$0x3] =	sbarrier.arrive $0xFFFF  }
0x2f: {  	_ =	shalt  }

// kernel: kernel.22.cloned.1.call-start
scs
__scs_entry_jumppad:
0x0: {  	(pc) =	sbr.rel $0x88, $3  }
0x1: {  	(tag) =	ssettag $0x0;
	lr =	simm.s32 $0x1  }
0x2: {  	[smem:$0x3F85] =	sst lr;
	_ =	strace $0xD0000000  }
0x3: {  	_ = 	snop  }
0x4: {  	_ = 	snop  }
0x5: {  	_ = 	snop  }
0x6: {  	_ = 	snop  }
0x7: {  	_ = 	snop  }
__scs_overlays_trampoline_lowered:
0x8: {  	[smem:$0x3F94] =	sst s0  }
0x9: {  	[smem:$0x3F95] =	sst s1  }
0xa: {  	[smem:$0x3F96] =	sst s2  }
0xb: {  	[smem:$0x3F97] =	sst s3  }
0xc: {  	[smem:$0x3F98] =	sst s4  }
0xd: {  	[smem:$0x3F99] =	sst s5  }
0xe: {  	[smem:$0x3F9A] =	sst s6  }
0xf: {  	[smem:$0x3F9B] =	sst s7  }
0x10: {  	[smem:$0x3F9C] =	sst s8  }
0x11: {  	[smem:$0x3F9D] =	sst s9;
	s0 =	simm.s32 @!p0 $0x0  }
0x12: {  	s1 =	sld [smem:$0x3F83];
	s0 =	simm.s32 @p0 $0x1  }
0x13: {  	[smem:$0x3F9E] =	sst s0;
	s0 =	simm.s32 @!p1 $0x0  }
0x14: {  	s2 =	sld [smem:$0x3F82];
	s0 =	simm.s32 @p1 $0x1  }
0x15: {  	[smem:$0x3F9F] =	sst s0;
	s0 =	simm.s32 @!p2 $0x0  }
0x16: {  	s3 =	sld [smem:$0x3FDB];
	s0 =	simm.s32 @p2 $0x1  }
0x17: {  	s4 =	simm.s32 $0x1BF5;
	[smem:$0x3FA1] =	sst s0  }
0x18: {  	s0 =	sld [smem:$0x3F84];
	_ =	swait.ge [sflag:s4], $0x0  }
0x19: {  	s7 =	sld [smem:$0x3F85]  }
0x1a: {  	s8 =	sadd.s32 $0xFFFFE003, lr  }
0x1b: {  	s9 =	sadd.s32 $0xFFFFFEF7, lr;
	s5 =	simm.s32 $0xFFFFFFFF;
	p2 =	slt.u32 s8, $0xFFFFF086  }
0x1c: {  	p1 =	slt.u32 s9, $0xF7A;
	s5 =	simm.s32 @!p2 $0x0  }
0x1d: {  	s5 =	simm.s32 @p1 $0x1;
	p0 =	seq.s32 s7, s2  }
0x1e: {  	s7 =	smul.u32 @!p0 $0xF7A, s2;
	p2 =	seq.s32 @!p0 s5, $0x0  }
0x1f: {  	s9 =	smul.u32 $0xF7A, s1;
	s8 =	simm.s32 @!p0 $0x1BF5;
	p2 =	por !p2, p0  }
0x20: {  	[sflag:s8] =	ssyncset.s32 @!p0 $0xFFFFF086;
	s6 =	sadd.s32 @!p0 s3, s7;
	s7 =	simm.s32 @!p0 $0x108  }
0x21: {  	s3 =	sadd.s32 s3, s9;
	s6 =	sadd.s32 @!p0 $0x88, s6;
	s7 =	simm.s32 @p2 $0x1082  }
0x22: {  	[simem:s7], [sflag:s8] =	dma.local @!p0 [hbm:s6], $0xF7A  }
0x23: {  	s9 =	sor.u32 $0xD0000000, s2;
	s6 =	simm.s32 $0x108;
	_ =	swait.ge @!p0 [sflag:s8], $0x0  }
0x24: {  	s3 =	sadd.s32 $0x88, s3;
	s6 =	simm.s32 @!p1 $0x1082;
	[sflag:s4] =	ssyncset.s32 $0xFFFFF086  }
0x25: {  	[simem:s6], [sflag:s4] =	dma.local [hbm:s3], $0xF7A  }
0x26: {  	[smem:$0x3F85] =	sst s1;
	(tag) =	ssettag s2;
	_ =	strace s9  }
0x27: {  	s1 =	sld [smem:$0x3F95]  }
0x28: {  	s2 =	sld [smem:$0x3F96]  }
0x29: {  	s4 =	sld [smem:$0x3F98]  }
0x2a: {  	p0 =	seq.s32 s5, $0x0;
	s5 =	sld [smem:$0x3F99]  }
0x2b: {  	s6 =	sld [smem:$0x3F9A]  }
0x2c: {  	s7 =	sld [smem:$0x3F9B]  }
0x2d: {  	s3 =	simm.s32 $0x108;
	s8 =	sld [smem:$0x3F9C]  }
0x2e: {  	s3 =	simm.s32 @!p0 $0x1082;
	s9 =	sld [smem:$0x3F9D]  }
0x2f: {  	lr =	sadd.s32 s0, s3;
	s0 =	sld [smem:$0x3F94]  }
0x30: {  	s3 =	sld [smem:$0x3F97]  }
0x31: {  	[smem:$0x3FA0] =	sst s10  }
0x32: {  	s10 =	sld [smem:$0x3F9E];
	_ =	sdelay $0x3  }
0x33: {  	p0 =	seq.s32 s10, $0x1;
	s10 =	sld [smem:$0x3FA0];
	_ =	sdelay $0x3  }
0x34: {  	[smem:$0x3FA0] =	sst s10  }
0x35: {  	s10 =	sld [smem:$0x3F9F];
	_ =	sdelay $0x3  }
0x36: {  	p1 =	seq.s32 s10, $0x1;
	s10 =	sld [smem:$0x3FA0];
	_ =	sdelay $0x3  }
0x37: {  	[smem:$0x3FA0] =	sst s10  }
0x38: {  	s10 =	sld [smem:$0x3FA1]  }
0x39: {  	_ = 	snop;
	(pc) =	sbr.ind lr, $3  }
0x3a: {  	_ = 	snop  }
0x3b: {  	_ = 	snop  }
0x3c: {  	p2 =	seq.s32 s10, $0x1;
	s10 =	sld [smem:$0x3FA0]  }
0x3d: {  	_ =	shalt  }
0x3e: {  	_ =	shalt  }
0x3f: {  	_ =	shalt  }
0x40: {  	_ =	shalt  }
0x41: {  	_ =	shalt  }
0x42: {  	_ =	shalt  }
0x43: {  	_ =	shalt  }
0x44: {  	_ =	shalt  }
0x45: {  	_ =	shalt  }
0x46: {  	_ =	shalt  }
0x47: {  	_ =	shalt  }
0x48: {  	_ =	shalt  }
0x49: {  	_ =	shalt  }
0x4a: {  	_ =	shalt  }
0x4b: {  	_ =	shalt  }
0x4c: {  	_ =	shalt  }
0x4d: {  	_ =	shalt  }
0x4e: {  	_ =	shalt  }
0x4f: {  	_ =	shalt  }
0x50: {  	_ =	shalt  }
0x51: {  	_ =	shalt  }
0x52: {  	_ =	shalt  }
0x53: {  	_ =	shalt  }
0x54: {  	_ =	shalt  }
0x55: {  	_ =	shalt  }
0x56: {  	_ =	shalt  }
0x57: {  	_ =	shalt  }
0x58: {  	_ =	shalt  }
0x59: {  	_ =	shalt  }
0x5a: {  	_ =	shalt  }
0x5b: {  	_ =	shalt  }
0x5c: {  	_ =	shalt  }
0x5d: {  	_ =	shalt  }
0x5e: {  	_ =	shalt  }
0x5f: {  	_ =	shalt  }
0x60: {  	_ =	shalt  }
0x61: {  	_ =	shalt  }
0x62: {  	_ =	shalt  }
0x63: {  	_ =	shalt  }
0x64: {  	_ =	shalt  }
0x65: {  	_ =	shalt  }
0x66: {  	_ =	shalt  }
0x67: {  	_ =	shalt  }
0x68: {  	_ =	shalt  }
0x69: {  	_ =	shalt  }
0x6a: {  	_ =	shalt  }
0x6b: {  	_ =	shalt  }
0x6c: {  	_ =	shalt  }
0x6d: {  	_ =	shalt  }
0x6e: {  	_ =	shalt  }
0x6f: {  	_ =	shalt  }
0x70: {  	_ =	shalt  }
0x71: {  	_ =	shalt  }
0x72: {  	_ =	shalt  }
0x73: {  	_ =	shalt  }
0x74: {  	_ =	shalt  }
0x75: {  	_ =	shalt  }
0x76: {  	_ =	shalt  }
0x77: {  	_ =	shalt  }
0x78: {  	_ =	shalt  }
0x79: {  	_ =	shalt  }
0x7a: {  	_ =	shalt  }
0x7b: {  	_ =	shalt  }
0x7c: {  	_ =	shalt  }
0x7d: {  	_ =	shalt  }
0x7e: {  	_ =	shalt  }
0x7f: {  	_ =	shalt  }
0x80: {  	_ =	shalt  }
0x81: {  	_ =	shalt  }
0x82: {  	_ =	shalt  }
0x83: {  	_ =	shalt  }
0x84: {  	_ =	shalt  }
0x85: {  	_ =	shalt  }
0x86: {  	_ =	shalt  }
0x87: {  	_ =	shalt  }
.Lfunc_end0:
.L_simem_size_0:
called_computation.1_lowered:
.L_overlay_start_0:
0x88: {  	s2 =	sld [smem:$0x3FD9]  }
0x89: {  	s3 =	sld [smem:$0x3FFE];
	_ =	sdelay $0x1  }
0x8a: {  	s1 =	srdreg.scid  }
0x8b: {  	s0 =	sand.u32 $0x1, s1  }
0x8c: {  	s17 =	sshll.u32 s0, $0xA;
	s2 =	sadd.s32 s3, s2  }
0x8d: {  	s2 =	sadd.s32 s2, s17  }
0x8e: {  	[smem:$0x3FAC] =	sst s2  }
0x8f: {  	_ = 	snop  }
0x90: {  	(tm) =	ssettm $0x1  }
0x91: {  	s18 =	sld [smem:$0x3FFB];
	_ =	sdelay $0x3  }
0x92: {  	_ =	strace s18  }
0x93: {  	s2 =	sld [smem:$0x3FFC];
	_ =	sdelay $0x3  }
0x94: {  	_ =	strace s2  }
0x95: {  	s2 =	sld [smem:$0x3FFD];
	_ =	sdelay $0x3  }
0x96: {  	_ =	strace s2  }
0x97: {  	_ =	strace $0x8FFFFFFF  }
0x98: {  	s19 =	sld [smem:$0x3FDB];
	_ =	sdelay $0x1  }
0x99: {  	s20 =	simm.s32 $_scs_section_size  }
0x9a: {  	s4 =	simm.s32 $_size__tile_overlayer_lowered;
	s5 =	simm.s32 $_tile_overlayer_lowered  }
0x9b: {  	s6 =	simm.s32 $0x1BFF;
	s21 =	sshll.u32 s5, $0x1;
	s3 =	sadd.s32 s20, s19  }
0x9c: {  	s22 =	simm.s32 $0x0;
	s4 =	sshll.u32 s4, $0x1;
	s5 =	sadd.s32 s21, s3  }
0x9d: {  	[timem:s22], [sflag:s6] =	dma.local [hbm:s5], s4  }
0x9e: {  	_ =	swait.ge [sflag:s6], s4  }
0x9f: {  	s4 =	ssub.s32 $0x0, s4;
	[sflag:s6] =	ssyncset.done $0x0  }
0xa0: {  	[sflag:s6] =	ssyncadd.s32 s4;
	_ =	sdelay $0x1  }
0xa1: {  	s23 =	simm.s32 $0x1B8B  }
0xa2: {  	_ =	swait.ge [sflag:s23], $0x1  }
0xa3: {  	[sflag:s23] =	ssyncset.done $0x0  }
0xa4: {  	[sflag:s23] =	ssyncadd.s32 $0xFFFFFFFF  }
0xa5: {  	s4 =	sld [smem:$0x0]  }
0xa6: {  	s5 =	sand.u32 $0xFFFFFFFE, s1  }
0xa7: {  	p0 =	sne.s32 s1, s5  }
0xa8: {  	s5 =	sshll.u32 @p0 s5, $0xE  }
0xa9: {  	s5 =	sadd.s32 @p0 $0x11B8D, s5;
	s6 =	sshll.u32 @p0 s4, $0x11  }
0xaa: {  	s5 =	sor.u32 @p0 s6, s5  }
0xab: {  	[sflag:s5] =	ssyncadd.remote.s32 @p0 $0x1;
	_ =	sdelay $0x1  }
0xac: {  	s5 =	simm.s32 @p0 $0x1B8D  }
0xad: {  	_ =	swait.eq @p0 [sflag:s5], $0x1  }
0xae: {  	[sflag:s5] =	ssyncadd.s32 @p0 $0xFFFFFFFF  }
0xaf: {  	s6 =	sshll.u32 @!p0 s1, $0xE  }
0xb0: {  	s6 =	sor.u32 @!p0 $0x4000, s6;
	s5 =	simm.s32 @!p0 $0x1B8D  }
0xb1: {  	s4 =	sshll.u32 @!p0 s4, $0x11;
	s6 =	sadd.s32 @!p0 $0x11B8D, s6;
	_ =	swait.eq @!p0 [sflag:s5], $0x1  }
0xb2: {  	s4 =	sor.u32 @!p0 s4, s6;
	[sflag:s5] =	ssyncadd.s32 @!p0 $0xFFFFFFFF  }
0xb3: {  	s25 =	simm.s32 $0x1B8E;
	s24 =	sld [smem:$0x3FFE];
	[sflag:s4] =	ssyncadd.remote.s32 @!p0 $0x1  }
0xb4: {  	s26 =	simm.s32 $execute0_lowered;
	[smem:$0x3FD2] =	sst s25  }
0xb5: {  	s5 =	sshll.u32 s26, $0x1;
	_ =	strace $0x80000049;
	[dreg:$0x1] =	wrdreg $0xFFFFFFFF  }
0xb6: {  	s28 =	simm.s32 $_size_execute0_lowered;
	s3 =	sadd.s32 s3, s5;
	[dreg:$0x0] =	wrdreg $0x0  }
0xb7: {  	s5 =	sshll.u32 s28, $0x1;
	[dreg:$0x2] =	wrdreg s3  }
0xb8: {  	[dreg:$0x3] =	wrdreg s5  }
0xb9: {  	[dreg:$0x4] =	wrdreg $0xC0  }
0xba: {  	_ =	task [dreg:s22], $0x5FFFF  }
0xbb: {  	[dreg:$0x1] =	wrdreg $0xFFFFFFFF  }
0xbc: {  	[dreg:$0x0] =	wrdreg $0x60  }
0xbd: {  	[dreg:$0x2] =	wrdreg s24  }
0xbe: {  	[dreg:$0x3] =	wrdreg $0xA  }
0xbf: {  	_ =	task.clear_ibuf [dreg:s22], $0x4FFFF;
	_ =	strace $0x90000049  }
0xc0: {  	s29 =	simm.s32 $0xA;
	_ =	strace $0x8000004B  }
0xc1: {  	_ =	swait.ge [sflag:s29], $0x1  }
0xc2: {  	[sflag:s29] =	ssyncadd.s32 $0xFFFFFFFF  }
0xc3: {  	_ =	strace $0x9000004B  }
0xc4: {  	_ =	sfence  }
0xc5: {  	s30 =	sld [smem:$0x0];
	_ =	sdelay $0x2  }
0xc6: {  	s31 =	sshll.u32 s1, $0xD;
	s1 =	sshrl.u32 s1, $0x2  }
0xc7: {  	s4 =	sand.u32 $0x4000, s31;
	s1 =	sadd.s32 s1, s30  }
0xc8: {  	s0 =	sor.u32 s4, s0;
	s1 =	sshll.u32 s1, $0x11  }
0xc9: {  	s0 =	sor.u32 s1, s0  }
0xca: {  	s0 =	sadd.s32 $0x8F2B, s0  }
0xcb: {  	[sflag:s0] =	ssyncadd.remote.s32 $0x1  }
0xcc: {  	_ =	sfence.sel $0xFFFF  }
0xcd: {  	[dreg:$0x0] =	wrdreg $0xFFFFFFFF;
	(pc) =	sbr.abs _section_cstart, $3  }
0xce: {  	[dreg:$0x1] =	wrdreg $0xFFFFFFFF  }
0xcf: {  	_ =	task.clear_ibuf [dreg:s22], $0x2FFFF;
	_ =	strace $0x9FFFFFFF  }
0xd0: {  	(tm) =	ssettm $0x7FFFFFFF  }
0xd1: {  	_ =	shalt  }
tec
execute0_lowered:
.L_overlay_start_1:
0x0: {  	(tag) =	ssettag $0x1  }
0x1: {  	s1 =	srdreg.scid  }
0x2: {  	s0 =	stileid.u32;
	s22 =	sand.u32 $0x1, s1  }
0x3: {  	s8 =	rddreg [dreg:$0x0];
	s3 =	sshll.u32 s0, $0xD;
	s4 =	sshll.u32 s22, $0xC  }
0x4: {  	s2 =	simm.s32 $0x0;
	s1 =	rddreg [dreg:$0x1];
	s24 =	sor.u32 s4, s3  }
0x5: {  	[smem:$0x7FF] =	sst s2;
	s21 =	sadd.s32 $0xA200, s8;
	s3 =	sshrl.u32 s24, $0x3  }
0x6: {  	_ =	strace $0x8000004A;
	s4 =	sadd.s32 s21, s3;
	s3 =	simm.s32 $0x2  }
0x7: {  	[tilespmem:s2], [sflag:$0x2] =	stream.linear.gather [hbm4b:s4+s2], $0x200, $0x38;
	[tilespmem:$0x10200] =	vst v63  }
0x8: {  	_ =	swait.ge [sflag:s3], $0x200  }
0x9: {  	s6 =	simm.s32 $0x200;
	[sflag:s3] =	ssyncset.done $0x0  }
0xa: {  	s7 =	simm.s32 $0x1;
	s5 =	sadd.s32 $0x52200, s8;
	[sflag:s3] =	ssyncadd.s32 $0xFFFFFE00  }
0xb: {  	[tilespmem:s6], [sflag:$0x1] =	stream.indirect.gather [hbm4b:s5+s6], $0x80, s2, s6, $0xb8;
	[tilespmem:$0x10200] =	vst v63  }
0xc: {  	_ =	swait.ge [sflag:s7], $0x10000  }
0xd: {  	s23 =	sadd.s32 $0x92200, s8;
	s28 =	sshll.u32 s24, $0x4;
	[sflag:s7] =	ssyncset.done $0x0  }
0xe: {  	s8 =	sadd.s32 s23, s28;
	[sflag:s7] =	ssyncadd.s32 $0xFFFF0000  }
0xf: {  	[hbm4b:s8+s2] =	stream.linear.scatter [tilespmem:s6], [sflag:$0x2], $0x10000, $0x38;
	[tilespmem:$0x10200] =	vst v63  }
0x10: {  	s10 =	sor.u32 $0x200, s24;
	_ =	swait.ge [sflag:s3], $0x10000  }
0x11: {  	s9 =	sshrl.u32 s10, $0x3;
	[sflag:s3] =	ssyncset.done $0x0  }
0x12: {  	s9 =	sadd.s32 s21, s9;
	[sflag:s3] =	ssyncadd.s32 $0xFFFF0000  }
0x13: {  	[tilespmem:s2], [sflag:$0x2] =	stream.linear.gather [hbm4b:s9+s2], $0x200, $0x38;
	[tilespmem:$0x10200] =	vst v63  }
0x14: {  	_ =	swait.ge [sflag:s3], $0x200  }
0x15: {  	[sflag:s3] =	ssyncset.done $0x0  }
0x16: {  	[sflag:s3] =	ssyncadd.s32 $0xFFFFFE00  }
0x17: {  	[tilespmem:s6], [sflag:$0x1] =	stream.indirect.gather [hbm4b:s5+s6], $0x80, s2, s6, $0xb8;
	[tilespmem:$0x10200] =	vst v63  }
0x18: {  	_ =	swait.ge [sflag:s7], $0x10000  }
0x19: {  	s10 =	sshll.u32 s10, $0x4;
	[sflag:s7] =	ssyncset.done $0x0  }
0x1a: {  	s10 =	sadd.s32 s23, s10;
	[sflag:s7] =	ssyncadd.s32 $0xFFFF0000  }
0x1b: {  	[hbm4b:s10+s2] =	stream.linear.scatter [tilespmem:s6], [sflag:$0x2], $0x10000, $0x38;
	[tilespmem:$0x10200] =	vst v63  }
0x1c: {  	s12 =	sor.u32 $0x400, s24;
	_ =	swait.ge [sflag:s3], $0x10000  }
0x1d: {  	s11 =	sshrl.u32 s12, $0x3;
	[sflag:s3] =	ssyncset.done $0x0  }
0x1e: {  	s11 =	sadd.s32 s21, s11;
	[sflag:s3] =	ssyncadd.s32 $0xFFFF0000  }
0x1f: {  	[tilespmem:s2], [sflag:$0x2] =	stream.linear.gather [hbm4b:s11+s2], $0x200, $0x38;
	[tilespmem:$0x10200] =	vst v63  }
0x20: {  	_ =	swait.ge [sflag:s3], $0x200  }
0x21: {  	[sflag:s3] =	ssyncset.done $0x0  }
0x22: {  	[sflag:s3] =	ssyncadd.s32 $0xFFFFFE00  }
0x23: {  	[tilespmem:s6], [sflag:$0x1] =	stream.indirect.gather [hbm4b:s5+s6], $0x80, s2, s6, $0xb8;
	[tilespmem:$0x10200] =	vst v63  }
0x24: {  	_ =	swait.ge [sflag:s7], $0x10000  }
0x25: {  	s12 =	sshll.u32 s12, $0x4;
	[sflag:s7] =	ssyncset.done $0x0  }
0x26: {  	s12 =	sadd.s32 s23, s12;
	[sflag:s7] =	ssyncadd.s32 $0xFFFF0000  }
0x27: {  	[hbm4b:s12+s2] =	stream.linear.scatter [tilespmem:s6], [sflag:$0x2], $0x10000, $0x38;
	[tilespmem:$0x10200] =	vst v63  }
0x28: {  	s14 =	sor.u32 $0x600, s24;
	_ =	swait.ge [sflag:s3], $0x10000  }
0x29: {  	s13 =	sshrl.u32 s14, $0x3;
	[sflag:s3] =	ssyncset.done $0x0  }
0x2a: {  	s13 =	sadd.s32 s21, s13;
	[sflag:s3] =	ssyncadd.s32 $0xFFFF0000  }
0x2b: {  	[tilespmem:s2], [sflag:$0x2] =	stream.linear.gather [hbm4b:s13+s2], $0x200, $0x38;
	[tilespmem:$0x10200] =	vst v63  }
0x2c: {  	_ =	swait.ge [sflag:s3], $0x200  }
0x2d: {  	[sflag:s3] =	ssyncset.done $0x0  }
0x2e: {  	[sflag:s3] =	ssyncadd.s32 $0xFFFFFE00  }
0x2f: {  	[tilespmem:s6], [sflag:$0x1] =	stream.indirect.gather [hbm4b:s5+s6], $0x80, s2, s6, $0xb8;
	[tilespmem:$0x10200] =	vst v63  }
0x30: {  	_ =	swait.ge [sflag:s7], $0x10000  }
0x31: {  	s14 =	sshll.u32 s14, $0x4;
	[sflag:s7] =	ssyncset.done $0x0  }
0x32: {  	s14 =	sadd.s32 s23, s14;
	[sflag:s7] =	ssyncadd.s32 $0xFFFF0000  }
0x33: {  	[hbm4b:s14+s2] =	stream.linear.scatter [tilespmem:s6], [sflag:$0x2], $0x10000, $0x38;
	[tilespmem:$0x10200] =	vst v63  }
0x34: {  	s16 =	sor.u32 $0x800, s24;
	_ =	swait.ge [sflag:s3], $0x10000  }
0x35: {  	s15 =	sshrl.u32 s16, $0x3;
	[sflag:s3] =	ssyncset.done $0x0  }
0x36: {  	s15 =	sadd.s32 s21, s15;
	[sflag:s3] =	ssyncadd.s32 $0xFFFF0000  }
0x37: {  	[tilespmem:s2], [sflag:$0x2] =	stream.linear.gather [hbm4b:s15+s2], $0x200, $0x38;
	[tilespmem:$0x10200] =	vst v63  }
0x38: {  	_ =	swait.ge [sflag:s3], $0x200  }
0x39: {  	[sflag:s3] =	ssyncset.done $0x0  }
0x3a: {  	[sflag:s3] =	ssyncadd.s32 $0xFFFFFE00  }
0x3b: {  	[tilespmem:s6], [sflag:$0x1] =	stream.indirect.gather [hbm4b:s5+s6], $0x80, s2, s6, $0xb8;
	[tilespmem:$0x10200] =	vst v63  }
0x3c: {  	_ =	swait.ge [sflag:s7], $0x10000  }
0x3d: {  	s16 =	sshll.u32 s16, $0x4;
	[sflag:s7] =	ssyncset.done $0x0  }
0x3e: {  	s16 =	sadd.s32 s23, s16;
	[sflag:s7] =	ssyncadd.s32 $0xFFFF0000  }
0x3f: {  	[hbm4b:s16+s2] =	stream.linear.scatter [tilespmem:s6], [sflag:$0x2], $0x10000, $0x38;
	[tilespmem:$0x10200] =	vst v63  }
0x40: {  	s18 =	sor.u32 $0xA00, s24;
	_ =	swait.ge [sflag:s3], $0x10000  }
0x41: {  	s17 =	sshrl.u32 s18, $0x3;
	[sflag:s3] =	ssyncset.done $0x0  }
0x42: {  	s17 =	sadd.s32 s21, s17;
	[sflag:s3] =	ssyncadd.s32 $0xFFFF0000  }
0x43: {  	[tilespmem:s2], [sflag:$0x2] =	stream.linear.gather [hbm4b:s17+s2], $0x200, $0x38;
	[tilespmem:$0x10200] =	vst v63  }
0x44: {  	_ =	swait.ge [sflag:s3], $0x200  }
0x45: {  	[sflag:s3] =	ssyncset.done $0x0  }
0x46: {  	[sflag:s3] =	ssyncadd.s32 $0xFFFFFE00  }
0x47: {  	[tilespmem:s6], [sflag:$0x1] =	stream.indirect.gather [hbm4b:s5+s6], $0x80, s2, s6, $0xb8;
	[tilespmem:$0x10200] =	vst v63  }
0x48: {  	_ =	swait.ge [sflag:s7], $0x10000  }
0x49: {  	s18 =	sshll.u32 s18, $0x4;
	[sflag:s7] =	ssyncset.done $0x0  }
0x4a: {  	s18 =	sadd.s32 s23, s18;
	[sflag:s7] =	ssyncadd.s32 $0xFFFF0000  }
0x4b: {  	[hbm4b:s18+s2] =	stream.linear.scatter [tilespmem:s6], [sflag:$0x2], $0x10000, $0x38;
	[tilespmem:$0x10200] =	vst v63  }
0x4c: {  	s20 =	sor.u32 $0xC00, s24;
	_ =	swait.ge [sflag:s3], $0x10000  }
0x4d: {  	s19 =	sshrl.u32 s20, $0x3;
	[sflag:s3] =	ssyncset.done $0x0  }
0x4e: {  	s19 =	sadd.s32 s21, s19;
	[sflag:s3] =	ssyncadd.s32 $0xFFFF0000  }
0x4f: {  	[tilespmem:s2], [sflag:$0x2] =	stream.linear.gather [hbm4b:s19+s2], $0x200, $0x38;
	[tilespmem:$0x10200] =	vst v63  }
0x50: {  	_ =	swait.ge [sflag:s3], $0x200  }
0x51: {  	[sflag:s3] =	ssyncset.done $0x0  }
0x52: {  	[sflag:s3] =	ssyncadd.s32 $0xFFFFFE00  }
0x53: {  	[tilespmem:s6], [sflag:$0x1] =	stream.indirect.gather [hbm4b:s5+s6], $0x80, s2, s6, $0xb8;
	[tilespmem:$0x10200] =	vst v63  }
0x54: {  	_ =	swait.ge [sflag:s7], $0x10000  }
0x55: {  	s20 =	sshll.u32 s20, $0x4;
	[sflag:s7] =	ssyncset.done $0x0  }
0x56: {  	s20 =	sadd.s32 s23, s20;
	[sflag:s7] =	ssyncadd.s32 $0xFFFF0000  }
0x57: {  	[hbm4b:s20+s2] =	stream.linear.scatter [tilespmem:s6], [sflag:$0x2], $0x10000, $0x38;
	[tilespmem:$0x10200] =	vst v63  }
0x58: {  	s24 =	sor.u32 $0xE00, s24;
	_ =	swait.ge [sflag:s3], $0x10000  }
0x59: {  	s25 =	sshrl.u32 s24, $0x3;
	[sflag:s3] =	ssyncset.done $0x0  }
0x5a: {  	s22 =	ssub.s32 $0x2, s22;
	s21 =	sadd.s32 s21, s25;
	[sflag:s3] =	ssyncadd.s32 $0xFFFF0000  }
0x5b: {  	[tilespmem:s2], [sflag:$0x2] =	stream.linear.gather [hbm4b:s21+s2], $0x200, $0x38;
	[tilespmem:$0x10200] =	vst v63  }
0x5c: {  	s29 =	sshrl.u32 s22, $0x1;
	_ =	swait.ge [sflag:s3], $0x200  }
0x5d: {  	s25 =	ssub.s32 s22, s29;
	[sflag:s3] =	ssyncset.done $0x0  }
0x5e: {  	s31 =	smax.u32 s25, $0x1;
	[sflag:s3] =	ssyncadd.s32 $0xFFFFFE00  }
0x5f: {  	[tilespmem:s6], [sflag:$0x1] =	stream.indirect.gather [hbm4b:s5+s6], $0x80, s2, s6, $0xb8;
	[tilespmem:$0x10200] =	vst v63  }
0x60: {  	p0 =	sne.s32 s31, $0x1;
	_ =	swait.ge [sflag:s7], $0x10000  }
.Ltmp0:
0x61: {  	s30 =	sshll.u32 s24, $0x4;
	[sflag:s7] =	ssyncset.done $0x0;
	(pc) =	sbr.rel @!p0 .LBB2_2-.Ltmp0, $4  }
0x62: {  	s22 =	sadd.s32 s23, s30;
	[sflag:s7] =	ssyncadd.s32 $0xFFFF0000  }
0x63: {  	[hbm4b:s22+s2] =	stream.linear.scatter [tilespmem:s6], [sflag:$0x2], $0x10000, $0x38;
	[tilespmem:$0x10200] =	vst v63  }
0x64: {  	_ =	swait.ge [sflag:s3], $0x10000  }
0x65: {  	s23 =	sadd.s32 $0xFFFFFFFF, s31;
	[sflag:s3] =	ssyncset.done $0x0  }
.LBB2_1:
0x66: {  	p0 =	sne.s32 s23, $0x1;
	s23 =	sadd.s32 $0xFFFFFFFF, s23;
	[sflag:s3] =	ssyncadd.s32 $0xFFFF0000  }
0x67: {  	[tilespmem:s2], [sflag:$0x2] =	stream.linear.gather [hbm4b:s4+s2], $0x200, $0x38;
	[tilespmem:$0x10200] =	vst v63  }
0x68: {  	_ =	swait.ge [sflag:s3], $0x200  }
0x69: {  	[sflag:s3] =	ssyncset.done $0x0  }
0x6a: {  	[sflag:s3] =	ssyncadd.s32 $0xFFFFFE00  }
0x6b: {  	[tilespmem:s6], [sflag:$0x1] =	stream.indirect.gather [hbm4b:s5+s6], $0x80, s2, s6, $0xb8;
	[tilespmem:$0x10200] =	vst v63  }
0x6c: {  	_ =	swait.ge [sflag:s7], $0x10000  }
0x6d: {  	[sflag:s7] =	ssyncset.done $0x0  }
0x6e: {  	[sflag:s7] =	ssyncadd.s32 $0xFFFF0000  }
0x6f: {  	[hbm4b:s8+s2] =	stream.linear.scatter [tilespmem:s6], [sflag:$0x2], $0x10000, $0x38;
	[tilespmem:$0x10200] =	vst v63  }
0x70: {  	_ =	swait.ge [sflag:s3], $0x10000  }
0x71: {  	[sflag:s3] =	ssyncset.done $0x0  }
0x72: {  	[sflag:s3] =	ssyncadd.s32 $0xFFFF0000  }
0x73: {  	[tilespmem:s2], [sflag:$0x2] =	stream.linear.gather [hbm4b:s9+s2], $0x200, $0x38;
	[tilespmem:$0x10200] =	vst v63  }
0x74: {  	_ =	swait.ge [sflag:s3], $0x200  }
0x75: {  	[sflag:s3] =	ssyncset.done $0x0  }
0x76: {  	[sflag:s3] =	ssyncadd.s32 $0xFFFFFE00  }
0x77: {  	[tilespmem:s6], [sflag:$0x1] =	stream.indirect.gather [hbm4b:s5+s6], $0x80, s2, s6, $0xb8;
	[tilespmem:$0x10200] =	vst v63  }
0x78: {  	_ =	swait.ge [sflag:s7], $0x10000  }
0x79: {  	[sflag:s7] =	ssyncset.done $0x0  }
0x7a: {  	[sflag:s7] =	ssyncadd.s32 $0xFFFF0000  }
0x7b: {  	[hbm4b:s10+s2] =	stream.linear.scatter [tilespmem:s6], [sflag:$0x2], $0x10000, $0x38;
	[tilespmem:$0x10200] =	vst v63  }
0x7c: {  	_ =	swait.ge [sflag:s3], $0x10000  }
0x7d: {  	[sflag:s3] =	ssyncset.done $0x0  }
0x7e: {  	[sflag:s3] =	ssyncadd.s32 $0xFFFF0000  }
0x7f: {  	[tilespmem:s2], [sflag:$0x2] =	stream.linear.gather [hbm4b:s11+s2], $0x200, $0x38;
	[tilespmem:$0x10200] =	vst v63  }
0x80: {  	_ =	swait.ge [sflag:s3], $0x200  }
0x81: {  	[sflag:s3] =	ssyncset.done $0x0  }
0x82: {  	[sflag:s3] =	ssyncadd.s32 $0xFFFFFE00  }
0x83: {  	[tilespmem:s6], [sflag:$0x1] =	stream.indirect.gather [hbm4b:s5+s6], $0x80, s2, s6, $0xb8;
	[tilespmem:$0x10200] =	vst v63  }
0x84: {  	_ =	swait.ge [sflag:s7], $0x10000  }
0x85: {  	[sflag:s7] =	ssyncset.done $0x0  }
0x86: {  	[sflag:s7] =	ssyncadd.s32 $0xFFFF0000  }
0x87: {  	[hbm4b:s12+s2] =	stream.linear.scatter [tilespmem:s6], [sflag:$0x2], $0x10000, $0x38;
	[tilespmem:$0x10200] =	vst v63  }
0x88: {  	_ =	swait.ge [sflag:s3], $0x10000  }
0x89: {  	[sflag:s3] =	ssyncset.done $0x0  }
0x8a: {  	[sflag:s3] =	ssyncadd.s32 $0xFFFF0000  }
0x8b: {  	[tilespmem:s2], [sflag:$0x2] =	stream.linear.gather [hbm4b:s13+s2], $0x200, $0x38;
	[tilespmem:$0x10200] =	vst v63  }
0x8c: {  	_ =	swait.ge [sflag:s3], $0x200  }
0x8d: {  	[sflag:s3] =	ssyncset.done $0x0  }
0x8e: {  	[sflag:s3] =	ssyncadd.s32 $0xFFFFFE00  }
0x8f: {  	[tilespmem:s6], [sflag:$0x1] =	stream.indirect.gather [hbm4b:s5+s6], $0x80, s2, s6, $0xb8;
	[tilespmem:$0x10200] =	vst v63  }
0x90: {  	_ =	swait.ge [sflag:s7], $0x10000  }
0x91: {  	[sflag:s7] =	ssyncset.done $0x0  }
0x92: {  	[sflag:s7] =	ssyncadd.s32 $0xFFFF0000  }
0x93: {  	[hbm4b:s14+s2] =	stream.linear.scatter [tilespmem:s6], [sflag:$0x2], $0x10000, $0x38;
	[tilespmem:$0x10200] =	vst v63  }
0x94: {  	_ =	swait.ge [sflag:s3], $0x10000  }
0x95: {  	[sflag:s3] =	ssyncset.done $0x0  }
0x96: {  	[sflag:s3] =	ssyncadd.s32 $0xFFFF0000  }
0x97: {  	[tilespmem:s2], [sflag:$0x2] =	stream.linear.gather [hbm4b:s15+s2], $0x200, $0x38;
	[tilespmem:$0x10200] =	vst v63  }
0x98: {  	_ =	swait.ge [sflag:s3], $0x200  }
0x99: {  	[sflag:s3] =	ssyncset.done $0x0  }
0x9a: {  	[sflag:s3] =	ssyncadd.s32 $0xFFFFFE00  }
0x9b: {  	[tilespmem:s6], [sflag:$0x1] =	stream.indirect.gather [hbm4b:s5+s6], $0x80, s2, s6, $0xb8;
	[tilespmem:$0x10200] =	vst v63  }
0x9c: {  	_ =	swait.ge [sflag:s7], $0x10000  }
0x9d: {  	[sflag:s7] =	ssyncset.done $0x0  }
0x9e: {  	[sflag:s7] =	ssyncadd.s32 $0xFFFF0000  }
0x9f: {  	[hbm4b:s16+s2] =	stream.linear.scatter [tilespmem:s6], [sflag:$0x2], $0x10000, $0x38;
	[tilespmem:$0x10200] =	vst v63  }
0xa0: {  	_ =	swait.ge [sflag:s3], $0x10000  }
0xa1: {  	[sflag:s3] =	ssyncset.done $0x0  }
0xa2: {  	[sflag:s3] =	ssyncadd.s32 $0xFFFF0000  }
0xa3: {  	[tilespmem:s2], [sflag:$0x2] =	stream.linear.gather [hbm4b:s17+s2], $0x200, $0x38;
	[tilespmem:$0x10200] =	vst v63  }
0xa4: {  	_ =	swait.ge [sflag:s3], $0x200  }
0xa5: {  	[sflag:s3] =	ssyncset.done $0x0  }
0xa6: {  	[sflag:s3] =	ssyncadd.s32 $0xFFFFFE00  }
0xa7: {  	[tilespmem:s6], [sflag:$0x1] =	stream.indirect.gather [hbm4b:s5+s6], $0x80, s2, s6, $0xb8;
	[tilespmem:$0x10200] =	vst v63  }
0xa8: {  	_ =	swait.ge [sflag:s7], $0x10000  }
0xa9: {  	[sflag:s7] =	ssyncset.done $0x0  }
0xaa: {  	[sflag:s7] =	ssyncadd.s32 $0xFFFF0000  }
0xab: {  	[hbm4b:s18+s2] =	stream.linear.scatter [tilespmem:s6], [sflag:$0x2], $0x10000, $0x38;
	[tilespmem:$0x10200] =	vst v63  }
0xac: {  	_ =	swait.ge [sflag:s3], $0x10000  }
0xad: {  	[sflag:s3] =	ssyncset.done $0x0  }
0xae: {  	[sflag:s3] =	ssyncadd.s32 $0xFFFF0000  }
0xaf: {  	[tilespmem:s2], [sflag:$0x2] =	stream.linear.gather [hbm4b:s19+s2], $0x200, $0x38;
	[tilespmem:$0x10200] =	vst v63  }
0xb0: {  	_ =	swait.ge [sflag:s3], $0x200  }
0xb1: {  	[sflag:s3] =	ssyncset.done $0x0  }
0xb2: {  	[sflag:s3] =	ssyncadd.s32 $0xFFFFFE00  }
0xb3: {  	[tilespmem:s6], [sflag:$0x1] =	stream.indirect.gather [hbm4b:s5+s6], $0x80, s2, s6, $0xb8;
	[tilespmem:$0x10200] =	vst v63  }
0xb4: {  	_ =	swait.ge [sflag:s7], $0x10000  }
0xb5: {  	[sflag:s7] =	ssyncset.done $0x0  }
0xb6: {  	[sflag:s7] =	ssyncadd.s32 $0xFFFF0000  }
0xb7: {  	[hbm4b:s20+s2] =	stream.linear.scatter [tilespmem:s6], [sflag:$0x2], $0x10000, $0x38;
	[tilespmem:$0x10200] =	vst v63  }
0xb8: {  	_ =	swait.ge [sflag:s3], $0x10000  }
0xb9: {  	[sflag:s3] =	ssyncset.done $0x0  }
0xba: {  	[sflag:s3] =	ssyncadd.s32 $0xFFFF0000  }
0xbb: {  	[tilespmem:s2], [sflag:$0x2] =	stream.linear.gather [hbm4b:s21+s2], $0x200, $0x38;
	[tilespmem:$0x10200] =	vst v63  }
0xbc: {  	_ =	swait.ge [sflag:s3], $0x200  }
0xbd: {  	[sflag:s3] =	ssyncset.done $0x0  }
0xbe: {  	[sflag:s3] =	ssyncadd.s32 $0xFFFFFE00  }
0xbf: {  	[tilespmem:s6], [sflag:$0x1] =	stream.indirect.gather [hbm4b:s5+s6], $0x80, s2, s6, $0xb8;
	[tilespmem:$0x10200] =	vst v63  }
0xc0: {  	_ =	swait.ge [sflag:s7], $0x10000  }
.Ltmp1:
0xc1: {  	[sflag:s7] =	ssyncset.done $0x0;
	(pc) =	sbr.rel @p0 .LBB2_1-.Ltmp1, $4  }
0xc2: {  	[sflag:s7] =	ssyncadd.s32 $0xFFFF0000  }
0xc3: {  	[hbm4b:s22+s2] =	stream.linear.scatter [tilespmem:s6], [sflag:$0x2], $0x10000, $0x38;
	[tilespmem:$0x10200] =	vst v63  }
0xc4: {  	_ =	swait.ge [sflag:s3], $0x10000  }
0xc5: {  	[sflag:s3] =	ssyncset.done $0x0  }
.LBB2_2:
0xc6: {  	[sflag:s3] =	ssyncadd.s32 $0xFFFF0000  }
0xc7: {  	_ =	sfence.sel $0x180000  }
0xc8: {  	[bflag:$0x0] =	sbarrier.arrive $0xFFFF  }
0xc9: {  	p0 =	sne.s32 s0, $0x0;
	_ =	strace $0x9000004A  }
0xca: {  	s0 =	sadd.s32 @!p0 $0x100000, s1;
	[bflag:$0x2] =	sbarrier.arrive $0xFFFF  }
0xcb: {  	[sflag:s0] =	ssyncadd.tile.s32 @!p0 $0x1;
	_ =	shalt  }
.Lfunc_end2:
_tile_overlayer_lowered:
.L_overlay_start_2:
0xcc: {  	(tag) =	ssettag $0x2  }
0xcd: {  	s0 =	rddreg [dreg:$0x0];
	s2 =	stileid.u32  }
0xce: {  	s1 =	rddreg [dreg:$0x1];
	p0 =	sne.s32 s2, $0x0  }
0xcf: {  	s3 =	rddreg [dreg:$0x2];
	[bflag:$0x3] =	sbarrier.arrive $0xFFFF;
	s2 =	simm.s32 @!p0 $0x1C02  }
0xd0: {  	[timem:s3], [sflag:s2] =	dma.local @!p0 [hbm:s0], s1  }
0xd1: {  	s0 =	simm.s32 @!p0 $0x2  }
0xd2: {  	_ =	swait.ge @!p0 [sflag:s0], s1  }
0xd3: {  	s1 =	ssub.s32 @!p0 $0x0, s1;
	[sflag:s0] =	ssyncset.done @!p0 $0x0  }
0xd4: {  	[sflag:s0] =	ssyncadd.s32 @!p0 s1  }
0xd5: {  	[bflag:$0x3] =	sbarrier.arrive $0xFFFF  }
0xd6: {  	_ =	shalt  }

// kernel: kernel.25.cloned.1.call-start
scs
__scs_entry_jumppad:
0x0: {  	(pc) =	sbr.rel $0x88, $3  }
0x1: {  	(tag) =	ssettag $0x0;
	lr =	simm.s32 $0x1  }
0x2: {  	[smem:$0x3F85] =	sst lr;
	_ =	strace $0xD0000000  }
0x3: {  	_ = 	snop  }
0x4: {  	_ = 	snop  }
0x5: {  	_ = 	snop  }
0x6: {  	_ = 	snop  }
0x7: {  	_ = 	snop  }
__scs_overlays_trampoline_lowered:
0x8: {  	[smem:$0x3F94] =	sst s0  }
0x9: {  	[smem:$0x3F95] =	sst s1  }
0xa: {  	[smem:$0x3F96] =	sst s2  }
0xb: {  	[smem:$0x3F97] =	sst s3  }
0xc: {  	[smem:$0x3F98] =	sst s4  }
0xd: {  	[smem:$0x3F99] =	sst s5  }
0xe: {  	[smem:$0x3F9A] =	sst s6  }
0xf: {  	[smem:$0x3F9B] =	sst s7  }
0x10: {  	[smem:$0x3F9C] =	sst s8  }
0x11: {  	[smem:$0x3F9D] =	sst s9;
	s0 =	simm.s32 @!p0 $0x0  }
0x12: {  	s1 =	sld [smem:$0x3F83];
	s0 =	simm.s32 @p0 $0x1  }
0x13: {  	[smem:$0x3F9E] =	sst s0;
	s0 =	simm.s32 @!p1 $0x0  }
0x14: {  	s2 =	sld [smem:$0x3F82];
	s0 =	simm.s32 @p1 $0x1  }
0x15: {  	[smem:$0x3F9F] =	sst s0;
	s0 =	simm.s32 @!p2 $0x0  }
0x16: {  	s3 =	sld [smem:$0x3FDB];
	s0 =	simm.s32 @p2 $0x1  }
0x17: {  	s4 =	simm.s32 $0x1BF5;
	[smem:$0x3FA1] =	sst s0  }
0x18: {  	s0 =	sld [smem:$0x3F84];
	_ =	swait.ge [sflag:s4], $0x0  }
0x19: {  	s7 =	sld [smem:$0x3F85]  }
0x1a: {  	s8 =	sadd.s32 $0xFFFFE003, lr  }
0x1b: {  	s9 =	sadd.s32 $0xFFFFFEF7, lr;
	s5 =	simm.s32 $0xFFFFFFFF;
	p2 =	slt.u32 s8, $0xFFFFF086  }
0x1c: {  	p1 =	slt.u32 s9, $0xF7A;
	s5 =	simm.s32 @!p2 $0x0  }
0x1d: {  	s5 =	simm.s32 @p1 $0x1;
	p0 =	seq.s32 s7, s2  }
0x1e: {  	s7 =	smul.u32 @!p0 $0xF7A, s2;
	p2 =	seq.s32 @!p0 s5, $0x0  }
0x1f: {  	s9 =	smul.u32 $0xF7A, s1;
	s8 =	simm.s32 @!p0 $0x1BF5;
	p2 =	por !p2, p0  }
0x20: {  	[sflag:s8] =	ssyncset.s32 @!p0 $0xFFFFF086;
	s6 =	sadd.s32 @!p0 s3, s7;
	s7 =	simm.s32 @!p0 $0x108  }
0x21: {  	s3 =	sadd.s32 s3, s9;
	s6 =	sadd.s32 @!p0 $0x88, s6;
	s7 =	simm.s32 @p2 $0x1082  }
0x22: {  	[simem:s7], [sflag:s8] =	dma.local @!p0 [hbm:s6], $0xF7A  }
0x23: {  	s9 =	sor.u32 $0xD0000000, s2;
	s6 =	simm.s32 $0x108;
	_ =	swait.ge @!p0 [sflag:s8], $0x0  }
0x24: {  	s3 =	sadd.s32 $0x88, s3;
	s6 =	simm.s32 @!p1 $0x1082;
	[sflag:s4] =	ssyncset.s32 $0xFFFFF086  }
0x25: {  	[simem:s6], [sflag:s4] =	dma.local [hbm:s3], $0xF7A  }
0x26: {  	[smem:$0x3F85] =	sst s1;
	(tag) =	ssettag s2;
	_ =	strace s9  }
0x27: {  	s1 =	sld [smem:$0x3F95]  }
0x28: {  	s2 =	sld [smem:$0x3F96]  }
0x29: {  	s4 =	sld [smem:$0x3F98]  }
0x2a: {  	p0 =	seq.s32 s5, $0x0;
	s5 =	sld [smem:$0x3F99]  }
0x2b: {  	s6 =	sld [smem:$0x3F9A]  }
0x2c: {  	s7 =	sld [smem:$0x3F9B]  }
0x2d: {  	s3 =	simm.s32 $0x108;
	s8 =	sld [smem:$0x3F9C]  }
0x2e: {  	s3 =	simm.s32 @!p0 $0x1082;
	s9 =	sld [smem:$0x3F9D]  }
0x2f: {  	lr =	sadd.s32 s0, s3;
	s0 =	sld [smem:$0x3F94]  }
0x30: {  	s3 =	sld [smem:$0x3F97]  }
0x31: {  	[smem:$0x3FA0] =	sst s10  }
0x32: {  	s10 =	sld [smem:$0x3F9E];
	_ =	sdelay $0x3  }
0x33: {  	p0 =	seq.s32 s10, $0x1;
	s10 =	sld [smem:$0x3FA0];
	_ =	sdelay $0x3  }
0x34: {  	[smem:$0x3FA0] =	sst s10  }
0x35: {  	s10 =	sld [smem:$0x3F9F];
	_ =	sdelay $0x3  }
0x36: {  	p1 =	seq.s32 s10, $0x1;
	s10 =	sld [smem:$0x3FA0];
	_ =	sdelay $0x3  }
0x37: {  	[smem:$0x3FA0] =	sst s10  }
0x38: {  	s10 =	sld [smem:$0x3FA1]  }
0x39: {  	_ = 	snop;
	(pc) =	sbr.ind lr, $3  }
0x3a: {  	_ = 	snop  }
0x3b: {  	_ = 	snop  }
0x3c: {  	p2 =	seq.s32 s10, $0x1;
	s10 =	sld [smem:$0x3FA0]  }
0x3d: {  	_ =	shalt  }
0x3e: {  	_ =	shalt  }
0x3f: {  	_ =	shalt  }
0x40: {  	_ =	shalt  }
0x41: {  	_ =	shalt  }
0x42: {  	_ =	shalt  }
0x43: {  	_ =	shalt  }
0x44: {  	_ =	shalt  }
0x45: {  	_ =	shalt  }
0x46: {  	_ =	shalt  }
0x47: {  	_ =	shalt  }
0x48: {  	_ =	shalt  }
0x49: {  	_ =	shalt  }
0x4a: {  	_ =	shalt  }
0x4b: {  	_ =	shalt  }
0x4c: {  	_ =	shalt  }
0x4d: {  	_ =	shalt  }
0x4e: {  	_ =	shalt  }
0x4f: {  	_ =	shalt  }
0x50: {  	_ =	shalt  }
0x51: {  	_ =	shalt  }
0x52: {  	_ =	shalt  }
0x53: {  	_ =	shalt  }
0x54: {  	_ =	shalt  }
0x55: {  	_ =	shalt  }
0x56: {  	_ =	shalt  }
0x57: {  	_ =	shalt  }
0x58: {  	_ =	shalt  }
0x59: {  	_ =	shalt  }
0x5a: {  	_ =	shalt  }
0x5b: {  	_ =	shalt  }
0x5c: {  	_ =	shalt  }
0x5d: {  	_ =	shalt  }
0x5e: {  	_ =	shalt  }
0x5f: {  	_ =	shalt  }
0x60: {  	_ =	shalt  }
0x61: {  	_ =	shalt  }
0x62: {  	_ =	shalt  }
0x63: {  	_ =	shalt  }
0x64: {  	_ =	shalt  }
0x65: {  	_ =	shalt  }
0x66: {  	_ =	shalt  }
0x67: {  	_ =	shalt  }
0x68: {  	_ =	shalt  }
0x69: {  	_ =	shalt  }
0x6a: {  	_ =	shalt  }
0x6b: {  	_ =	shalt  }
0x6c: {  	_ =	shalt  }
0x6d: {  	_ =	shalt  }
0x6e: {  	_ =	shalt  }
0x6f: {  	_ =	shalt  }
0x70: {  	_ =	shalt  }
0x71: {  	_ =	shalt  }
0x72: {  	_ =	shalt  }
0x73: {  	_ =	shalt  }
0x74: {  	_ =	shalt  }
0x75: {  	_ =	shalt  }
0x76: {  	_ =	shalt  }
0x77: {  	_ =	shalt  }
0x78: {  	_ =	shalt  }
0x79: {  	_ =	shalt  }
0x7a: {  	_ =	shalt  }
0x7b: {  	_ =	shalt  }
0x7c: {  	_ =	shalt  }
0x7d: {  	_ =	shalt  }
0x7e: {  	_ =	shalt  }
0x7f: {  	_ =	shalt  }
0x80: {  	_ =	shalt  }
0x81: {  	_ =	shalt  }
0x82: {  	_ =	shalt  }
0x83: {  	_ =	shalt  }
0x84: {  	_ =	shalt  }
0x85: {  	_ =	shalt  }
0x86: {  	_ =	shalt  }
0x87: {  	_ =	shalt  }
.Lfunc_end0:
.L_simem_size_0:
called_computation.2_lowered:
.L_overlay_start_0:
0x88: {  	s2 =	sld [smem:$0x3FD9]  }
0x89: {  	s3 =	sld [smem:$0x3FFE];
	_ =	sdelay $0x1  }
0x8a: {  	s1 =	srdreg.scid  }
0x8b: {  	s0 =	sand.u32 $0x1, s1  }
0x8c: {  	s16 =	sshll.u32 s0, $0xA;
	s2 =	sadd.s32 s3, s2  }
0x8d: {  	s2 =	sadd.s32 s2, s16  }
0x8e: {  	[smem:$0x3FAC] =	sst s2  }
0x8f: {  	_ = 	snop  }
0x90: {  	(tm) =	ssettm $0x1  }
0x91: {  	s17 =	sld [smem:$0x3FFB];
	_ =	sdelay $0x3  }
0x92: {  	_ =	strace s17  }
0x93: {  	s2 =	sld [smem:$0x3FFC];
	_ =	sdelay $0x3  }
0x94: {  	_ =	strace s2  }
0x95: {  	s2 =	sld [smem:$0x3FFD];
	_ =	sdelay $0x3  }
0x96: {  	_ =	strace s2  }
0x97: {  	_ =	strace $0x8FFFFFFF  }
0x98: {  	s18 =	sld [smem:$0x3FDB];
	_ =	sdelay $0x1  }
0x99: {  	s19 =	simm.s32 $_scs_section_size  }
0x9a: {  	s4 =	simm.s32 $_size__tile_overlayer_lowered;
	s5 =	simm.s32 $_tile_overlayer_lowered  }
0x9b: {  	s22 =	simm.s32 $0x1BFF;
	s21 =	sshll.u32 s5, $0x1;
	s2 =	sadd.s32 s19, s18  }
0x9c: {  	s6 =	simm.s32 $0x0;
	s20 =	sshll.u32 s4, $0x1;
	s4 =	sadd.s32 s21, s2  }
0x9d: {  	[timem:s6], [sflag:s22] =	dma.local [hbm:s4], s20  }
0x9e: {  	_ =	swait.ge [sflag:s22], s20  }
0x9f: {  	s3 =	ssub.s32 $0x0, s20;
	[sflag:s22] =	ssyncset.done $0x0  }
0xa0: {  	[sflag:s22] =	ssyncadd.s32 s3;
	_ =	sdelay $0x1  }
0xa1: {  	s23 =	simm.s32 $0x1B8B  }
0xa2: {  	_ =	swait.ge [sflag:s23], $0x1  }
0xa3: {  	[sflag:s23] =	ssyncset.done $0x0  }
0xa4: {  	s25 =	simm.s32 $0x1B8E;
	s24 =	sld [smem:$0x3FFE];
	[sflag:s23] =	ssyncadd.s32 $0xFFFFFFFF  }
0xa5: {  	s26 =	simm.s32 $execute0_lowered;
	[smem:$0x3FD2] =	sst s25  }
0xa6: {  	s4 =	sshll.u32 s26, $0x1;
	_ =	strace $0x8000004C;
	[dreg:$0x1] =	wrdreg $0xFFFFFFFF  }
0xa7: {  	s28 =	simm.s32 $_size_execute0_lowered;
	s2 =	sadd.s32 s2, s4;
	[dreg:$0x0] =	wrdreg $0x0  }
0xa8: {  	s4 =	sshll.u32 s28, $0x1;
	[dreg:$0x2] =	wrdreg s2  }
0xa9: {  	[dreg:$0x3] =	wrdreg s4  }
0xaa: {  	[dreg:$0x4] =	wrdreg $0xC0  }
0xab: {  	_ =	task [dreg:s6], $0x5FFFF  }
0xac: {  	[dreg:$0x1] =	wrdreg $0xFFFFFFFF  }
0xad: {  	[dreg:$0x0] =	wrdreg $0x60  }
0xae: {  	[dreg:$0x2] =	wrdreg s24  }
0xaf: {  	[dreg:$0x3] =	wrdreg $0x9  }
0xb0: {  	_ =	task.clear_ibuf [dreg:s6], $0x4FFFF;
	_ =	strace $0x9000004C  }
0xb1: {  	s29 =	simm.s32 $0x9;
	_ =	strace $0x8000004E  }
0xb2: {  	_ =	swait.ge [sflag:s29], $0x1  }
0xb3: {  	[sflag:s29] =	ssyncadd.s32 $0xFFFFFFFF  }
0xb4: {  	_ =	strace $0x9000004E  }
0xb5: {  	_ =	sfence  }
0xb6: {  	s30 =	sld [smem:$0x0];
	_ =	sdelay $0x2  }
0xb7: {  	s31 =	sshll.u32 s1, $0xD;
	s1 =	sshrl.u32 s1, $0x2  }
0xb8: {  	s3 =	sand.u32 $0x4000, s31;
	s1 =	sadd.s32 s1, s30  }
0xb9: {  	s0 =	sor.u32 s3, s0;
	s1 =	sshll.u32 s1, $0x11  }
0xba: {  	s0 =	sor.u32 s1, s0  }
0xbb: {  	s0 =	sadd.s32 $0x8F2B, s0  }
0xbc: {  	[sflag:s0] =	ssyncadd.remote.s32 $0x1  }
0xbd: {  	_ =	sfence.sel $0xFFFF  }
0xbe: {  	[dreg:$0x0] =	wrdreg $0xFFFFFFFF;
	(pc) =	sbr.abs _section_cstart, $3  }
0xbf: {  	[dreg:$0x1] =	wrdreg $0xFFFFFFFF  }
0xc0: {  	_ =	task.clear_ibuf [dreg:s6], $0x2FFFF;
	_ =	strace $0x9FFFFFFF  }
0xc1: {  	(tm) =	ssettm $0x7FFFFFFF  }
tec
execute0_lowered:
.L_overlay_start_1:
0x0: {  	(tag) =	ssettag $0x1  }
0x1: {  	s1 =	srdreg.scid  }
0x2: {  	s0 =	stileid.u32;
	s22 =	sand.u32 $0x1, s1  }
0x3: {  	s8 =	rddreg [dreg:$0x0];
	s3 =	sshll.u32 s0, $0xD;
	s4 =	sshll.u32 s22, $0xC  }
0x4: {  	s2 =	simm.s32 $0x0;
	s1 =	rddreg [dreg:$0x1];
	s24 =	sor.u32 s4, s3  }
0x5: {  	[smem:$0x7FF] =	sst s2;
	s21 =	sadd.s32 $0xA200, s8;
	s3 =	sshrl.u32 s24, $0x3  }
0x6: {  	_ =	strace $0x8000004D;
	s4 =	sadd.s32 s21, s3;
	s3 =	simm.s32 $0x2  }
0x7: {  	[tilespmem:s2], [sflag:$0x2] =	stream.linear.gather [hbm4b:s4+s2], $0x200, $0x38;
	[tilespmem:$0x10200] =	vst v63  }
0x8: {  	_ =	swait.ge [sflag:s3], $0x200  }
0x9: {  	s6 =	simm.s32 $0x200;
	[sflag:s3] =	ssyncset.done $0x0  }
0xa: {  	s7 =	simm.s32 $0x1;
	s5 =	sadd.s32 $0x293400, s8;
	[sflag:s3] =	ssyncadd.s32 $0xFFFFFE00  }
0xb: {  	[tilespmem:s6], [sflag:$0x1] =	stream.indirect.gather [hbm4b:s5+s6], $0x80, s2, s6, $0xb8;
	[tilespmem:$0x10200] =	vst v63  }
0xc: {  	_ =	swait.ge [sflag:s7], $0x10000  }
0xd: {  	s23 =	sadd.s32 $0xE600, s8;
	s28 =	sshll.u32 s24, $0x4;
	[sflag:s7] =	ssyncset.done $0x0  }
0xe: {  	s8 =	sadd.s32 s23, s28;
	[sflag:s7] =	ssyncadd.s32 $0xFFFF0000  }
0xf: {  	[hbm4b:s8+s2] =	stream.linear.scatter [tilespmem:s6], [sflag:$0x2], $0x10000, $0x38;
	[tilespmem:$0x10200] =	vst v63  }
0x10: {  	s10 =	sor.u32 $0x200, s24;
	_ =	swait.ge [sflag:s3], $0x10000  }
0x11: {  	s9 =	sshrl.u32 s10, $0x3;
	[sflag:s3] =	ssyncset.done $0x0  }
0x12: {  	s9 =	sadd.s32 s21, s9;
	[sflag:s3] =	ssyncadd.s32 $0xFFFF0000  }
0x13: {  	[tilespmem:s2], [sflag:$0x2] =	stream.linear.gather [hbm4b:s9+s2], $0x200, $0x38;
	[tilespmem:$0x10200] =	vst v63  }
0x14: {  	_ =	swait.ge [sflag:s3], $0x200  }
0x15: {  	[sflag:s3] =	ssyncset.done $0x0  }
0x16: {  	[sflag:s3] =	ssyncadd.s32 $0xFFFFFE00  }
0x17: {  	[tilespmem:s6], [sflag:$0x1] =	stream.indirect.gather [hbm4b:s5+s6], $0x80, s2, s6, $0xb8;
	[tilespmem:$0x10200] =	vst v63  }
0x18: {  	_ =	swait.ge [sflag:s7], $0x10000  }
0x19: {  	s10 =	sshll.u32 s10, $0x4;
	[sflag:s7] =	ssyncset.done $0x0  }
0x1a: {  	s10 =	sadd.s32 s23, s10;
	[sflag:s7] =	ssyncadd.s32 $0xFFFF0000  }
0x1b: {  	[hbm4b:s10+s2] =	stream.linear.scatter [tilespmem:s6], [sflag:$0x2], $0x10000, $0x38;
	[tilespmem:$0x10200] =	vst v63  }
0x1c: {  	s12 =	sor.u32 $0x400, s24;
	_ =	swait.ge [sflag:s3], $0x10000  }
0x1d: {  	s11 =	sshrl.u32 s12, $0x3;
	[sflag:s3] =	ssyncset.done $0x0  }
0x1e: {  	s11 =	sadd.s32 s21, s11;
	[sflag:s3] =	ssyncadd.s32 $0xFFFF0000  }
0x1f: {  	[tilespmem:s2], [sflag:$0x2] =	stream.linear.gather [hbm4b:s11+s2], $0x200, $0x38;
	[tilespmem:$0x10200] =	vst v63  }
0x20: {  	_ =	swait.ge [sflag:s3], $0x200  }
0x21: {  	[sflag:s3] =	ssyncset.done $0x0  }
0x22: {  	[sflag:s3] =	ssyncadd.s32 $0xFFFFFE00  }
0x23: {  	[tilespmem:s6], [sflag:$0x1] =	stream.indirect.gather [hbm4b:s5+s6], $0x80, s2, s6, $0xb8;
	[tilespmem:$0x10200] =	vst v63  }
0x24: {  	_ =	swait.ge [sflag:s7], $0x10000  }
0x25: {  	s12 =	sshll.u32 s12, $0x4;
	[sflag:s7] =	ssyncset.done $0x0  }
0x26: {  	s12 =	sadd.s32 s23, s12;
	[sflag:s7] =	ssyncadd.s32 $0xFFFF0000  }
0x27: {  	[hbm4b:s12+s2] =	stream.linear.scatter [tilespmem:s6], [sflag:$0x2], $0x10000, $0x38;
	[tilespmem:$0x10200] =	vst v63  }
0x28: {  	s14 =	sor.u32 $0x600, s24;
	_ =	swait.ge [sflag:s3], $0x10000  }
0x29: {  	s13 =	sshrl.u32 s14, $0x3;
	[sflag:s3] =	ssyncset.done $0x0  }
0x2a: {  	s13 =	sadd.s32 s21, s13;
	[sflag:s3] =	ssyncadd.s32 $0xFFFF0000  }
0x2b: {  	[tilespmem:s2], [sflag:$0x2] =	stream.linear.gather [hbm4b:s13+s2], $0x200, $0x38;
	[tilespmem:$0x10200] =	vst v63  }
0x2c: {  	_ =	swait.ge [sflag:s3], $0x200  }
0x2d: {  	[sflag:s3] =	ssyncset.done $0x0  }
0x2e: {  	[sflag:s3] =	ssyncadd.s32 $0xFFFFFE00  }
0x2f: {  	[tilespmem:s6], [sflag:$0x1] =	stream.indirect.gather [hbm4b:s5+s6], $0x80, s2, s6, $0xb8;
	[tilespmem:$0x10200] =	vst v63  }
0x30: {  	_ =	swait.ge [sflag:s7], $0x10000  }
0x31: {  	s14 =	sshll.u32 s14, $0x4;
	[sflag:s7] =	ssyncset.done $0x0  }
0x32: {  	s14 =	sadd.s32 s23, s14;
	[sflag:s7] =	ssyncadd.s32 $0xFFFF0000  }
0x33: {  	[hbm4b:s14+s2] =	stream.linear.scatter [tilespmem:s6], [sflag:$0x2], $0x10000, $0x38;
	[tilespmem:$0x10200] =	vst v63  }
0x34: {  	s16 =	sor.u32 $0x800, s24;
	_ =	swait.ge [sflag:s3], $0x10000  }
0x35: {  	s15 =	sshrl.u32 s16, $0x3;
	[sflag:s3] =	ssyncset.done $0x0  }
0x36: {  	s15 =	sadd.s32 s21, s15;
	[sflag:s3] =	ssyncadd.s32 $0xFFFF0000  }
0x37: {  	[tilespmem:s2], [sflag:$0x2] =	stream.linear.gather [hbm4b:s15+s2], $0x200, $0x38;
	[tilespmem:$0x10200] =	vst v63  }
0x38: {  	_ =	swait.ge [sflag:s3], $0x200  }
0x39: {  	[sflag:s3] =	ssyncset.done $0x0  }
0x3a: {  	[sflag:s3] =	ssyncadd.s32 $0xFFFFFE00  }
0x3b: {  	[tilespmem:s6], [sflag:$0x1] =	stream.indirect.gather [hbm4b:s5+s6], $0x80, s2, s6, $0xb8;
	[tilespmem:$0x10200] =	vst v63  }
0x3c: {  	_ =	swait.ge [sflag:s7], $0x10000  }
0x3d: {  	s16 =	sshll.u32 s16, $0x4;
	[sflag:s7] =	ssyncset.done $0x0  }
0x3e: {  	s16 =	sadd.s32 s23, s16;
	[sflag:s7] =	ssyncadd.s32 $0xFFFF0000  }
0x3f: {  	[hbm4b:s16+s2] =	stream.linear.scatter [tilespmem:s6], [sflag:$0x2], $0x10000, $0x38;
	[tilespmem:$0x10200] =	vst v63  }
0x40: {  	s18 =	sor.u32 $0xA00, s24;
	_ =	swait.ge [sflag:s3], $0x10000  }
0x41: {  	s17 =	sshrl.u32 s18, $0x3;
	[sflag:s3] =	ssyncset.done $0x0  }
0x42: {  	s17 =	sadd.s32 s21, s17;
	[sflag:s3] =	ssyncadd.s32 $0xFFFF0000  }
0x43: {  	[tilespmem:s2], [sflag:$0x2] =	stream.linear.gather [hbm4b:s17+s2], $0x200, $0x38;
	[tilespmem:$0x10200] =	vst v63  }
0x44: {  	_ =	swait.ge [sflag:s3], $0x200  }
0x45: {  	[sflag:s3] =	ssyncset.done $0x0  }
0x46: {  	[sflag:s3] =	ssyncadd.s32 $0xFFFFFE00  }
0x47: {  	[tilespmem:s6], [sflag:$0x1] =	stream.indirect.gather [hbm4b:s5+s6], $0x80, s2, s6, $0xb8;
	[tilespmem:$0x10200] =	vst v63  }
0x48: {  	_ =	swait.ge [sflag:s7], $0x10000  }
0x49: {  	s18 =	sshll.u32 s18, $0x4;
	[sflag:s7] =	ssyncset.done $0x0  }
0x4a: {  	s18 =	sadd.s32 s23, s18;
	[sflag:s7] =	ssyncadd.s32 $0xFFFF0000  }
0x4b: {  	[hbm4b:s18+s2] =	stream.linear.scatter [tilespmem:s6], [sflag:$0x2], $0x10000, $0x38;
	[tilespmem:$0x10200] =	vst v63  }
0x4c: {  	s20 =	sor.u32 $0xC00, s24;
	_ =	swait.ge [sflag:s3], $0x10000  }
0x4d: {  	s19 =	sshrl.u32 s20, $0x3;
	[sflag:s3] =	ssyncset.done $0x0  }
0x4e: {  	s19 =	sadd.s32 s21, s19;
	[sflag:s3] =	ssyncadd.s32 $0xFFFF0000  }
0x4f: {  	[tilespmem:s2], [sflag:$0x2] =	stream.linear.gather [hbm4b:s19+s2], $0x200, $0x38;
	[tilespmem:$0x10200] =	vst v63  }
0x50: {  	_ =	swait.ge [sflag:s3], $0x200  }
0x51: {  	[sflag:s3] =	ssyncset.done $0x0  }
0x52: {  	[sflag:s3] =	ssyncadd.s32 $0xFFFFFE00  }
0x53: {  	[tilespmem:s6], [sflag:$0x1] =	stream.indirect.gather [hbm4b:s5+s6], $0x80, s2, s6, $0xb8;
	[tilespmem:$0x10200] =	vst v63  }
0x54: {  	_ =	swait.ge [sflag:s7], $0x10000  }
0x55: {  	s20 =	sshll.u32 s20, $0x4;
	[sflag:s7] =	ssyncset.done $0x0  }
0x56: {  	s20 =	sadd.s32 s23, s20;
	[sflag:s7] =	ssyncadd.s32 $0xFFFF0000  }
0x57: {  	[hbm4b:s20+s2] =	stream.linear.scatter [tilespmem:s6], [sflag:$0x2], $0x10000, $0x38;
	[tilespmem:$0x10200] =	vst v63  }
0x58: {  	s24 =	sor.u32 $0xE00, s24;
	_ =	swait.ge [sflag:s3], $0x10000  }
0x59: {  	s25 =	sshrl.u32 s24, $0x3;
	[sflag:s3] =	ssyncset.done $0x0  }
0x5a: {  	s22 =	ssub.s32 $0x2, s22;
	s21 =	sadd.s32 s21, s25;
	[sflag:s3] =	ssyncadd.s32 $0xFFFF0000  }
0x5b: {  	[tilespmem:s2], [sflag:$0x2] =	stream.linear.gather [hbm4b:s21+s2], $0x200, $0x38;
	[tilespmem:$0x10200] =	vst v63  }
0x5c: {  	s29 =	sshrl.u32 s22, $0x1;
	_ =	swait.ge [sflag:s3], $0x200  }
0x5d: {  	s25 =	ssub.s32 s22, s29;
	[sflag:s3] =	ssyncset.done $0x0  }
0x5e: {  	s31 =	smax.u32 s25, $0x1;
	[sflag:s3] =	ssyncadd.s32 $0xFFFFFE00  }
0x5f: {  	[tilespmem:s6], [sflag:$0x1] =	stream.indirect.gather [hbm4b:s5+s6], $0x80, s2, s6, $0xb8;
	[tilespmem:$0x10200] =	vst v63  }
0x60: {  	p0 =	sne.s32 s31, $0x1;
	_ =	swait.ge [sflag:s7], $0x10000  }
.Ltmp0:
0x61: {  	s30 =	sshll.u32 s24, $0x4;
	[sflag:s7] =	ssyncset.done $0x0;
	(pc) =	sbr.rel @!p0 .LBB2_2-.Ltmp0, $4  }
0x62: {  	s22 =	sadd.s32 s23, s30;
	[sflag:s7] =	ssyncadd.s32 $0xFFFF0000  }
0x63: {  	[hbm4b:s22+s2] =	stream.linear.scatter [tilespmem:s6], [sflag:$0x2], $0x10000, $0x38;
	[tilespmem:$0x10200] =	vst v63  }
0x64: {  	_ =	swait.ge [sflag:s3], $0x10000  }
0x65: {  	s23 =	sadd.s32 $0xFFFFFFFF, s31;
	[sflag:s3] =	ssyncset.done $0x0  }
.LBB2_1:
0x66: {  	p0 =	sne.s32 s23, $0x1;
	s23 =	sadd.s32 $0xFFFFFFFF, s23;
	[sflag:s3] =	ssyncadd.s32 $0xFFFF0000  }
0x67: {  	[tilespmem:s2], [sflag:$0x2] =	stream.linear.gather [hbm4b:s4+s2], $0x200, $0x38;
	[tilespmem:$0x10200] =	vst v63  }
0x68: {  	_ =	swait.ge [sflag:s3], $0x200  }
0x69: {  	[sflag:s3] =	ssyncset.done $0x0  }
0x6a: {  	[sflag:s3] =	ssyncadd.s32 $0xFFFFFE00  }
0x6b: {  	[tilespmem:s6], [sflag:$0x1] =	stream.indirect.gather [hbm4b:s5+s6], $0x80, s2, s6, $0xb8;
	[tilespmem:$0x10200] =	vst v63  }
0x6c: {  	_ =	swait.ge [sflag:s7], $0x10000  }
0x6d: {  	[sflag:s7] =	ssyncset.done $0x0  }
0x6e: {  	[sflag:s7] =	ssyncadd.s32 $0xFFFF0000  }
0x6f: {  	[hbm4b:s8+s2] =	stream.linear.scatter [tilespmem:s6], [sflag:$0x2], $0x10000, $0x38;
	[tilespmem:$0x10200] =	vst v63  }
0x70: {  	_ =	swait.ge [sflag:s3], $0x10000  }
0x71: {  	[sflag:s3] =	ssyncset.done $0x0  }
0x72: {  	[sflag:s3] =	ssyncadd.s32 $0xFFFF0000  }
0x73: {  	[tilespmem:s2], [sflag:$0x2] =	stream.linear.gather [hbm4b:s9+s2], $0x200, $0x38;
	[tilespmem:$0x10200] =	vst v63  }
0x74: {  	_ =	swait.ge [sflag:s3], $0x200  }
0x75: {  	[sflag:s3] =	ssyncset.done $0x0  }
0x76: {  	[sflag:s3] =	ssyncadd.s32 $0xFFFFFE00  }
0x77: {  	[tilespmem:s6], [sflag:$0x1] =	stream.indirect.gather [hbm4b:s5+s6], $0x80, s2, s6, $0xb8;
	[tilespmem:$0x10200] =	vst v63  }
0x78: {  	_ =	swait.ge [sflag:s7], $0x10000  }
0x79: {  	[sflag:s7] =	ssyncset.done $0x0  }
0x7a: {  	[sflag:s7] =	ssyncadd.s32 $0xFFFF0000  }
0x7b: {  	[hbm4b:s10+s2] =	stream.linear.scatter [tilespmem:s6], [sflag:$0x2], $0x10000, $0x38;
	[tilespmem:$0x10200] =	vst v63  }
0x7c: {  	_ =	swait.ge [sflag:s3], $0x10000  }
0x7d: {  	[sflag:s3] =	ssyncset.done $0x0  }
0x7e: {  	[sflag:s3] =	ssyncadd.s32 $0xFFFF0000  }
0x7f: {  	[tilespmem:s2], [sflag:$0x2] =	stream.linear.gather [hbm4b:s11+s2], $0x200, $0x38;
	[tilespmem:$0x10200] =	vst v63  }
0x80: {  	_ =	swait.ge [sflag:s3], $0x200  }
0x81: {  	[sflag:s3] =	ssyncset.done $0x0  }
0x82: {  	[sflag:s3] =	ssyncadd.s32 $0xFFFFFE00  }
0x83: {  	[tilespmem:s6], [sflag:$0x1] =	stream.indirect.gather [hbm4b:s5+s6], $0x80, s2, s6, $0xb8;
	[tilespmem:$0x10200] =	vst v63  }
0x84: {  	_ =	swait.ge [sflag:s7], $0x10000  }
0x85: {  	[sflag:s7] =	ssyncset.done $0x0  }
0x86: {  	[sflag:s7] =	ssyncadd.s32 $0xFFFF0000  }
0x87: {  	[hbm4b:s12+s2] =	stream.linear.scatter [tilespmem:s6], [sflag:$0x2], $0x10000, $0x38;
	[tilespmem:$0x10200] =	vst v63  }
0x88: {  	_ =	swait.ge [sflag:s3], $0x10000  }
0x89: {  	[sflag:s3] =	ssyncset.done $0x0  }
0x8a: {  	[sflag:s3] =	ssyncadd.s32 $0xFFFF0000  }
0x8b: {  	[tilespmem:s2], [sflag:$0x2] =	stream.linear.gather [hbm4b:s13+s2], $0x200, $0x38;
	[tilespmem:$0x10200] =	vst v63  }
0x8c: {  	_ =	swait.ge [sflag:s3], $0x200  }
0x8d: {  	[sflag:s3] =	ssyncset.done $0x0  }
0x8e: {  	[sflag:s3] =	ssyncadd.s32 $0xFFFFFE00  }
0x8f: {  	[tilespmem:s6], [sflag:$0x1] =	stream.indirect.gather [hbm4b:s5+s6], $0x80, s2, s6, $0xb8;
	[tilespmem:$0x10200] =	vst v63  }
0x90: {  	_ =	swait.ge [sflag:s7], $0x10000  }
0x91: {  	[sflag:s7] =	ssyncset.done $0x0  }
0x92: {  	[sflag:s7] =	ssyncadd.s32 $0xFFFF0000  }
0x93: {  	[hbm4b:s14+s2] =	stream.linear.scatter [tilespmem:s6], [sflag:$0x2], $0x10000, $0x38;
	[tilespmem:$0x10200] =	vst v63  }
0x94: {  	_ =	swait.ge [sflag:s3], $0x10000  }
0x95: {  	[sflag:s3] =	ssyncset.done $0x0  }
0x96: {  	[sflag:s3] =	ssyncadd.s32 $0xFFFF0000  }
0x97: {  	[tilespmem:s2], [sflag:$0x2] =	stream.linear.gather [hbm4b:s15+s2], $0x200, $0x38;
	[tilespmem:$0x10200] =	vst v63  }
0x98: {  	_ =	swait.ge [sflag:s3], $0x200  }
0x99: {  	[sflag:s3] =	ssyncset.done $0x0  }
0x9a: {  	[sflag:s3] =	ssyncadd.s32 $0xFFFFFE00  }
0x9b: {  	[tilespmem:s6], [sflag:$0x1] =	stream.indirect.gather [hbm4b:s5+s6], $0x80, s2, s6, $0xb8;
	[tilespmem:$0x10200] =	vst v63  }
0x9c: {  	_ =	swait.ge [sflag:s7], $0x10000  }
0x9d: {  	[sflag:s7] =	ssyncset.done $0x0  }
0x9e: {  	[sflag:s7] =	ssyncadd.s32 $0xFFFF0000  }
0x9f: {  	[hbm4b:s16+s2] =	stream.linear.scatter [tilespmem:s6], [sflag:$0x2], $0x10000, $0x38;
	[tilespmem:$0x10200] =	vst v63  }
0xa0: {  	_ =	swait.ge [sflag:s3], $0x10000  }
0xa1: {  	[sflag:s3] =	ssyncset.done $0x0  }
0xa2: {  	[sflag:s3] =	ssyncadd.s32 $0xFFFF0000  }
0xa3: {  	[tilespmem:s2], [sflag:$0x2] =	stream.linear.gather [hbm4b:s17+s2], $0x200, $0x38;
	[tilespmem:$0x10200] =	vst v63  }
0xa4: {  	_ =	swait.ge [sflag:s3], $0x200  }
0xa5: {  	[sflag:s3] =	ssyncset.done $0x0  }
0xa6: {  	[sflag:s3] =	ssyncadd.s32 $0xFFFFFE00  }
0xa7: {  	[tilespmem:s6], [sflag:$0x1] =	stream.indirect.gather [hbm4b:s5+s6], $0x80, s2, s6, $0xb8;
	[tilespmem:$0x10200] =	vst v63  }
0xa8: {  	_ =	swait.ge [sflag:s7], $0x10000  }
0xa9: {  	[sflag:s7] =	ssyncset.done $0x0  }
0xaa: {  	[sflag:s7] =	ssyncadd.s32 $0xFFFF0000  }
0xab: {  	[hbm4b:s18+s2] =	stream.linear.scatter [tilespmem:s6], [sflag:$0x2], $0x10000, $0x38;
	[tilespmem:$0x10200] =	vst v63  }
0xac: {  	_ =	swait.ge [sflag:s3], $0x10000  }
0xad: {  	[sflag:s3] =	ssyncset.done $0x0  }
0xae: {  	[sflag:s3] =	ssyncadd.s32 $0xFFFF0000  }
0xaf: {  	[tilespmem:s2], [sflag:$0x2] =	stream.linear.gather [hbm4b:s19+s2], $0x200, $0x38;
	[tilespmem:$0x10200] =	vst v63  }
0xb0: {  	_ =	swait.ge [sflag:s3], $0x200  }
0xb1: {  	[sflag:s3] =	ssyncset.done $0x0  }
0xb2: {  	[sflag:s3] =	ssyncadd.s32 $0xFFFFFE00  }
0xb3: {  	[tilespmem:s6], [sflag:$0x1] =	stream.indirect.gather [hbm4b:s5+s6], $0x80, s2, s6, $0xb8;
	[tilespmem:$0x10200] =	vst v63  }
0xb4: {  	_ =	swait.ge [sflag:s7], $0x10000  }
0xb5: {  	[sflag:s7] =	ssyncset.done $0x0  }
0xb6: {  	[sflag:s7] =	ssyncadd.s32 $0xFFFF0000  }
0xb7: {  	[hbm4b:s20+s2] =	stream.linear.scatter [tilespmem:s6], [sflag:$0x2], $0x10000, $0x38;
	[tilespmem:$0x10200] =	vst v63  }
0xb8: {  	_ =	swait.ge [sflag:s3], $0x10000  }
0xb9: {  	[sflag:s3] =	ssyncset.done $0x0  }
0xba: {  	[sflag:s3] =	ssyncadd.s32 $0xFFFF0000  }
0xbb: {  	[tilespmem:s2], [sflag:$0x2] =	stream.linear.gather [hbm4b:s21+s2], $0x200, $0x38;
	[tilespmem:$0x10200] =	vst v63  }
0xbc: {  	_ =	swait.ge [sflag:s3], $0x200  }
0xbd: {  	[sflag:s3] =	ssyncset.done $0x0  }
0xbe: {  	[sflag:s3] =	ssyncadd.s32 $0xFFFFFE00  }
0xbf: {  	[tilespmem:s6], [sflag:$0x1] =	stream.indirect.gather [hbm4b:s5+s6], $0x80, s2, s6, $0xb8;
	[tilespmem:$0x10200] =	vst v63  }
0xc0: {  	_ =	swait.ge [sflag:s7], $0x10000  }
.Ltmp1:
0xc1: {  	[sflag:s7] =	ssyncset.done $0x0;
	(pc) =	sbr.rel @p0 .LBB2_1-.Ltmp1, $4  }
0xc2: {  	[sflag:s7] =	ssyncadd.s32 $0xFFFF0000  }
0xc3: {  	[hbm4b:s22+s2] =	stream.linear.scatter [tilespmem:s6], [sflag:$0x2], $0x10000, $0x38;
	[tilespmem:$0x10200] =	vst v63  }
0xc4: {  	_ =	swait.ge [sflag:s3], $0x10000  }
0xc5: {  	[sflag:s3] =	ssyncset.done $0x0  }
.LBB2_2:
0xc6: {  	[sflag:s3] =	ssyncadd.s32 $0xFFFF0000  }
0xc7: {  	_ =	sfence.sel $0x180000  }
0xc8: {  	[bflag:$0x0] =	sbarrier.arrive $0xFFFF  }
0xc9: {  	p0 =	sne.s32 s0, $0x0;
	_ =	strace $0x9000004D  }
0xca: {  	s0 =	sadd.s32 @!p0 $0x100000, s1;
	[bflag:$0x2] =	sbarrier.arrive $0xFFFF  }
0xcb: {  	[sflag:s0] =	ssyncadd.tile.s32 @!p0 $0x1;
	_ =	shalt  }
.Lfunc_end2:
_tile_overlayer_lowered:
.L_overlay_start_2:
0xcc: {  	(tag) =	ssettag $0x2  }
0xcd: {  	s0 =	rddreg [dreg:$0x0];
	s2 =	stileid.u32  }
0xce: {  	s1 =	rddreg [dreg:$0x1];
	p0 =	sne.s32 s2, $0x0  }
0xcf: {  	s3 =	rddreg [dreg:$0x2];
	[bflag:$0x3] =	sbarrier.arrive $0xFFFF;
	s2 =	simm.s32 @!p0 $0x1C02  }
0xd0: {  	[timem:s3], [sflag:s2] =	dma.local @!p0 [hbm:s0], s1  }
0xd1: {  	s0 =	simm.s32 @!p0 $0x2  }
0xd2: {  	_ =	swait.ge @!p0 [sflag:s0], s1  }
0xd3: {  	s1 =	ssub.s32 @!p0 $0x0, s1;
	[sflag:s0] =	ssyncset.done @!p0 $0x0  }
0xd4: {  	[sflag:s0] =	ssyncadd.s32 @!p0 s1  }
0xd5: {  	[bflag:$0x3] =	sbarrier.arrive $0xFFFF  }
0xd6: {  	_ =	shalt  }

</sc_bundles>
